<compile_context>
chip_gen: v7x
topology: tpu7x:2x2x1
jax: 0.10.2.dev20260603
libtpu: 0.0.44.dev20260713+nightly
codegen_flags: <defaults>
</compile_context>

<pallas_src>
import functools

import jax
import jax.numpy as jnp
from jax import lax
from jax.experimental import pallas as pl
from jax.experimental.pallas import tpu as pltpu
from jax.experimental.pallas import tpu_sc as plsc

N = 10000
D = 128
E = 320000

NC = 2
NS = 16
NW = NC * NS
EPW = E // NW
K = 80
C = EPW // K
NB = 5
N_PAD = 10240
RPT = N_PAD // NS
DEGW = 16

RB = 2000

_mesh = plsc.VectorSubcoreMesh(
    core_axis_name="c", subcore_axis_name="s", num_cores=NC, num_subcores=NS)



def _deg_body(ei_hbm, ones_hbm, zeros_hbm, deg_out, dst_v, ones_v, deg_sh,
              sem):
    cid = lax.axis_index("c")
    sid = lax.axis_index("s")
    wid = sid * NC + cid
    pltpu.sync_copy(zeros_hbm.at[pl.ds(sid * RPT, RPT)],
                    deg_sh.at[pl.ds(sid * RPT, RPT)])
    pltpu.sync_copy(ei_hbm.at[pl.ds(E + wid * EPW, EPW)], dst_v)
    pltpu.sync_copy(ones_hbm, ones_v)
    plsc.subcore_barrier()

    def chunk(j, carry):
        pltpu.async_copy(ones_v, deg_sh.at[dst_v.at[pl.ds(j * K, K)]],
                         sem, add=True)
        return carry

    lax.fori_loop(0, C, chunk, 0)

    def drain(j, carry):
        pltpu.make_async_copy(ones_v, deg_sh.at[dst_v.at[pl.ds(0, K)]],
                              sem).wait()
        return carry

    lax.fori_loop(0, C, drain, 0)
    plsc.subcore_barrier()
    pltpu.sync_copy(deg_sh.at[pl.ds(sid * RPT, RPT)],
                    deg_out.at[cid, pl.ds(sid * RPT, RPT)])


_deg_call = pl.kernel(
    _deg_body,
    out_type=jax.ShapeDtypeStruct((NC, N_PAD, DEGW), jnp.float32),
    mesh=_mesh,
    scratch_types=[
        pltpu.VMEM((EPW,), jnp.int32),
        pltpu.VMEM((K, DEGW), jnp.float32),
        pltpu.VMEM_SHARED((N_PAD, DEGW), jnp.float32),
        pltpu.SemaphoreType.DMA,
    ],
    compiler_params=pltpu.CompilerParams(use_tc_tiling_on_sc=False),
)



def _scat_body(g_hbm, ei_hbm, s_out,
               src_v, dst_v, rows, s_sh, gsems, ssems):
    cid = lax.axis_index("c")
    sid = lax.axis_index("s")
    wid = sid * NC + cid
    pltpu.async_copy(ei_hbm.at[pl.ds(wid * EPW, EPW)], src_v, gsems.at[1])
    pltpu.async_copy(ei_hbm.at[pl.ds(E + wid * EPW, EPW)], dst_v,
                     gsems.at[1])

    zv = jnp.zeros((32,), jnp.bfloat16)

    def zrow(r, carry):
        for cc in range(D // 32):
            rows[0, r, pl.ds(32 * cc, 32)] = zv
        return carry

    lax.fori_loop(0, K, zrow, 0)
    for t in range(RPT // K):
        pltpu.async_copy(rows.at[0],
                         s_sh.at[pl.ds(sid * RPT + t * K, K)], gsems.at[0])
    for t in range(RPT // K):
        pltpu.make_async_copy(rows.at[0],
                              s_sh.at[pl.ds(sid * RPT, K)], gsems.at[0]).wait()
    pltpu.make_async_copy(ei_hbm.at[pl.ds(wid * EPW, EPW)], src_v,
                          gsems.at[1]).wait()
    pltpu.make_async_copy(ei_hbm.at[pl.ds(E + wid * EPW, EPW)], dst_v,
                          gsems.at[1]).wait()
    plsc.subcore_barrier()

    for b in range(NB):
        pltpu.async_copy(g_hbm.at[src_v.at[pl.ds(b * K, K)]], rows.at[b],
                         gsems.at[b])

    def group(g, carry):
        base = g * NB
        for b in range(NB):
            j = base + b
            pltpu.make_async_copy(g_hbm.at[src_v.at[pl.ds(j * K, K)]],
                                  rows.at[b], gsems.at[b]).wait()
            pltpu.async_copy(rows.at[b], s_sh.at[dst_v.at[pl.ds(j * K, K)]],
                             ssems.at[b], add=True)
        for b in range(NB):
            j2 = base + NB + b

            @pl.when(j2 < C)
            def _(b=b, j2=j2):
                pltpu.make_async_copy(rows.at[b],
                                      s_sh.at[dst_v.at[pl.ds(0, K)]],
                                      ssems.at[b]).wait()
                pltpu.async_copy(g_hbm.at[src_v.at[pl.ds(j2 * K, K)]],
                                 rows.at[b], gsems.at[b])
        return carry

    lax.fori_loop(0, C // NB, group, 0)
    for b in range(NB):
        pltpu.make_async_copy(rows.at[b], s_sh.at[dst_v.at[pl.ds(0, K)]],
                              ssems.at[b]).wait()
    plsc.subcore_barrier()
    pltpu.sync_copy(s_sh.at[pl.ds(sid * RPT, RPT)],
                    s_out.at[cid, pl.ds(sid * RPT, RPT)])


_scat_call = pl.kernel(
    _scat_body,
    out_type=jax.ShapeDtypeStruct((NC, N_PAD, D), jnp.bfloat16),
    mesh=_mesh,
    scratch_types=[
        pltpu.VMEM((EPW,), jnp.int32),
        pltpu.VMEM((EPW,), jnp.int32),
        pltpu.VMEM((NB, K, D), jnp.bfloat16),
        pltpu.VMEM_SHARED((N_PAD, D), jnp.bfloat16),
        pltpu.SemaphoreType.DMA((NB,)),
        pltpu.SemaphoreType.DMA((NB,)),
    ],
    compiler_params=pltpu.CompilerParams(use_tc_tiling_on_sc=False),
)



def _mm_body(x_ref, w_ref, o_ref):
    o_ref[...] = jnp.dot(x_ref[...], w_ref[...],
                         preferred_element_type=jnp.float32)


def _matmul(x, w):
    return pl.pallas_call(
        _mm_body,
        grid=(N // RB,),
        in_specs=[pl.BlockSpec((RB, D), lambda i: (i, 0)),
                  pl.BlockSpec((D, D), lambda i: (0, 0))],
        out_specs=pl.BlockSpec((RB, D), lambda i: (i, 0)),
        out_shape=jax.ShapeDtypeStruct((N, D), jnp.float32),
    )(x, w)


def _dinv_of(deg_ref):
    d0 = deg_ref[0][:, 0:1]
    d1 = deg_ref[1][:, 0:1]
    return lax.rsqrt(d0 + d1 + 1.0)


def _mm_scale_body(deg_ref, x_ref, w_ref, g_ref, gb_ref):
    h = jnp.dot(x_ref[...], w_ref[...], preferred_element_type=jnp.float32)
    g = h * _dinv_of(deg_ref)
    g_ref[...] = g
    gb_ref[...] = g.astype(jnp.bfloat16)


def _mm_scale(deg_parts, x, w):
    return pl.pallas_call(
        _mm_scale_body,
        grid=(N // RB,),
        in_specs=[pl.BlockSpec((NC, RB, DEGW), lambda i: (0, i, 0)),
                  pl.BlockSpec((RB, D), lambda i: (i, 0)),
                  pl.BlockSpec((D, D), lambda i: (0, 0))],
        out_specs=[pl.BlockSpec((RB, D), lambda i: (i, 0)),
                   pl.BlockSpec((RB, D), lambda i: (i, 0))],
        out_shape=[jax.ShapeDtypeStruct((N, D), jnp.float32),
                   jax.ShapeDtypeStruct((N, D), jnp.bfloat16)],
    )(deg_parts, x, w)


def _combine_mm_body(s_ref, g_ref, deg_ref, b_ref, w_ref, o_ref, ob_ref):
    dinv = _dinv_of(deg_ref)
    s = s_ref[0].astype(jnp.float32) + s_ref[1].astype(jnp.float32)
    pre = (s + g_ref[...]) * dinv + b_ref[...]
    act = jnp.maximum(pre, 0.0)
    g2 = jnp.dot(act, w_ref[...],
                 preferred_element_type=jnp.float32) * dinv
    o_ref[...] = g2
    ob_ref[...] = g2.astype(jnp.bfloat16)


def _combine_mm(s_parts, g, deg_parts, b_row, w):
    return pl.pallas_call(
        _combine_mm_body,
        grid=(N // RB,),
        in_specs=[pl.BlockSpec((NC, RB, D), lambda i: (0, i, 0)),
                  pl.BlockSpec((RB, D), lambda i: (i, 0)),
                  pl.BlockSpec((NC, RB, DEGW), lambda i: (0, i, 0)),
                  pl.BlockSpec((1, D), lambda i: (0, 0)),
                  pl.BlockSpec((D, D), lambda i: (0, 0))],
        out_specs=[pl.BlockSpec((RB, D), lambda i: (i, 0)),
                   pl.BlockSpec((RB, D), lambda i: (i, 0))],
        out_shape=[jax.ShapeDtypeStruct((N, D), jnp.float32),
                   jax.ShapeDtypeStruct((N, D), jnp.bfloat16)],
    )(s_parts, g, deg_parts, b_row, w)


def _combine_body(s_ref, g_ref, deg_ref, b_ref, o_ref):
    dinv = _dinv_of(deg_ref)
    s = s_ref[0].astype(jnp.float32) + s_ref[1].astype(jnp.float32)
    pre = (s + g_ref[...]) * dinv + b_ref[...]
    o_ref[...] = jnp.maximum(pre, 0.0)


def _combine(s_parts, g, deg_parts, b_row):
    return pl.pallas_call(
        _combine_body,
        grid=(N // RB,),
        in_specs=[pl.BlockSpec((NC, RB, D), lambda i: (0, i, 0)),
                  pl.BlockSpec((RB, D), lambda i: (i, 0)),
                  pl.BlockSpec((NC, RB, DEGW), lambda i: (0, i, 0)),
                  pl.BlockSpec((1, D), lambda i: (0, 0))],
        out_specs=pl.BlockSpec((RB, D), lambda i: (i, 0)),
        out_shape=jax.ShapeDtypeStruct((N, D), jnp.float32),
    )(s_parts, g, deg_parts, b_row)


def kernel(x, edge_index, W1, b1, W2, b2):
    ei = edge_index.reshape(2 * E)
    ones_deg = jnp.ones((K, DEGW), jnp.float32)
    zeros_deg = jnp.zeros((N_PAD, DEGW), jnp.float32)

    deg_parts = _deg_call(ei, ones_deg, zeros_deg)
    g1, g1b = _mm_scale(deg_parts, x, W1)
    s_parts = _scat_call(g1b, ei)
    g2, g2b = _combine_mm(s_parts, g1, deg_parts, b1.reshape(1, D), W2)
    t_parts = _scat_call(g2b, ei)
    return _combine(t_parts, g2, deg_parts, b2.reshape(1, D))

# --- scband reference (transcript-rebuilt; emitter-appended) ---
"""Pipeline reference for scband-gcn-65274912964675 (READ-ONLY COPY).

The authoritative reference and input builder live on the scoring server;
editing this copy changes nothing except your own understanding.
"""

import jax, jax.numpy as jnp
import numpy as np

N = 10000
E = 320000
D = 128
H1 = 128
H2 = 128


def setup_inputs(seed: int = 0) -> dict:
    key = jax.random.key(seed)
    k1, k2, k3, k4, k5, k6 = jax.random.split(key, 6)
    x = jax.random.normal(k1, (N, D), dtype=jnp.float32)
    edge_index = jax.random.randint(k2, (2, E), 0, N, dtype=jnp.int32)
    W1 = jax.random.normal(k3, (D, H1), dtype=jnp.float32) * (1.0 / np.sqrt(D))
    b1 = jnp.zeros((H1,), dtype=jnp.float32)
    W2 = jax.random.normal(k4, (H1, H2), dtype=jnp.float32) * (1.0 / np.sqrt(H1))
    b2 = jnp.zeros((H2,), dtype=jnp.float32)
    return {"x": x, "edge_index": edge_index, "W1": W1, "b1": b1, "W2": W2, "b2": b2}


def gcn_conv(x, W, b, src, dst):
    # PyG GCNConv: linear transform, add self-loops, symmetric normalization,
    # scatter-add aggregation at destination nodes.
    n = x.shape[0]
    h = x @ W
    deg = jnp.zeros((n,), dtype=h.dtype).at[dst].add(1.0) + 1.0  # +1 for self-loop
    dinv = jax.lax.rsqrt(deg)
    norm = dinv[src] * dinv[dst]
    msg = h[src] * norm[:, None]
    out = jnp.zeros_like(h).at[dst].add(msg)
    out = out + h * (dinv * dinv)[:, None]  # self-loop contribution
    return out + b


def reference(x, edge_index, W1, b1, W2, b2):
    # dropout layers are identity in eval mode (training=False)
    src = edge_index[0]
    dst = edge_index[1]
    h = jax.nn.relu(gcn_conv(x, W1, b1, src, dst))
    out = jax.nn.relu(gcn_conv(h, W2, b2, src, dst))
    return out

if __name__ == "__main__":
    import jax
    _d = setup_inputs()
    print(jax.jit(kernel)(*tuple(_d.values())))

</pallas_src>

<mosaic_0001>
#map = affine_map<(d0, d1) -> (0, 0)>
#map1 = affine_map<(d0, d1) -> (0)>
#map2 = affine_map<(d0, d1) -> (0, 0, 0)>
module attributes {stable_mosaic.version = 14 : i64} {
  func.func @_scat_body(%arg0: i32, %arg1: i32, %arg2: memref<10000x128xbf16, #tpu.memory_space<hbm>>, %arg3: memref<640000xi32, #tpu.memory_space<hbm>>, %arg4: memref<2x10240x128xbf16, #tpu.memory_space<hbm>>, %arg5: memref<10000xi32, #tpu.memory_space<vmem>>, %arg6: memref<10000xi32, #tpu.memory_space<vmem>>, %arg7: memref<5x80x128xbf16, #tpu.memory_space<vmem>>, %arg8: memref<10240x128xbf16, #tpu.memory_space<vmem_shared>>, %arg9: memref<5x!tpu.dma_semaphore, #tpu.memory_space<semaphore_mem>>, %arg10: memref<5x!tpu.dma_semaphore, #tpu.memory_space<semaphore_mem>>) attributes {dimension_semantics = [#tpu.dimension_semantics<core_parallel>, #tpu.dimension_semantics<subcore_parallel>], iteration_bounds = array<i64: 2, 16>, scalar_prefetch = 0 : i64, scratch_operands = 6 : i64, tpu.core_type = #tpu.core_type<sc_vector_subcore>, window_params = [{transform_indices = #map}, {transform_indices = #map1}, {transform_indices = #map2}]} {
    %mul3A = arith.constant 2 : i32
    %mul3A_0 = arith.muli %arg1, %mul3A : i32
    %add3A = arith.addi %mul3A_0, %arg0 : i32
    %mul3A_1 = arith.constant 10000 : i32
    %mul3A_2 = arith.muli %add3A, %mul3A_1 : i32
    %dma_start3A = arith.constant 1 : i32
    %dma_start3A_3 = tpu.memref_slice %arg3[%mul3A_2] : memref<640000xi32, #tpu.memory_space<hbm>> -> memref<10000xi32, #tpu.memory_space<hbm>>
    %dma_start3A_4 = tpu.memref_slice %arg9[%dma_start3A] : memref<5x!tpu.dma_semaphore, #tpu.memory_space<semaphore_mem>> -> memref<1x!tpu.dma_semaphore, #tpu.memory_space<semaphore_mem>>
    %dma_start3A_5 = tpu.memref_squeeze %dma_start3A_4 : memref<1x!tpu.dma_semaphore, #tpu.memory_space<semaphore_mem>> -> memref<!tpu.dma_semaphore, #tpu.memory_space<semaphore_mem>>
    %dma_start3A_6 = tpu.memref_slice %arg3[%mul3A_2] : memref<640000xi32, #tpu.memory_space<hbm>> -> memref<10000xi32, #tpu.memory_space<hbm>>
    tpu.enqueue_dma source(%dma_start3A_6 : memref<10000xi32, #tpu.memory_space<hbm>>) target(%arg5 : memref<10000xi32, #tpu.memory_space<vmem>>) target_semaphore(%dma_start3A_5 : memref<!tpu.dma_semaphore, #tpu.memory_space<semaphore_mem>>)
    %mul3A_7 = arith.constant 10000 : i32
    %mul3A_8 = arith.muli %add3A, %mul3A_7 : i32
    %add3A_9 = arith.constant 320000 : i32
    %add3A_10 = arith.addi %add3A_9, %mul3A_8 : i32
    %dma_start3A_11 = arith.constant 1 : i32
    %dma_start3A_12 = tpu.memref_slice %arg3[%add3A_10] : memref<640000xi32, #tpu.memory_space<hbm>> -> memref<10000xi32, #tpu.memory_space<hbm>>
    %dma_start3A_13 = tpu.memref_slice %arg9[%dma_start3A_11] : memref<5x!tpu.dma_semaphore, #tpu.memory_space<semaphore_mem>> -> memref<1x!tpu.dma_semaphore, #tpu.memory_space<semaphore_mem>>
    %dma_start3A_14 = tpu.memref_squeeze %dma_start3A_13 : memref<1x!tpu.dma_semaphore, #tpu.memory_space<semaphore_mem>> -> memref<!tpu.dma_semaphore, #tpu.memory_space<semaphore_mem>>
    %dma_start3A_15 = tpu.memref_slice %arg3[%add3A_10] : memref<640000xi32, #tpu.memory_space<hbm>> -> memref<10000xi32, #tpu.memory_space<hbm>>
    tpu.enqueue_dma source(%dma_start3A_15 : memref<10000xi32, #tpu.memory_space<hbm>>) target(%arg6 : memref<10000xi32, #tpu.memory_space<vmem>>) target_semaphore(%dma_start3A_14 : memref<!tpu.dma_semaphore, #tpu.memory_space<semaphore_mem>>)
    %broadcast_in_dim3A = arith.constant 0.000000e+00 : bf16
    %broadcast_in_dim3A_16 = vector.broadcast %broadcast_in_dim3A : bf16 to vector<32xbf16>
    %scan3A = arith.constant 0 : i32
    %scan3A_17 = arith.constant 0 : i32
    %scan3A_18 = arith.constant 80 : i32
    %scan3A_19 = arith.addi %scan3A_17, %scan3A_18 : i32
    %scan3A_20 = arith.constant 1 : i32
    scf.for %scan3A_482 = %scan3A_17 to %scan3A_19 step %scan3A_20  : i32 {
      %swap3A = arith.constant 0 : i32
      %swap3A_483 = arith.index_cast %swap3A : i32 to index
      %swap3A_484 = arith.index_cast %scan3A_482 : i32 to index
      %swap3A_485 = arith.constant 0 : index
      %swap3A_486 = tpu.vector_load %arg7[%swap3A_483, %swap3A_484, %swap3A_485] {strides = array<i32>} : memref<5x80x128xbf16, #tpu.memory_space<vmem>>, vector<1x1x32xbf16>,
      %swap3A_487 = vector.shape_cast %swap3A_486 : vector<1x1x32xbf16> to vector<32xbf16>
      %swap3A_488 = vector.shape_cast %broadcast_in_dim3A_16 : vector<32xbf16> to vector<1x1x32xbf16>
      tpu.vector_store %arg7[%swap3A_483, %swap3A_484, %swap3A_485], %swap3A_488 {strides = array<i32>} : memref<5x80x128xbf16, #tpu.memory_space<vmem>>, vector<1x1x32xbf16>,
      %swap3A_489 = arith.constant 0 : i32
      %swap3A_490 = arith.index_cast %swap3A_489 : i32 to index
      %swap3A_491 = arith.index_cast %scan3A_482 : i32 to index
      %swap3A_492 = arith.constant 32 : index
      %swap3A_493 = tpu.vector_load %arg7[%swap3A_490, %swap3A_491, %swap3A_492] {strides = array<i32>} : memref<5x80x128xbf16, #tpu.memory_space<vmem>>, vector<1x1x32xbf16>,
      %swap3A_494 = vector.shape_cast %swap3A_493 : vector<1x1x32xbf16> to vector<32xbf16>
      %swap3A_495 = vector.shape_cast %broadcast_in_dim3A_16 : vector<32xbf16> to vector<1x1x32xbf16>
      tpu.vector_store %arg7[%swap3A_490, %swap3A_491, %swap3A_492], %swap3A_495 {strides = array<i32>} : memref<5x80x128xbf16, #tpu.memory_space<vmem>>, vector<1x1x32xbf16>,
      %swap3A_496 = arith.constant 0 : i32
      %swap3A_497 = arith.index_cast %swap3A_496 : i32 to index
      %swap3A_498 = arith.index_cast %scan3A_482 : i32 to index
      %swap3A_499 = arith.constant 64 : index
      %swap3A_500 = tpu.vector_load %arg7[%swap3A_497, %swap3A_498, %swap3A_499] {strides = array<i32>} : memref<5x80x128xbf16, #tpu.memory_space<vmem>>, vector<1x1x32xbf16>,
      %swap3A_501 = vector.shape_cast %swap3A_500 : vector<1x1x32xbf16> to vector<32xbf16>
      %swap3A_502 = vector.shape_cast %broadcast_in_dim3A_16 : vector<32xbf16> to vector<1x1x32xbf16>
      tpu.vector_store %arg7[%swap3A_497, %swap3A_498, %swap3A_499], %swap3A_502 {strides = array<i32>} : memref<5x80x128xbf16, #tpu.memory_space<vmem>>, vector<1x1x32xbf16>,
      %swap3A_503 = arith.constant 0 : i32
      %swap3A_504 = arith.index_cast %swap3A_503 : i32 to index
      %swap3A_505 = arith.index_cast %scan3A_482 : i32 to index
      %swap3A_506 = arith.constant 96 : index
      %swap3A_507 = tpu.vector_load %arg7[%swap3A_504, %swap3A_505, %swap3A_506] {strides = array<i32>} : memref<5x80x128xbf16, #tpu.memory_space<vmem>>, vector<1x1x32xbf16>,
      %swap3A_508 = vector.shape_cast %swap3A_507 : vector<1x1x32xbf16> to vector<32xbf16>
      %swap3A_509 = vector.shape_cast %broadcast_in_dim3A_16 : vector<32xbf16> to vector<1x1x32xbf16>
      tpu.vector_store %arg7[%swap3A_504, %swap3A_505, %swap3A_506], %swap3A_509 {strides = array<i32>} : memref<5x80x128xbf16, #tpu.memory_space<vmem>>, vector<1x1x32xbf16>,
    }
    %scan3A_21 = arith.constant 80 : i32
    %mul3A_22 = arith.constant 640 : i32
    %mul3A_23 = arith.muli %arg1, %mul3A_22 : i32
    %add3A_24 = arith.constant 0 : i32
    %add3A_25 = arith.addi %mul3A_23, %add3A_24 : i32
    %dma_start3A_26 = arith.constant 0 : i32
    %dma_start3A_27 = arith.constant 0 : i32
    %dma_start3A_28 = arith.constant 0 : i32
    %dma_start3A_29 = arith.constant 0 : i32
    %dma_start3A_30 = tpu.memref_slice %arg7[%dma_start3A_26, %dma_start3A_28, %dma_start3A_29] : memref<5x80x128xbf16, #tpu.memory_space<vmem>> -> memref<1x80x128xbf16, #tpu.memory_space<vmem>>
    %dma_start3A_31 = tpu.memref_squeeze %dma_start3A_30 : memref<1x80x128xbf16, #tpu.memory_space<vmem>> -> memref<80x128xbf16, #tpu.memory_space<vmem>>
    %dma_start3A_32 = arith.constant 0 : i32
    %dma_start3A_33 = tpu.memref_slice %arg8[%add3A_25, %dma_start3A_32] : memref<10240x128xbf16, #tpu.memory_space<vmem_shared>> -> memref<80x128xbf16, #tpu.memory_space<vmem_shared>>
    %dma_start3A_34 = tpu.memref_slice %arg9[%dma_start3A_27] : memref<5x!tpu.dma_semaphore, #tpu.memory_space<semaphore_mem>> -> memref<1x!tpu.dma_semaphore, #tpu.memory_space<semaphore_mem>>
    %dma_start3A_35 = tpu.memref_squeeze %dma_start3A_34 : memref<1x!tpu.dma_semaphore, #tpu.memory_space<semaphore_mem>> -> memref<!tpu.dma_semaphore, #tpu.memory_space<semaphore_mem>>
    %dma_start3A_36 = arith.constant 0 : i32
    %dma_start3A_37 = tpu.memref_slice %arg8[%add3A_25, %dma_start3A_36] : memref<10240x128xbf16, #tpu.memory_space<vmem_shared>> -> memref<80x128xbf16, #tpu.memory_space<vmem_shared>>
    %dma_start3A_38 = arith.constant 0 : i32
    %dma_start3A_39 = arith.constant 0 : i32
    %dma_start3A_40 = tpu.memref_slice %arg7[%dma_start3A_26, %dma_start3A_38, %dma_start3A_39] : memref<5x80x128xbf16, #tpu.memory_space<vmem>> -> memref<1x80x128xbf16, #tpu.memory_space<vmem>>
    %dma_start3A_41 = tpu.memref_squeeze %dma_start3A_40 : memref<1x80x128xbf16, #tpu.memory_space<vmem>> -> memref<80x128xbf16, #tpu.memory_space<vmem>>
    tpu.enqueue_dma source(%dma_start3A_41 : memref<80x128xbf16, #tpu.memory_space<vmem>>) target(%dma_start3A_37 : memref<80x128xbf16, #tpu.memory_space<vmem_shared>>) target_semaphore(%dma_start3A_35 : memref<!tpu.dma_semaphore, #tpu.memory_space<semaphore_mem>>)
    %mul3A_42 = arith.constant 640 : i32
    %mul3A_43 = arith.muli %arg1, %mul3A_42 : i32
    %add3A_44 = arith.constant 80 : i32
    %add3A_45 = arith.addi %mul3A_43, %add3A_44 : i32
    %dma_start3A_46 = arith.constant 0 : i32
    %dma_start3A_47 = arith.constant 0 : i32
    %dma_start3A_48 = arith.constant 0 : i32
    %dma_start3A_49 = arith.constant 0 : i32
    %dma_start3A_50 = tpu.memref_slice %arg7[%dma_start3A_46, %dma_start3A_48, %dma_start3A_49] : memref<5x80x128xbf16, #tpu.memory_space<vmem>> -> memref<1x80x128xbf16, #tpu.memory_space<vmem>>
    %dma_start3A_51 = tpu.memref_squeeze %dma_start3A_50 : memref<1x80x128xbf16, #tpu.memory_space<vmem>> -> memref<80x128xbf16, #tpu.memory_space<vmem>>
    %dma_start3A_52 = arith.constant 0 : i32
    %dma_start3A_53 = tpu.memref_slice %arg8[%add3A_45, %dma_start3A_52] : memref<10240x128xbf16, #tpu.memory_space<vmem_shared>> -> memref<80x128xbf16, #tpu.memory_space<vmem_shared>>
    %dma_start3A_54 = tpu.memref_slice %arg9[%dma_start3A_47] : memref<5x!tpu.dma_semaphore, #tpu.memory_space<semaphore_mem>> -> memref<1x!tpu.dma_semaphore, #tpu.memory_space<semaphore_mem>>
    %dma_start3A_55 = tpu.memref_squeeze %dma_start3A_54 : memref<1x!tpu.dma_semaphore, #tpu.memory_space<semaphore_mem>> -> memref<!tpu.dma_semaphore, #tpu.memory_space<semaphore_mem>>
    %dma_start3A_56 = arith.constant 0 : i32
    %dma_start3A_57 = tpu.memref_slice %arg8[%add3A_45, %dma_start3A_56] : memref<10240x128xbf16, #tpu.memory_space<vmem_shared>> -> memref<80x128xbf16, #tpu.memory_space<vmem_shared>>
    %dma_start3A_58 = arith.constant 0 : i32
    %dma_start3A_59 = arith.constant 0 : i32
    %dma_start3A_60 = tpu.memref_slice %arg7[%dma_start3A_46, %dma_start3A_58, %dma_start3A_59] : memref<5x80x128xbf16, #tpu.memory_space<vmem>> -> memref<1x80x128xbf16, #tpu.memory_space<vmem>>
    %dma_start3A_61 = tpu.memref_squeeze %dma_start3A_60 : memref<1x80x128xbf16, #tpu.memory_space<vmem>> -> memref<80x128xbf16, #tpu.memory_space<vmem>>
    tpu.enqueue_dma source(%dma_start3A_61 : memref<80x128xbf16, #tpu.memory_space<vmem>>) target(%dma_start3A_57 : memref<80x128xbf16, #tpu.memory_space<vmem_shared>>) target_semaphore(%dma_start3A_55 : memref<!tpu.dma_semaphore, #tpu.memory_space<semaphore_mem>>)
    %mul3A_62 = arith.constant 640 : i32
    %mul3A_63 = arith.muli %arg1, %mul3A_62 : i32
    %add3A_64 = arith.constant 160 : i32
    %add3A_65 = arith.addi %mul3A_63, %add3A_64 : i32
    %dma_start3A_66 = arith.constant 0 : i32
    %dma_start3A_67 = arith.constant 0 : i32
    %dma_start3A_68 = arith.constant 0 : i32
    %dma_start3A_69 = arith.constant 0 : i32
    %dma_start3A_70 = tpu.memref_slice %arg7[%dma_start3A_66, %dma_start3A_68, %dma_start3A_69] : memref<5x80x128xbf16, #tpu.memory_space<vmem>> -> memref<1x80x128xbf16, #tpu.memory_space<vmem>>
    %dma_start3A_71 = tpu.memref_squeeze %dma_start3A_70 : memref<1x80x128xbf16, #tpu.memory_space<vmem>> -> memref<80x128xbf16, #tpu.memory_space<vmem>>
    %dma_start3A_72 = arith.constant 0 : i32
    %dma_start3A_73 = tpu.memref_slice %arg8[%add3A_65, %dma_start3A_72] : memref<10240x128xbf16, #tpu.memory_space<vmem_shared>> -> memref<80x128xbf16, #tpu.memory_space<vmem_shared>>
    %dma_start3A_74 = tpu.memref_slice %arg9[%dma_start3A_67] : memref<5x!tpu.dma_semaphore, #tpu.memory_space<semaphore_mem>> -> memref<1x!tpu.dma_semaphore, #tpu.memory_space<semaphore_mem>>
    %dma_start3A_75 = tpu.memref_squeeze %dma_start3A_74 : memref<1x!tpu.dma_semaphore, #tpu.memory_space<semaphore_mem>> -> memref<!tpu.dma_semaphore, #tpu.memory_space<semaphore_mem>>
    %dma_start3A_76 = arith.constant 0 : i32
    %dma_start3A_77 = tpu.memref_slice %arg8[%add3A_65, %dma_start3A_76] : memref<10240x128xbf16, #tpu.memory_space<vmem_shared>> -> memref<80x128xbf16, #tpu.memory_space<vmem_shared>>
    %dma_start3A_78 = arith.constant 0 : i32
    %dma_start3A_79 = arith.constant 0 : i32
    %dma_start3A_80 = tpu.memref_slice %arg7[%dma_start3A_66, %dma_start3A_78, %dma_start3A_79] : memref<5x80x128xbf16, #tpu.memory_space<vmem>> -> memref<1x80x128xbf16, #tpu.memory_space<vmem>>
    %dma_start3A_81 = tpu.memref_squeeze %dma_start3A_80 : memref<1x80x128xbf16, #tpu.memory_space<vmem>> -> memref<80x128xbf16, #tpu.memory_space<vmem>>
    tpu.enqueue_dma source(%dma_start3A_81 : memref<80x128xbf16, #tpu.memory_space<vmem>>) target(%dma_start3A_77 : memref<80x128xbf16, #tpu.memory_space<vmem_shared>>) target_semaphore(%dma_start3A_75 : memref<!tpu.dma_semaphore, #tpu.memory_space<semaphore_mem>>)
    %mul3A_82 = arith.constant 640 : i32
    %mul3A_83 = arith.muli %arg1, %mul3A_82 : i32
    %add3A_84 = arith.constant 240 : i32
    %add3A_85 = arith.addi %mul3A_83, %add3A_84 : i32
    %dma_start3A_86 = arith.constant 0 : i32
    %dma_start3A_87 = arith.constant 0 : i32
    %dma_start3A_88 = arith.constant 0 : i32
    %dma_start3A_89 = arith.constant 0 : i32
    %dma_start3A_90 = tpu.memref_slice %arg7[%dma_start3A_86, %dma_start3A_88, %dma_start3A_89] : memref<5x80x128xbf16, #tpu.memory_space<vmem>> -> memref<1x80x128xbf16, #tpu.memory_space<vmem>>
    %dma_start3A_91 = tpu.memref_squeeze %dma_start3A_90 : memref<1x80x128xbf16, #tpu.memory_space<vmem>> -> memref<80x128xbf16, #tpu.memory_space<vmem>>
    %dma_start3A_92 = arith.constant 0 : i32
    %dma_start3A_93 = tpu.memref_slice %arg8[%add3A_85, %dma_start3A_92] : memref<10240x128xbf16, #tpu.memory_space<vmem_shared>> -> memref<80x128xbf16, #tpu.memory_space<vmem_shared>>
    %dma_start3A_94 = tpu.memref_slice %arg9[%dma_start3A_87] : memref<5x!tpu.dma_semaphore, #tpu.memory_space<semaphore_mem>> -> memref<1x!tpu.dma_semaphore, #tpu.memory_space<semaphore_mem>>
    %dma_start3A_95 = tpu.memref_squeeze %dma_start3A_94 : memref<1x!tpu.dma_semaphore, #tpu.memory_space<semaphore_mem>> -> memref<!tpu.dma_semaphore, #tpu.memory_space<semaphore_mem>>
    %dma_start3A_96 = arith.constant 0 : i32
    %dma_start3A_97 = tpu.memref_slice %arg8[%add3A_85, %dma_start3A_96] : memref<10240x128xbf16, #tpu.memory_space<vmem_shared>> -> memref<80x128xbf16, #tpu.memory_space<vmem_shared>>
    %dma_start3A_98 = arith.constant 0 : i32
    %dma_start3A_99 = arith.constant 0 : i32
    %dma_start3A_100 = tpu.memref_slice %arg7[%dma_start3A_86, %dma_start3A_98, %dma_start3A_99] : memref<5x80x128xbf16, #tpu.memory_space<vmem>> -> memref<1x80x128xbf16, #tpu.memory_space<vmem>>
    %dma_start3A_101 = tpu.memref_squeeze %dma_start3A_100 : memref<1x80x128xbf16, #tpu.memory_space<vmem>> -> memref<80x128xbf16, #tpu.memory_space<vmem>>
    tpu.enqueue_dma source(%dma_start3A_101 : memref<80x128xbf16, #tpu.memory_space<vmem>>) target(%dma_start3A_97 : memref<80x128xbf16, #tpu.memory_space<vmem_shared>>) target_semaphore(%dma_start3A_95 : memref<!tpu.dma_semaphore, #tpu.memory_space<semaphore_mem>>)
    %mul3A_102 = arith.constant 640 : i32
    %mul3A_103 = arith.muli %arg1, %mul3A_102 : i32
    %add3A_104 = arith.constant 320 : i32
    %add3A_105 = arith.addi %mul3A_103, %add3A_104 : i32
    %dma_start3A_106 = arith.constant 0 : i32
    %dma_start3A_107 = arith.constant 0 : i32
    %dma_start3A_108 = arith.constant 0 : i32
    %dma_start3A_109 = arith.constant 0 : i32
    %dma_start3A_110 = tpu.memref_slice %arg7[%dma_start3A_106, %dma_start3A_108, %dma_start3A_109] : memref<5x80x128xbf16, #tpu.memory_space<vmem>> -> memref<1x80x128xbf16, #tpu.memory_space<vmem>>
    %dma_start3A_111 = tpu.memref_squeeze %dma_start3A_110 : memref<1x80x128xbf16, #tpu.memory_space<vmem>> -> memref<80x128xbf16, #tpu.memory_space<vmem>>
    %dma_start3A_112 = arith.constant 0 : i32
    %dma_start3A_113 = tpu.memref_slice %arg8[%add3A_105, %dma_start3A_112] : memref<10240x128xbf16, #tpu.memory_space<vmem_shared>> -> memref<80x128xbf16, #tpu.memory_space<vmem_shared>>
    %dma_start3A_114 = tpu.memref_slice %arg9[%dma_start3A_107] : memref<5x!tpu.dma_semaphore, #tpu.memory_space<semaphore_mem>> -> memref<1x!tpu.dma_semaphore, #tpu.memory_space<semaphore_mem>>
    %dma_start3A_115 = tpu.memref_squeeze %dma_start3A_114 : memref<1x!tpu.dma_semaphore, #tpu.memory_space<semaphore_mem>> -> memref<!tpu.dma_semaphore, #tpu.memory_space<semaphore_mem>>
    %dma_start3A_116 = arith.constant 0 : i32
    %dma_start3A_117 = tpu.memref_slice %arg8[%add3A_105, %dma_start3A_116] : memref<10240x128xbf16, #tpu.memory_space<vmem_shared>> -> memref<80x128xbf16, #tpu.memory_space<vmem_shared>>
    %dma_start3A_118 = arith.constant 0 : i32
    %dma_start3A_119 = arith.constant 0 : i32
    %dma_start3A_120 = tpu.memref_slice %arg7[%dma_start3A_106, %dma_start3A_118, %dma_start3A_119] : memref<5x80x128xbf16, #tpu.memory_space<vmem>> -> memref<1x80x128xbf16, #tpu.memory_space<vmem>>
    %dma_start3A_121 = tpu.memref_squeeze %dma_start3A_120 : memref<1x80x128xbf16, #tpu.memory_space<vmem>> -> memref<80x128xbf16, #tpu.memory_space<vmem>>
    tpu.enqueue_dma source(%dma_start3A_121 : memref<80x128xbf16, #tpu.memory_space<vmem>>) target(%dma_start3A_117 : memref<80x128xbf16, #tpu.memory_space<vmem_shared>>) target_semaphore(%dma_start3A_115 : memref<!tpu.dma_semaphore, #tpu.memory_space<semaphore_mem>>)
    %mul3A_122 = arith.constant 640 : i32
    %mul3A_123 = arith.muli %arg1, %mul3A_122 : i32
    %add3A_124 = arith.constant 400 : i32
    %add3A_125 = arith.addi %mul3A_123, %add3A_124 : i32
    %dma_start3A_126 = arith.constant 0 : i32
    %dma_start3A_127 = arith.constant 0 : i32
    %dma_start3A_128 = arith.constant 0 : i32
    %dma_start3A_129 = arith.constant 0 : i32
    %dma_start3A_130 = tpu.memref_slice %arg7[%dma_start3A_126, %dma_start3A_128, %dma_start3A_129] : memref<5x80x128xbf16, #tpu.memory_space<vmem>> -> memref<1x80x128xbf16, #tpu.memory_space<vmem>>
    %dma_start3A_131 = tpu.memref_squeeze %dma_start3A_130 : memref<1x80x128xbf16, #tpu.memory_space<vmem>> -> memref<80x128xbf16, #tpu.memory_space<vmem>>
    %dma_start3A_132 = arith.constant 0 : i32
    %dma_start3A_133 = tpu.memref_slice %arg8[%add3A_125, %dma_start3A_132] : memref<10240x128xbf16, #tpu.memory_space<vmem_shared>> -> memref<80x128xbf16, #tpu.memory_space<vmem_shared>>
    %dma_start3A_134 = tpu.memref_slice %arg9[%dma_start3A_127] : memref<5x!tpu.dma_semaphore, #tpu.memory_space<semaphore_mem>> -> memref<1x!tpu.dma_semaphore, #tpu.memory_space<semaphore_mem>>
    %dma_start3A_135 = tpu.memref_squeeze %dma_start3A_134 : memref<1x!tpu.dma_semaphore, #tpu.memory_space<semaphore_mem>> -> memref<!tpu.dma_semaphore, #tpu.memory_space<semaphore_mem>>
    %dma_start3A_136 = arith.constant 0 : i32
    %dma_start3A_137 = tpu.memref_slice %arg8[%add3A_125, %dma_start3A_136] : memref<10240x128xbf16, #tpu.memory_space<vmem_shared>> -> memref<80x128xbf16, #tpu.memory_space<vmem_shared>>
    %dma_start3A_138 = arith.constant 0 : i32
    %dma_start3A_139 = arith.constant 0 : i32
    %dma_start3A_140 = tpu.memref_slice %arg7[%dma_start3A_126, %dma_start3A_138, %dma_start3A_139] : memref<5x80x128xbf16, #tpu.memory_space<vmem>> -> memref<1x80x128xbf16, #tpu.memory_space<vmem>>
    %dma_start3A_141 = tpu.memref_squeeze %dma_start3A_140 : memref<1x80x128xbf16, #tpu.memory_space<vmem>> -> memref<80x128xbf16, #tpu.memory_space<vmem>>
    tpu.enqueue_dma source(%dma_start3A_141 : memref<80x128xbf16, #tpu.memory_space<vmem>>) target(%dma_start3A_137 : memref<80x128xbf16, #tpu.memory_space<vmem_shared>>) target_semaphore(%dma_start3A_135 : memref<!tpu.dma_semaphore, #tpu.memory_space<semaphore_mem>>)
    %mul3A_142 = arith.constant 640 : i32
    %mul3A_143 = arith.muli %arg1, %mul3A_142 : i32
    %add3A_144 = arith.constant 480 : i32
    %add3A_145 = arith.addi %mul3A_143, %add3A_144 : i32
    %dma_start3A_146 = arith.constant 0 : i32
    %dma_start3A_147 = arith.constant 0 : i32
    %dma_start3A_148 = arith.constant 0 : i32
    %dma_start3A_149 = arith.constant 0 : i32
    %dma_start3A_150 = tpu.memref_slice %arg7[%dma_start3A_146, %dma_start3A_148, %dma_start3A_149] : memref<5x80x128xbf16, #tpu.memory_space<vmem>> -> memref<1x80x128xbf16, #tpu.memory_space<vmem>>
    %dma_start3A_151 = tpu.memref_squeeze %dma_start3A_150 : memref<1x80x128xbf16, #tpu.memory_space<vmem>> -> memref<80x128xbf16, #tpu.memory_space<vmem>>
    %dma_start3A_152 = arith.constant 0 : i32
    %dma_start3A_153 = tpu.memref_slice %arg8[%add3A_145, %dma_start3A_152] : memref<10240x128xbf16, #tpu.memory_space<vmem_shared>> -> memref<80x128xbf16, #tpu.memory_space<vmem_shared>>
    %dma_start3A_154 = tpu.memref_slice %arg9[%dma_start3A_147] : memref<5x!tpu.dma_semaphore, #tpu.memory_space<semaphore_mem>> -> memref<1x!tpu.dma_semaphore, #tpu.memory_space<semaphore_mem>>
    %dma_start3A_155 = tpu.memref_squeeze %dma_start3A_154 : memref<1x!tpu.dma_semaphore, #tpu.memory_space<semaphore_mem>> -> memref<!tpu.dma_semaphore, #tpu.memory_space<semaphore_mem>>
    %dma_start3A_156 = arith.constant 0 : i32
    %dma_start3A_157 = tpu.memref_slice %arg8[%add3A_145, %dma_start3A_156] : memref<10240x128xbf16, #tpu.memory_space<vmem_shared>> -> memref<80x128xbf16, #tpu.memory_space<vmem_shared>>
    %dma_start3A_158 = arith.constant 0 : i32
    %dma_start3A_159 = arith.constant 0 : i32
    %dma_start3A_160 = tpu.memref_slice %arg7[%dma_start3A_146, %dma_start3A_158, %dma_start3A_159] : memref<5x80x128xbf16, #tpu.memory_space<vmem>> -> memref<1x80x128xbf16, #tpu.memory_space<vmem>>
    %dma_start3A_161 = tpu.memref_squeeze %dma_start3A_160 : memref<1x80x128xbf16, #tpu.memory_space<vmem>> -> memref<80x128xbf16, #tpu.memory_space<vmem>>
    tpu.enqueue_dma source(%dma_start3A_161 : memref<80x128xbf16, #tpu.memory_space<vmem>>) target(%dma_start3A_157 : memref<80x128xbf16, #tpu.memory_space<vmem_shared>>) target_semaphore(%dma_start3A_155 : memref<!tpu.dma_semaphore, #tpu.memory_space<semaphore_mem>>)
    %mul3A_162 = arith.constant 640 : i32
    %mul3A_163 = arith.muli %arg1, %mul3A_162 : i32
    %add3A_164 = arith.constant 560 : i32
    %add3A_165 = arith.addi %mul3A_163, %add3A_164 : i32
    %dma_start3A_166 = arith.constant 0 : i32
    %dma_start3A_167 = arith.constant 0 : i32
    %dma_start3A_168 = arith.constant 0 : i32
    %dma_start3A_169 = arith.constant 0 : i32
    %dma_start3A_170 = tpu.memref_slice %arg7[%dma_start3A_166, %dma_start3A_168, %dma_start3A_169] : memref<5x80x128xbf16, #tpu.memory_space<vmem>> -> memref<1x80x128xbf16, #tpu.memory_space<vmem>>
    %dma_start3A_171 = tpu.memref_squeeze %dma_start3A_170 : memref<1x80x128xbf16, #tpu.memory_space<vmem>> -> memref<80x128xbf16, #tpu.memory_space<vmem>>
    %dma_start3A_172 = arith.constant 0 : i32
    %dma_start3A_173 = tpu.memref_slice %arg8[%add3A_165, %dma_start3A_172] : memref<10240x128xbf16, #tpu.memory_space<vmem_shared>> -> memref<80x128xbf16, #tpu.memory_space<vmem_shared>>
    %dma_start3A_174 = tpu.memref_slice %arg9[%dma_start3A_167] : memref<5x!tpu.dma_semaphore, #tpu.memory_space<semaphore_mem>> -> memref<1x!tpu.dma_semaphore, #tpu.memory_space<semaphore_mem>>
    %dma_start3A_175 = tpu.memref_squeeze %dma_start3A_174 : memref<1x!tpu.dma_semaphore, #tpu.memory_space<semaphore_mem>> -> memref<!tpu.dma_semaphore, #tpu.memory_space<semaphore_mem>>
    %dma_start3A_176 = arith.constant 0 : i32
    %dma_start3A_177 = tpu.memref_slice %arg8[%add3A_165, %dma_start3A_176] : memref<10240x128xbf16, #tpu.memory_space<vmem_shared>> -> memref<80x128xbf16, #tpu.memory_space<vmem_shared>>
    %dma_start3A_178 = arith.constant 0 : i32
    %dma_start3A_179 = arith.constant 0 : i32
    %dma_start3A_180 = tpu.memref_slice %arg7[%dma_start3A_166, %dma_start3A_178, %dma_start3A_179] : memref<5x80x128xbf16, #tpu.memory_space<vmem>> -> memref<1x80x128xbf16, #tpu.memory_space<vmem>>
    %dma_start3A_181 = tpu.memref_squeeze %dma_start3A_180 : memref<1x80x128xbf16, #tpu.memory_space<vmem>> -> memref<80x128xbf16, #tpu.memory_space<vmem>>
    tpu.enqueue_dma source(%dma_start3A_181 : memref<80x128xbf16, #tpu.memory_space<vmem>>) target(%dma_start3A_177 : memref<80x128xbf16, #tpu.memory_space<vmem_shared>>) target_semaphore(%dma_start3A_175 : memref<!tpu.dma_semaphore, #tpu.memory_space<semaphore_mem>>)
    %mul3A_182 = arith.constant 640 : i32
    %mul3A_183 = arith.muli %arg1, %mul3A_182 : i32
    %dma_wait3A = arith.constant 0 : i32
    %dma_wait3A_184 = arith.constant 0 : i32
    %dma_wait3A_185 = arith.constant 0 : i32
    %dma_wait3A_186 = arith.constant 0 : i32
    %dma_wait3A_187 = tpu.memref_slice %arg7[%dma_wait3A, %dma_wait3A_185, %dma_wait3A_186] : memref<5x80x128xbf16, #tpu.memory_space<vmem>> -> memref<1x80x128xbf16, #tpu.memory_space<vmem>>
    %dma_wait3A_188 = tpu.memref_squeeze %dma_wait3A_187 : memref<1x80x128xbf16, #tpu.memory_space<vmem>> -> memref<80x128xbf16, #tpu.memory_space<vmem>>
    %dma_wait3A_189 = arith.constant 0 : i32
    %dma_wait3A_190 = tpu.memref_slice %arg8[%mul3A_183, %dma_wait3A_189] : memref<10240x128xbf16, #tpu.memory_space<vmem_shared>> -> memref<80x128xbf16, #tpu.memory_space<vmem_shared>>
    %dma_wait3A_191 = tpu.memref_slice %arg9[%dma_wait3A_184] : memref<5x!tpu.dma_semaphore, #tpu.memory_space<semaphore_mem>> -> memref<1x!tpu.dma_semaphore, #tpu.memory_space<semaphore_mem>>
    %dma_wait3A_192 = tpu.memref_squeeze %dma_wait3A_191 : memref<1x!tpu.dma_semaphore, #tpu.memory_space<semaphore_mem>> -> memref<!tpu.dma_semaphore, #tpu.memory_space<semaphore_mem>>
    %dma_wait3A_193 = arith.constant 0 : i32
    %dma_wait3A_194 = tpu.memref_slice %arg8[%mul3A_183, %dma_wait3A_193] : memref<10240x128xbf16, #tpu.memory_space<vmem_shared>> -> memref<80x128xbf16, #tpu.memory_space<vmem_shared>>
    %dma_wait3A_195 = arith.constant 0 : i32
    %dma_wait3A_196 = arith.constant 0 : i32
    %dma_wait3A_197 = tpu.memref_slice %arg7[%dma_wait3A, %dma_wait3A_195, %dma_wait3A_196] : memref<5x80x128xbf16, #tpu.memory_space<vmem>> -> memref<1x80x128xbf16, #tpu.memory_space<vmem>>
    %dma_wait3A_198 = tpu.memref_squeeze %dma_wait3A_197 : memref<1x80x128xbf16, #tpu.memory_space<vmem>> -> memref<80x128xbf16, #tpu.memory_space<vmem>>
    tpu.wait_dma2 semaphore(%dma_wait3A_192 : memref<!tpu.dma_semaphore, #tpu.memory_space<semaphore_mem>>) src(%dma_wait3A_198 : memref<80x128xbf16, #tpu.memory_space<vmem>>) dst(%dma_wait3A_194 : memref<80x128xbf16, #tpu.memory_space<vmem_shared>>)
    %mul3A_199 = arith.constant 640 : i32
    %mul3A_200 = arith.muli %arg1, %mul3A_199 : i32
    %dma_wait3A_201 = arith.constant 0 : i32
    %dma_wait3A_202 = arith.constant 0 : i32
    %dma_wait3A_203 = arith.constant 0 : i32
    %dma_wait3A_204 = arith.constant 0 : i32
    %dma_wait3A_205 = tpu.memref_slice %arg7[%dma_wait3A_201, %dma_wait3A_203, %dma_wait3A_204] : memref<5x80x128xbf16, #tpu.memory_space<vmem>> -> memref<1x80x128xbf16, #tpu.memory_space<vmem>>
    %dma_wait3A_206 = tpu.memref_squeeze %dma_wait3A_205 : memref<1x80x128xbf16, #tpu.memory_space<vmem>> -> memref<80x128xbf16, #tpu.memory_space<vmem>>
    %dma_wait3A_207 = arith.constant 0 : i32
    %dma_wait3A_208 = tpu.memref_slice %arg8[%mul3A_200, %dma_wait3A_207] : memref<10240x128xbf16, #tpu.memory_space<vmem_shared>> -> memref<80x128xbf16, #tpu.memory_space<vmem_shared>>
    %dma_wait3A_209 = tpu.memref_slice %arg9[%dma_wait3A_202] : memref<5x!tpu.dma_semaphore, #tpu.memory_space<semaphore_mem>> -> memref<1x!tpu.dma_semaphore, #tpu.memory_space<semaphore_mem>>
    %dma_wait3A_210 = tpu.memref_squeeze %dma_wait3A_209 : memref<1x!tpu.dma_semaphore, #tpu.memory_space<semaphore_mem>> -> memref<!tpu.dma_semaphore, #tpu.memory_space<semaphore_mem>>
    %dma_wait3A_211 = arith.constant 0 : i32
    %dma_wait3A_212 = tpu.memref_slice %arg8[%mul3A_200, %dma_wait3A_211] : memref<10240x128xbf16, #tpu.memory_space<vmem_shared>> -> memref<80x128xbf16, #tpu.memory_space<vmem_shared>>
    %dma_wait3A_213 = arith.constant 0 : i32
    %dma_wait3A_214 = arith.constant 0 : i32
    %dma_wait3A_215 = tpu.memref_slice %arg7[%dma_wait3A_201, %dma_wait3A_213, %dma_wait3A_214] : memref<5x80x128xbf16, #tpu.memory_space<vmem>> -> memref<1x80x128xbf16, #tpu.memory_space<vmem>>
    %dma_wait3A_216 = tpu.memref_squeeze %dma_wait3A_215 : memref<1x80x128xbf16, #tpu.memory_space<vmem>> -> memref<80x128xbf16, #tpu.memory_space<vmem>>
    tpu.wait_dma2 semaphore(%dma_wait3A_210 : memref<!tpu.dma_semaphore, #tpu.memory_space<semaphore_mem>>) src(%dma_wait3A_216 : memref<80x128xbf16, #tpu.memory_space<vmem>>) dst(%dma_wait3A_212 : memref<80x128xbf16, #tpu.memory_space<vmem_shared>>)
    %mul3A_217 = arith.constant 640 : i32
    %mul3A_218 = arith.muli %arg1, %mul3A_217 : i32
    %dma_wait3A_219 = arith.constant 0 : i32
    %dma_wait3A_220 = arith.constant 0 : i32
    %dma_wait3A_221 = arith.constant 0 : i32
    %dma_wait3A_222 = arith.constant 0 : i32
    %dma_wait3A_223 = tpu.memref_slice %arg7[%dma_wait3A_219, %dma_wait3A_221, %dma_wait3A_222] : memref<5x80x128xbf16, #tpu.memory_space<vmem>> -> memref<1x80x128xbf16, #tpu.memory_space<vmem>>
    %dma_wait3A_224 = tpu.memref_squeeze %dma_wait3A_223 : memref<1x80x128xbf16, #tpu.memory_space<vmem>> -> memref<80x128xbf16, #tpu.memory_space<vmem>>
    %dma_wait3A_225 = arith.constant 0 : i32
    %dma_wait3A_226 = tpu.memref_slice %arg8[%mul3A_218, %dma_wait3A_225] : memref<10240x128xbf16, #tpu.memory_space<vmem_shared>> -> memref<80x128xbf16, #tpu.memory_space<vmem_shared>>
    %dma_wait3A_227 = tpu.memref_slice %arg9[%dma_wait3A_220] : memref<5x!tpu.dma_semaphore, #tpu.memory_space<semaphore_mem>> -> memref<1x!tpu.dma_semaphore, #tpu.memory_space<semaphore_mem>>
    %dma_wait3A_228 = tpu.memref_squeeze %dma_wait3A_227 : memref<1x!tpu.dma_semaphore, #tpu.memory_space<semaphore_mem>> -> memref<!tpu.dma_semaphore, #tpu.memory_space<semaphore_mem>>
    %dma_wait3A_229 = arith.constant 0 : i32
    %dma_wait3A_230 = tpu.memref_slice %arg8[%mul3A_218, %dma_wait3A_229] : memref<10240x128xbf16, #tpu.memory_space<vmem_shared>> -> memref<80x128xbf16, #tpu.memory_space<vmem_shared>>
    %dma_wait3A_231 = arith.constant 0 : i32
    %dma_wait3A_232 = arith.constant 0 : i32
    %dma_wait3A_233 = tpu.memref_slice %arg7[%dma_wait3A_219, %dma_wait3A_231, %dma_wait3A_232] : memref<5x80x128xbf16, #tpu.memory_space<vmem>> -> memref<1x80x128xbf16, #tpu.memory_space<vmem>>
    %dma_wait3A_234 = tpu.memref_squeeze %dma_wait3A_233 : memref<1x80x128xbf16, #tpu.memory_space<vmem>> -> memref<80x128xbf16, #tpu.memory_space<vmem>>
    tpu.wait_dma2 semaphore(%dma_wait3A_228 : memref<!tpu.dma_semaphore, #tpu.memory_space<semaphore_mem>>) src(%dma_wait3A_234 : memref<80x128xbf16, #tpu.memory_space<vmem>>) dst(%dma_wait3A_230 : memref<80x128xbf16, #tpu.memory_space<vmem_shared>>)
    %mul3A_235 = arith.constant 640 : i32
    %mul3A_236 = arith.muli %arg1, %mul3A_235 : i32
    %dma_wait3A_237 = arith.constant 0 : i32
    %dma_wait3A_238 = arith.constant 0 : i32
    %dma_wait3A_239 = arith.constant 0 : i32
    %dma_wait3A_240 = arith.constant 0 : i32
    %dma_wait3A_241 = tpu.memref_slice %arg7[%dma_wait3A_237, %dma_wait3A_239, %dma_wait3A_240] : memref<5x80x128xbf16, #tpu.memory_space<vmem>> -> memref<1x80x128xbf16, #tpu.memory_space<vmem>>
    %dma_wait3A_242 = tpu.memref_squeeze %dma_wait3A_241 : memref<1x80x128xbf16, #tpu.memory_space<vmem>> -> memref<80x128xbf16, #tpu.memory_space<vmem>>
    %dma_wait3A_243 = arith.constant 0 : i32
    %dma_wait3A_244 = tpu.memref_slice %arg8[%mul3A_236, %dma_wait3A_243] : memref<10240x128xbf16, #tpu.memory_space<vmem_shared>> -> memref<80x128xbf16, #tpu.memory_space<vmem_shared>>
    %dma_wait3A_245 = tpu.memref_slice %arg9[%dma_wait3A_238] : memref<5x!tpu.dma_semaphore, #tpu.memory_space<semaphore_mem>> -> memref<1x!tpu.dma_semaphore, #tpu.memory_space<semaphore_mem>>
    %dma_wait3A_246 = tpu.memref_squeeze %dma_wait3A_245 : memref<1x!tpu.dma_semaphore, #tpu.memory_space<semaphore_mem>> -> memref<!tpu.dma_semaphore, #tpu.memory_space<semaphore_mem>>
    %dma_wait3A_247 = arith.constant 0 : i32
    %dma_wait3A_248 = tpu.memref_slice %arg8[%mul3A_236, %dma_wait3A_247] : memref<10240x128xbf16, #tpu.memory_space<vmem_shared>> -> memref<80x128xbf16, #tpu.memory_space<vmem_shared>>
    %dma_wait3A_249 = arith.constant 0 : i32
    %dma_wait3A_250 = arith.constant 0 : i32
    %dma_wait3A_251 = tpu.memref_slice %arg7[%dma_wait3A_237, %dma_wait3A_249, %dma_wait3A_250] : memref<5x80x128xbf16, #tpu.memory_space<vmem>> -> memref<1x80x128xbf16, #tpu.memory_space<vmem>>
    %dma_wait3A_252 = tpu.memref_squeeze %dma_wait3A_251 : memref<1x80x128xbf16, #tpu.memory_space<vmem>> -> memref<80x128xbf16, #tpu.memory_space<vmem>>
    tpu.wait_dma2 semaphore(%dma_wait3A_246 : memref<!tpu.dma_semaphore, #tpu.memory_space<semaphore_mem>>) src(%dma_wait3A_252 : memref<80x128xbf16, #tpu.memory_space<vmem>>) dst(%dma_wait3A_248 : memref<80x128xbf16, #tpu.memory_space<vmem_shared>>)
    %mul3A_253 = arith.constant 640 : i32
    %mul3A_254 = arith.muli %arg1, %mul3A_253 : i32
    %dma_wait3A_255 = arith.constant 0 : i32
    %dma_wait3A_256 = arith.constant 0 : i32
    %dma_wait3A_257 = arith.constant 0 : i32
    %dma_wait3A_258 = arith.constant 0 : i32
    %dma_wait3A_259 = tpu.memref_slice %arg7[%dma_wait3A_255, %dma_wait3A_257, %dma_wait3A_258] : memref<5x80x128xbf16, #tpu.memory_space<vmem>> -> memref<1x80x128xbf16, #tpu.memory_space<vmem>>
    %dma_wait3A_260 = tpu.memref_squeeze %dma_wait3A_259 : memref<1x80x128xbf16, #tpu.memory_space<vmem>> -> memref<80x128xbf16, #tpu.memory_space<vmem>>
    %dma_wait3A_261 = arith.constant 0 : i32
    %dma_wait3A_262 = tpu.memref_slice %arg8[%mul3A_254, %dma_wait3A_261] : memref<10240x128xbf16, #tpu.memory_space<vmem_shared>> -> memref<80x128xbf16, #tpu.memory_space<vmem_shared>>
    %dma_wait3A_263 = tpu.memref_slice %arg9[%dma_wait3A_256] : memref<5x!tpu.dma_semaphore, #tpu.memory_space<semaphore_mem>> -> memref<1x!tpu.dma_semaphore, #tpu.memory_space<semaphore_mem>>
    %dma_wait3A_264 = tpu.memref_squeeze %dma_wait3A_263 : memref<1x!tpu.dma_semaphore, #tpu.memory_space<semaphore_mem>> -> memref<!tpu.dma_semaphore, #tpu.memory_space<semaphore_mem>>
    %dma_wait3A_265 = arith.constant 0 : i32
    %dma_wait3A_266 = tpu.memref_slice %arg8[%mul3A_254, %dma_wait3A_265] : memref<10240x128xbf16, #tpu.memory_space<vmem_shared>> -> memref<80x128xbf16, #tpu.memory_space<vmem_shared>>
    %dma_wait3A_267 = arith.constant 0 : i32
    %dma_wait3A_268 = arith.constant 0 : i32
    %dma_wait3A_269 = tpu.memref_slice %arg7[%dma_wait3A_255, %dma_wait3A_267, %dma_wait3A_268] : memref<5x80x128xbf16, #tpu.memory_space<vmem>> -> memref<1x80x128xbf16, #tpu.memory_space<vmem>>
    %dma_wait3A_270 = tpu.memref_squeeze %dma_wait3A_269 : memref<1x80x128xbf16, #tpu.memory_space<vmem>> -> memref<80x128xbf16, #tpu.memory_space<vmem>>
    tpu.wait_dma2 semaphore(%dma_wait3A_264 : memref<!tpu.dma_semaphore, #tpu.memory_space<semaphore_mem>>) src(%dma_wait3A_270 : memref<80x128xbf16, #tpu.memory_space<vmem>>) dst(%dma_wait3A_266 : memref<80x128xbf16, #tpu.memory_space<vmem_shared>>)
    %mul3A_271 = arith.constant 640 : i32
    %mul3A_272 = arith.muli %arg1, %mul3A_271 : i32
    %dma_wait3A_273 = arith.constant 0 : i32
    %dma_wait3A_274 = arith.constant 0 : i32
    %dma_wait3A_275 = arith.constant 0 : i32
    %dma_wait3A_276 = arith.constant 0 : i32
    %dma_wait3A_277 = tpu.memref_slice %arg7[%dma_wait3A_273, %dma_wait3A_275, %dma_wait3A_276] : memref<5x80x128xbf16, #tpu.memory_space<vmem>> -> memref<1x80x128xbf16, #tpu.memory_space<vmem>>
    %dma_wait3A_278 = tpu.memref_squeeze %dma_wait3A_277 : memref<1x80x128xbf16, #tpu.memory_space<vmem>> -> memref<80x128xbf16, #tpu.memory_space<vmem>>
    %dma_wait3A_279 = arith.constant 0 : i32
    %dma_wait3A_280 = tpu.memref_slice %arg8[%mul3A_272, %dma_wait3A_279] : memref<10240x128xbf16, #tpu.memory_space<vmem_shared>> -> memref<80x128xbf16, #tpu.memory_space<vmem_shared>>
    %dma_wait3A_281 = tpu.memref_slice %arg9[%dma_wait3A_274] : memref<5x!tpu.dma_semaphore, #tpu.memory_space<semaphore_mem>> -> memref<1x!tpu.dma_semaphore, #tpu.memory_space<semaphore_mem>>
    %dma_wait3A_282 = tpu.memref_squeeze %dma_wait3A_281 : memref<1x!tpu.dma_semaphore, #tpu.memory_space<semaphore_mem>> -> memref<!tpu.dma_semaphore, #tpu.memory_space<semaphore_mem>>
    %dma_wait3A_283 = arith.constant 0 : i32
    %dma_wait3A_284 = tpu.memref_slice %arg8[%mul3A_272, %dma_wait3A_283] : memref<10240x128xbf16, #tpu.memory_space<vmem_shared>> -> memref<80x128xbf16, #tpu.memory_space<vmem_shared>>
    %dma_wait3A_285 = arith.constant 0 : i32
    %dma_wait3A_286 = arith.constant 0 : i32
    %dma_wait3A_287 = tpu.memref_slice %arg7[%dma_wait3A_273, %dma_wait3A_285, %dma_wait3A_286] : memref<5x80x128xbf16, #tpu.memory_space<vmem>> -> memref<1x80x128xbf16, #tpu.memory_space<vmem>>
    %dma_wait3A_288 = tpu.memref_squeeze %dma_wait3A_287 : memref<1x80x128xbf16, #tpu.memory_space<vmem>> -> memref<80x128xbf16, #tpu.memory_space<vmem>>
    tpu.wait_dma2 semaphore(%dma_wait3A_282 : memref<!tpu.dma_semaphore, #tpu.memory_space<semaphore_mem>>) src(%dma_wait3A_288 : memref<80x128xbf16, #tpu.memory_space<vmem>>) dst(%dma_wait3A_284 : memref<80x128xbf16, #tpu.memory_space<vmem_shared>>)
    %mul3A_289 = arith.constant 640 : i32
    %mul3A_290 = arith.muli %arg1, %mul3A_289 : i32
    %dma_wait3A_291 = arith.constant 0 : i32
    %dma_wait3A_292 = arith.constant 0 : i32
    %dma_wait3A_293 = arith.constant 0 : i32
    %dma_wait3A_294 = arith.constant 0 : i32
    %dma_wait3A_295 = tpu.memref_slice %arg7[%dma_wait3A_291, %dma_wait3A_293, %dma_wait3A_294] : memref<5x80x128xbf16, #tpu.memory_space<vmem>> -> memref<1x80x128xbf16, #tpu.memory_space<vmem>>
    %dma_wait3A_296 = tpu.memref_squeeze %dma_wait3A_295 : memref<1x80x128xbf16, #tpu.memory_space<vmem>> -> memref<80x128xbf16, #tpu.memory_space<vmem>>
    %dma_wait3A_297 = arith.constant 0 : i32
    %dma_wait3A_298 = tpu.memref_slice %arg8[%mul3A_290, %dma_wait3A_297] : memref<10240x128xbf16, #tpu.memory_space<vmem_shared>> -> memref<80x128xbf16, #tpu.memory_space<vmem_shared>>
    %dma_wait3A_299 = tpu.memref_slice %arg9[%dma_wait3A_292] : memref<5x!tpu.dma_semaphore, #tpu.memory_space<semaphore_mem>> -> memref<1x!tpu.dma_semaphore, #tpu.memory_space<semaphore_mem>>
    %dma_wait3A_300 = tpu.memref_squeeze %dma_wait3A_299 : memref<1x!tpu.dma_semaphore, #tpu.memory_space<semaphore_mem>> -> memref<!tpu.dma_semaphore, #tpu.memory_space<semaphore_mem>>
    %dma_wait3A_301 = arith.constant 0 : i32
    %dma_wait3A_302 = tpu.memref_slice %arg8[%mul3A_290, %dma_wait3A_301] : memref<10240x128xbf16, #tpu.memory_space<vmem_shared>> -> memref<80x128xbf16, #tpu.memory_space<vmem_shared>>
    %dma_wait3A_303 = arith.constant 0 : i32
    %dma_wait3A_304 = arith.constant 0 : i32
    %dma_wait3A_305 = tpu.memref_slice %arg7[%dma_wait3A_291, %dma_wait3A_303, %dma_wait3A_304] : memref<5x80x128xbf16, #tpu.memory_space<vmem>> -> memref<1x80x128xbf16, #tpu.memory_space<vmem>>
    %dma_wait3A_306 = tpu.memref_squeeze %dma_wait3A_305 : memref<1x80x128xbf16, #tpu.memory_space<vmem>> -> memref<80x128xbf16, #tpu.memory_space<vmem>>
    tpu.wait_dma2 semaphore(%dma_wait3A_300 : memref<!tpu.dma_semaphore, #tpu.memory_space<semaphore_mem>>) src(%dma_wait3A_306 : memref<80x128xbf16, #tpu.memory_space<vmem>>) dst(%dma_wait3A_302 : memref<80x128xbf16, #tpu.memory_space<vmem_shared>>)
    %mul3A_307 = arith.constant 640 : i32
    %mul3A_308 = arith.muli %arg1, %mul3A_307 : i32
    %dma_wait3A_309 = arith.constant 0 : i32
    %dma_wait3A_310 = arith.constant 0 : i32
    %dma_wait3A_311 = arith.constant 0 : i32
    %dma_wait3A_312 = arith.constant 0 : i32
    %dma_wait3A_313 = tpu.memref_slice %arg7[%dma_wait3A_309, %dma_wait3A_311, %dma_wait3A_312] : memref<5x80x128xbf16, #tpu.memory_space<vmem>> -> memref<1x80x128xbf16, #tpu.memory_space<vmem>>
    %dma_wait3A_314 = tpu.memref_squeeze %dma_wait3A_313 : memref<1x80x128xbf16, #tpu.memory_space<vmem>> -> memref<80x128xbf16, #tpu.memory_space<vmem>>
    %dma_wait3A_315 = arith.constant 0 : i32
    %dma_wait3A_316 = tpu.memref_slice %arg8[%mul3A_308, %dma_wait3A_315] : memref<10240x128xbf16, #tpu.memory_space<vmem_shared>> -> memref<80x128xbf16, #tpu.memory_space<vmem_shared>>
    %dma_wait3A_317 = tpu.memref_slice %arg9[%dma_wait3A_310] : memref<5x!tpu.dma_semaphore, #tpu.memory_space<semaphore_mem>> -> memref<1x!tpu.dma_semaphore, #tpu.memory_space<semaphore_mem>>
    %dma_wait3A_318 = tpu.memref_squeeze %dma_wait3A_317 : memref<1x!tpu.dma_semaphore, #tpu.memory_space<semaphore_mem>> -> memref<!tpu.dma_semaphore, #tpu.memory_space<semaphore_mem>>
    %dma_wait3A_319 = arith.constant 0 : i32
    %dma_wait3A_320 = tpu.memref_slice %arg8[%mul3A_308, %dma_wait3A_319] : memref<10240x128xbf16, #tpu.memory_space<vmem_shared>> -> memref<80x128xbf16, #tpu.memory_space<vmem_shared>>
    %dma_wait3A_321 = arith.constant 0 : i32
    %dma_wait3A_322 = arith.constant 0 : i32
    %dma_wait3A_323 = tpu.memref_slice %arg7[%dma_wait3A_309, %dma_wait3A_321, %dma_wait3A_322] : memref<5x80x128xbf16, #tpu.memory_space<vmem>> -> memref<1x80x128xbf16, #tpu.memory_space<vmem>>
    %dma_wait3A_324 = tpu.memref_squeeze %dma_wait3A_323 : memref<1x80x128xbf16, #tpu.memory_space<vmem>> -> memref<80x128xbf16, #tpu.memory_space<vmem>>
    tpu.wait_dma2 semaphore(%dma_wait3A_318 : memref<!tpu.dma_semaphore, #tpu.memory_space<semaphore_mem>>) src(%dma_wait3A_324 : memref<80x128xbf16, #tpu.memory_space<vmem>>) dst(%dma_wait3A_320 : memref<80x128xbf16, #tpu.memory_space<vmem_shared>>)
    %mul3A_325 = arith.constant 10000 : i32
    %mul3A_326 = arith.muli %add3A, %mul3A_325 : i32
    %dma_wait3A_327 = arith.constant 1 : i32
    %dma_wait3A_328 = tpu.memref_slice %arg3[%mul3A_326] : memref<640000xi32, #tpu.memory_space<hbm>> -> memref<10000xi32, #tpu.memory_space<hbm>>
    %dma_wait3A_329 = tpu.memref_slice %arg9[%dma_wait3A_327] : memref<5x!tpu.dma_semaphore, #tpu.memory_space<semaphore_mem>> -> memref<1x!tpu.dma_semaphore, #tpu.memory_space<semaphore_mem>>
    %dma_wait3A_330 = tpu.memref_squeeze %dma_wait3A_329 : memref<1x!tpu.dma_semaphore, #tpu.memory_space<semaphore_mem>> -> memref<!tpu.dma_semaphore, #tpu.memory_space<semaphore_mem>>
    %dma_wait3A_331 = tpu.memref_slice %arg3[%mul3A_326] : memref<640000xi32, #tpu.memory_space<hbm>> -> memref<10000xi32, #tpu.memory_space<hbm>>
    tpu.wait_dma2 semaphore(%dma_wait3A_330 : memref<!tpu.dma_semaphore, #tpu.memory_space<semaphore_mem>>) src(%dma_wait3A_331 : memref<10000xi32, #tpu.memory_space<hbm>>) dst(%arg5 : memref<10000xi32, #tpu.memory_space<vmem>>)
    %mul3A_332 = arith.constant 10000 : i32
    %mul3A_333 = arith.muli %add3A, %mul3A_332 : i32
    %add3A_334 = arith.constant 320000 : i32
    %add3A_335 = arith.addi %add3A_334, %mul3A_333 : i32
    %dma_wait3A_336 = arith.constant 1 : i32
    %dma_wait3A_337 = tpu.memref_slice %arg3[%add3A_335] : memref<640000xi32, #tpu.memory_space<hbm>> -> memref<10000xi32, #tpu.memory_space<hbm>>
    %dma_wait3A_338 = tpu.memref_slice %arg9[%dma_wait3A_336] : memref<5x!tpu.dma_semaphore, #tpu.memory_space<semaphore_mem>> -> memref<1x!tpu.dma_semaphore, #tpu.memory_space<semaphore_mem>>
    %dma_wait3A_339 = tpu.memref_squeeze %dma_wait3A_338 : memref<1x!tpu.dma_semaphore, #tpu.memory_space<semaphore_mem>> -> memref<!tpu.dma_semaphore, #tpu.memory_space<semaphore_mem>>
    %dma_wait3A_340 = tpu.memref_slice %arg3[%add3A_335] : memref<640000xi32, #tpu.memory_space<hbm>> -> memref<10000xi32, #tpu.memory_space<hbm>>
    tpu.wait_dma2 semaphore(%dma_wait3A_339 : memref<!tpu.dma_semaphore, #tpu.memory_space<semaphore_mem>>) src(%dma_wait3A_340 : memref<10000xi32, #tpu.memory_space<hbm>>) dst(%arg6 : memref<10000xi32, #tpu.memory_space<vmem>>)
    %barrier3A = arith.constant 0 : index
    tpu.barrier barrier_id(%barrier3A)
    %dma_start3A_341 = arith.constant 0 : i32
    %dma_start3A_342 = arith.constant 0 : i32
    %dma_start3A_343 = arith.constant 0 : i32
    %dma_start3A_344 = arith.constant 0 : i32
    %dma_start3A_345 = tpu.memref_slice %arg7[%dma_start3A_341, %dma_start3A_343, %dma_start3A_344] : memref<5x80x128xbf16, #tpu.memory_space<vmem>> -> memref<1x80x128xbf16, #tpu.memory_space<vmem>>
    %dma_start3A_346 = tpu.memref_squeeze %dma_start3A_345 : memref<1x80x128xbf16, #tpu.memory_space<vmem>> -> memref<80x128xbf16, #tpu.memory_space<vmem>>
    %dma_start3A_347 = arith.constant 0 : i32
    %dma_start3A_348 = tpu.memref_slice %arg5[%dma_start3A_347] : memref<10000xi32, #tpu.memory_space<vmem>> -> memref<80xi32, #tpu.memory_space<vmem>>
    %dma_start3A_349 = arith.constant 0 : i32
    %dma_start3A_350 = arith.constant 0 : i32
    %dma_start3A_351 = tpu.memref_slice %arg2[%dma_start3A_349, %dma_start3A_350] : memref<10000x128xbf16, #tpu.memory_space<hbm>> -> memref<10000x128xbf16, #tpu.memory_space<hbm>>
    %dma_start3A_352 = tpu.memref_slice %arg9[%dma_start3A_342] : memref<5x!tpu.dma_semaphore, #tpu.memory_space<semaphore_mem>> -> memref<1x!tpu.dma_semaphore, #tpu.memory_space<semaphore_mem>>
    %dma_start3A_353 = tpu.memref_squeeze %dma_start3A_352 : memref<1x!tpu.dma_semaphore, #tpu.memory_space<semaphore_mem>> -> memref<!tpu.dma_semaphore, #tpu.memory_space<semaphore_mem>>
    tpu.enqueue_indirect_dma source(%dma_start3A_351 : memref<10000x128xbf16, #tpu.memory_space<hbm>>) target(%dma_start3A_346 : memref<80x128xbf16, #tpu.memory_space<vmem>>) offsets(%dma_start3A_348 : memref<80xi32, #tpu.memory_space<vmem>>) semaphore(%dma_start3A_353 : memref<!tpu.dma_semaphore, #tpu.memory_space<semaphore_mem>>)
    %dma_start3A_354 = arith.constant 1 : i32
    %dma_start3A_355 = arith.constant 1 : i32
    %dma_start3A_356 = arith.constant 0 : i32
    %dma_start3A_357 = arith.constant 0 : i32
    %dma_start3A_358 = tpu.memref_slice %arg7[%dma_start3A_354, %dma_start3A_356, %dma_start3A_357] : memref<5x80x128xbf16, #tpu.memory_space<vmem>> -> memref<1x80x128xbf16, #tpu.memory_space<vmem>>
    %dma_start3A_359 = tpu.memref_squeeze %dma_start3A_358 : memref<1x80x128xbf16, #tpu.memory_space<vmem>> -> memref<80x128xbf16, #tpu.memory_space<vmem>>
    %dma_start3A_360 = arith.constant 80 : i32
    %dma_start3A_361 = tpu.memref_slice %arg5[%dma_start3A_360] : memref<10000xi32, #tpu.memory_space<vmem>> -> memref<80xi32, #tpu.memory_space<vmem>>
    %dma_start3A_362 = arith.constant 0 : i32
    %dma_start3A_363 = arith.constant 0 : i32
    %dma_start3A_364 = tpu.memref_slice %arg2[%dma_start3A_362, %dma_start3A_363] : memref<10000x128xbf16, #tpu.memory_space<hbm>> -> memref<10000x128xbf16, #tpu.memory_space<hbm>>
    %dma_start3A_365 = tpu.memref_slice %arg9[%dma_start3A_355] : memref<5x!tpu.dma_semaphore, #tpu.memory_space<semaphore_mem>> -> memref<1x!tpu.dma_semaphore, #tpu.memory_space<semaphore_mem>>
    %dma_start3A_366 = tpu.memref_squeeze %dma_start3A_365 : memref<1x!tpu.dma_semaphore, #tpu.memory_space<semaphore_mem>> -> memref<!tpu.dma_semaphore, #tpu.memory_space<semaphore_mem>>
    tpu.enqueue_indirect_dma source(%dma_start3A_364 : memref<10000x128xbf16, #tpu.memory_space<hbm>>) target(%dma_start3A_359 : memref<80x128xbf16, #tpu.memory_space<vmem>>) offsets(%dma_start3A_361 : memref<80xi32, #tpu.memory_space<vmem>>) semaphore(%dma_start3A_366 : memref<!tpu.dma_semaphore, #tpu.memory_space<semaphore_mem>>)
    %dma_start3A_367 = arith.constant 2 : i32
    %dma_start3A_368 = arith.constant 2 : i32
    %dma_start3A_369 = arith.constant 0 : i32
    %dma_start3A_370 = arith.constant 0 : i32
    %dma_start3A_371 = tpu.memref_slice %arg7[%dma_start3A_367, %dma_start3A_369, %dma_start3A_370] : memref<5x80x128xbf16, #tpu.memory_space<vmem>> -> memref<1x80x128xbf16, #tpu.memory_space<vmem>>
    %dma_start3A_372 = tpu.memref_squeeze %dma_start3A_371 : memref<1x80x128xbf16, #tpu.memory_space<vmem>> -> memref<80x128xbf16, #tpu.memory_space<vmem>>
    %dma_start3A_373 = arith.constant 160 : i32
    %dma_start3A_374 = tpu.memref_slice %arg5[%dma_start3A_373] : memref<10000xi32, #tpu.memory_space<vmem>> -> memref<80xi32, #tpu.memory_space<vmem>>
    %dma_start3A_375 = arith.constant 0 : i32
    %dma_start3A_376 = arith.constant 0 : i32
    %dma_start3A_377 = tpu.memref_slice %arg2[%dma_start3A_375, %dma_start3A_376] : memref<10000x128xbf16, #tpu.memory_space<hbm>> -> memref<10000x128xbf16, #tpu.memory_space<hbm>>
    %dma_start3A_378 = tpu.memref_slice %arg9[%dma_start3A_368] : memref<5x!tpu.dma_semaphore, #tpu.memory_space<semaphore_mem>> -> memref<1x!tpu.dma_semaphore, #tpu.memory_space<semaphore_mem>>
    %dma_start3A_379 = tpu.memref_squeeze %dma_start3A_378 : memref<1x!tpu.dma_semaphore, #tpu.memory_space<semaphore_mem>> -> memref<!tpu.dma_semaphore, #tpu.memory_space<semaphore_mem>>
    tpu.enqueue_indirect_dma source(%dma_start3A_377 : memref<10000x128xbf16, #tpu.memory_space<hbm>>) target(%dma_start3A_372 : memref<80x128xbf16, #tpu.memory_space<vmem>>) offsets(%dma_start3A_374 : memref<80xi32, #tpu.memory_space<vmem>>) semaphore(%dma_start3A_379 : memref<!tpu.dma_semaphore, #tpu.memory_space<semaphore_mem>>)
    %dma_start3A_380 = arith.constant 3 : i32
    %dma_start3A_381 = arith.constant 3 : i32
    %dma_start3A_382 = arith.constant 0 : i32
    %dma_start3A_383 = arith.constant 0 : i32
    %dma_start3A_384 = tpu.memref_slice %arg7[%dma_start3A_380, %dma_start3A_382, %dma_start3A_383] : memref<5x80x128xbf16, #tpu.memory_space<vmem>> -> memref<1x80x128xbf16, #tpu.memory_space<vmem>>
    %dma_start3A_385 = tpu.memref_squeeze %dma_start3A_384 : memref<1x80x128xbf16, #tpu.memory_space<vmem>> -> memref<80x128xbf16, #tpu.memory_space<vmem>>
    %dma_start3A_386 = arith.constant 240 : i32
    %dma_start3A_387 = tpu.memref_slice %arg5[%dma_start3A_386] : memref<10000xi32, #tpu.memory_space<vmem>> -> memref<80xi32, #tpu.memory_space<vmem>>
    %dma_start3A_388 = arith.constant 0 : i32
    %dma_start3A_389 = arith.constant 0 : i32
    %dma_start3A_390 = tpu.memref_slice %arg2[%dma_start3A_388, %dma_start3A_389] : memref<10000x128xbf16, #tpu.memory_space<hbm>> -> memref<10000x128xbf16, #tpu.memory_space<hbm>>
    %dma_start3A_391 = tpu.memref_slice %arg9[%dma_start3A_381] : memref<5x!tpu.dma_semaphore, #tpu.memory_space<semaphore_mem>> -> memref<1x!tpu.dma_semaphore, #tpu.memory_space<semaphore_mem>>
    %dma_start3A_392 = tpu.memref_squeeze %dma_start3A_391 : memref<1x!tpu.dma_semaphore, #tpu.memory_space<semaphore_mem>> -> memref<!tpu.dma_semaphore, #tpu.memory_space<semaphore_mem>>
    tpu.enqueue_indirect_dma source(%dma_start3A_390 : memref<10000x128xbf16, #tpu.memory_space<hbm>>) target(%dma_start3A_385 : memref<80x128xbf16, #tpu.memory_space<vmem>>) offsets(%dma_start3A_387 : memref<80xi32, #tpu.memory_space<vmem>>) semaphore(%dma_start3A_392 : memref<!tpu.dma_semaphore, #tpu.memory_space<semaphore_mem>>)
    %dma_start3A_393 = arith.constant 4 : i32
    %dma_start3A_394 = arith.constant 4 : i32
    %dma_start3A_395 = arith.constant 0 : i32
    %dma_start3A_396 = arith.constant 0 : i32
    %dma_start3A_397 = tpu.memref_slice %arg7[%dma_start3A_393, %dma_start3A_395, %dma_start3A_396] : memref<5x80x128xbf16, #tpu.memory_space<vmem>> -> memref<1x80x128xbf16, #tpu.memory_space<vmem>>
    %dma_start3A_398 = tpu.memref_squeeze %dma_start3A_397 : memref<1x80x128xbf16, #tpu.memory_space<vmem>> -> memref<80x128xbf16, #tpu.memory_space<vmem>>
    %dma_start3A_399 = arith.constant 320 : i32
    %dma_start3A_400 = tpu.memref_slice %arg5[%dma_start3A_399] : memref<10000xi32, #tpu.memory_space<vmem>> -> memref<80xi32, #tpu.memory_space<vmem>>
    %dma_start3A_401 = arith.constant 0 : i32
    %dma_start3A_402 = arith.constant 0 : i32
    %dma_start3A_403 = tpu.memref_slice %arg2[%dma_start3A_401, %dma_start3A_402] : memref<10000x128xbf16, #tpu.memory_space<hbm>> -> memref<10000x128xbf16, #tpu.memory_space<hbm>>
    %dma_start3A_404 = tpu.memref_slice %arg9[%dma_start3A_394] : memref<5x!tpu.dma_semaphore, #tpu.memory_space<semaphore_mem>> -> memref<1x!tpu.dma_semaphore, #tpu.memory_space<semaphore_mem>>
    %dma_start3A_405 = tpu.memref_squeeze %dma_start3A_404 : memref<1x!tpu.dma_semaphore, #tpu.memory_space<semaphore_mem>> -> memref<!tpu.dma_semaphore, #tpu.memory_space<semaphore_mem>>
    tpu.enqueue_indirect_dma source(%dma_start3A_403 : memref<10000x128xbf16, #tpu.memory_space<hbm>>) target(%dma_start3A_398 : memref<80x128xbf16, #tpu.memory_space<vmem>>) offsets(%dma_start3A_400 : memref<80xi32, #tpu.memory_space<vmem>>) semaphore(%dma_start3A_405 : memref<!tpu.dma_semaphore, #tpu.memory_space<semaphore_mem>>)
    %scan3A_406 = arith.constant 0 : i32
    %scan3A_407 = arith.constant 0 : i32
    %scan3A_408 = arith.constant 25 : i32
    %scan3A_409 = arith.addi %scan3A_407, %scan3A_408 : i32
    %scan3A_410 = arith.constant 1 : i32
    scf.for %scan3A_482 = %scan3A_407 to %scan3A_409 step %scan3A_410  : i32 {
      %mul3A_483 = arith.constant 5 : i32
      %mul3A_484 = arith.muli %scan3A_482, %mul3A_483 : i32
      %add3A_485 = arith.constant 0 : i32
      %add3A_486 = arith.addi %mul3A_484, %add3A_485 : i32
      %mul3A_487 = arith.constant 80 : i32
      %mul3A_488 = arith.muli %add3A_486, %mul3A_487 : i32
      %dma_wait3A_489 = arith.constant 0 : i32
      %dma_wait3A_490 = arith.constant 0 : i32
      %dma_wait3A_491 = arith.constant 0 : i32
      %dma_wait3A_492 = arith.constant 0 : i32
      %dma_wait3A_493 = tpu.memref_slice %arg7[%dma_wait3A_489, %dma_wait3A_491, %dma_wait3A_492] : memref<5x80x128xbf16, #tpu.memory_space<vmem>> -> memref<1x80x128xbf16, #tpu.memory_space<vmem>>
      %dma_wait3A_494 = tpu.memref_squeeze %dma_wait3A_493 : memref<1x80x128xbf16, #tpu.memory_space<vmem>> -> memref<80x128xbf16, #tpu.memory_space<vmem>>
      %dma_wait3A_495 = tpu.memref_slice %arg5[%mul3A_488] : memref<10000xi32, #tpu.memory_space<vmem>> -> memref<80xi32, #tpu.memory_space<vmem>>
      %dma_wait3A_496 = arith.constant 0 : i32
      %dma_wait3A_497 = arith.constant 0 : i32
      %dma_wait3A_498 = tpu.memref_slice %arg2[%dma_wait3A_496, %dma_wait3A_497] : memref<10000x128xbf16, #tpu.memory_space<hbm>> -> memref<10000x128xbf16, #tpu.memory_space<hbm>>
      %dma_wait3A_499 = tpu.memref_slice %arg9[%dma_wait3A_490] : memref<5x!tpu.dma_semaphore, #tpu.memory_space<semaphore_mem>> -> memref<1x!tpu.dma_semaphore, #tpu.memory_space<semaphore_mem>>
      %dma_wait3A_500 = tpu.memref_squeeze %dma_wait3A_499 : memref<1x!tpu.dma_semaphore, #tpu.memory_space<semaphore_mem>> -> memref<!tpu.dma_semaphore, #tpu.memory_space<semaphore_mem>>
      tpu.wait_indirect_dma semaphore(%dma_wait3A_500 : memref<!tpu.dma_semaphore, #tpu.memory_space<semaphore_mem>>) src(%dma_wait3A_498 : memref<10000x128xbf16, #tpu.memory_space<hbm>>) dst(%dma_wait3A_494 : memref<80x128xbf16, #tpu.memory_space<vmem>>)
      %mul3A_501 = arith.constant 80 : i32
      %mul3A_502 = arith.muli %add3A_486, %mul3A_501 : i32
      %dma_start3A_503 = arith.constant 0 : i32
      %dma_start3A_504 = arith.constant 0 : i32
      %dma_start3A_505 = arith.constant 0 : i32
      %dma_start3A_506 = arith.constant 0 : i32
      %dma_start3A_507 = tpu.memref_slice %arg7[%dma_start3A_503, %dma_start3A_505, %dma_start3A_506] : memref<5x80x128xbf16, #tpu.memory_space<vmem>> -> memref<1x80x128xbf16, #tpu.memory_space<vmem>>
      %dma_start3A_508 = tpu.memref_squeeze %dma_start3A_507 : memref<1x80x128xbf16, #tpu.memory_space<vmem>> -> memref<80x128xbf16, #tpu.memory_space<vmem>>
      %dma_start3A_509 = tpu.memref_slice %arg6[%mul3A_502] : memref<10000xi32, #tpu.memory_space<vmem>> -> memref<80xi32, #tpu.memory_space<vmem>>
      %dma_start3A_510 = arith.constant 0 : i32
      %dma_start3A_511 = arith.constant 0 : i32
      %dma_start3A_512 = tpu.memref_slice %arg8[%dma_start3A_510, %dma_start3A_511] : memref<10240x128xbf16, #tpu.memory_space<vmem_shared>> -> memref<10240x128xbf16, #tpu.memory_space<vmem_shared>>
      %dma_start3A_513 = tpu.memref_slice %arg10[%dma_start3A_504] : memref<5x!tpu.dma_semaphore, #tpu.memory_space<semaphore_mem>> -> memref<1x!tpu.dma_semaphore, #tpu.memory_space<semaphore_mem>>
      %dma_start3A_514 = tpu.memref_squeeze %dma_start3A_513 : memref<1x!tpu.dma_semaphore, #tpu.memory_space<semaphore_mem>> -> memref<!tpu.dma_semaphore, #tpu.memory_space<semaphore_mem>>
      tpu.enqueue_indirect_dma source(%dma_start3A_508 : memref<80x128xbf16, #tpu.memory_space<vmem>>) target(%dma_start3A_512 : memref<10240x128xbf16, #tpu.memory_space<vmem_shared>>) offsets(%dma_start3A_509 : memref<80xi32, #tpu.memory_space<vmem>>) semaphore(%dma_start3A_514 : memref<!tpu.dma_semaphore, #tpu.memory_space<semaphore_mem>>) {add = true}
      %add3A_515 = arith.constant 1 : i32
      %add3A_516 = arith.addi %mul3A_484, %add3A_515 : i32
      %mul3A_517 = arith.constant 80 : i32
      %mul3A_518 = arith.muli %add3A_516, %mul3A_517 : i32
      %dma_wait3A_519 = arith.constant 1 : i32
      %dma_wait3A_520 = arith.constant 1 : i32
      %dma_wait3A_521 = arith.constant 0 : i32
      %dma_wait3A_522 = arith.constant 0 : i32
      %dma_wait3A_523 = tpu.memref_slice %arg7[%dma_wait3A_519, %dma_wait3A_521, %dma_wait3A_522] : memref<5x80x128xbf16, #tpu.memory_space<vmem>> -> memref<1x80x128xbf16, #tpu.memory_space<vmem>>
      %dma_wait3A_524 = tpu.memref_squeeze %dma_wait3A_523 : memref<1x80x128xbf16, #tpu.memory_space<vmem>> -> memref<80x128xbf16, #tpu.memory_space<vmem>>
      %dma_wait3A_525 = tpu.memref_slice %arg5[%mul3A_518] : memref<10000xi32, #tpu.memory_space<vmem>> -> memref<80xi32, #tpu.memory_space<vmem>>
      %dma_wait3A_526 = arith.constant 0 : i32
      %dma_wait3A_527 = arith.constant 0 : i32
      %dma_wait3A_528 = tpu.memref_slice %arg2[%dma_wait3A_526, %dma_wait3A_527] : memref<10000x128xbf16, #tpu.memory_space<hbm>> -> memref<10000x128xbf16, #tpu.memory_space<hbm>>
      %dma_wait3A_529 = tpu.memref_slice %arg9[%dma_wait3A_520] : memref<5x!tpu.dma_semaphore, #tpu.memory_space<semaphore_mem>> -> memref<1x!tpu.dma_semaphore, #tpu.memory_space<semaphore_mem>>
      %dma_wait3A_530 = tpu.memref_squeeze %dma_wait3A_529 : memref<1x!tpu.dma_semaphore, #tpu.memory_space<semaphore_mem>> -> memref<!tpu.dma_semaphore, #tpu.memory_space<semaphore_mem>>
      tpu.wait_indirect_dma semaphore(%dma_wait3A_530 : memref<!tpu.dma_semaphore, #tpu.memory_space<semaphore_mem>>) src(%dma_wait3A_528 : memref<10000x128xbf16, #tpu.memory_space<hbm>>) dst(%dma_wait3A_524 : memref<80x128xbf16, #tpu.memory_space<vmem>>)
      %mul3A_531 = arith.constant 80 : i32
      %mul3A_532 = arith.muli %add3A_516, %mul3A_531 : i32
      %dma_start3A_533 = arith.constant 1 : i32
      %dma_start3A_534 = arith.constant 1 : i32
      %dma_start3A_535 = arith.constant 0 : i32
      %dma_start3A_536 = arith.constant 0 : i32
      %dma_start3A_537 = tpu.memref_slice %arg7[%dma_start3A_533, %dma_start3A_535, %dma_start3A_536] : memref<5x80x128xbf16, #tpu.memory_space<vmem>> -> memref<1x80x128xbf16, #tpu.memory_space<vmem>>
      %dma_start3A_538 = tpu.memref_squeeze %dma_start3A_537 : memref<1x80x128xbf16, #tpu.memory_space<vmem>> -> memref<80x128xbf16, #tpu.memory_space<vmem>>
      %dma_start3A_539 = tpu.memref_slice %arg6[%mul3A_532] : memref<10000xi32, #tpu.memory_space<vmem>> -> memref<80xi32, #tpu.memory_space<vmem>>
      %dma_start3A_540 = arith.constant 0 : i32
      %dma_start3A_541 = arith.constant 0 : i32
      %dma_start3A_542 = tpu.memref_slice %arg8[%dma_start3A_540, %dma_start3A_541] : memref<10240x128xbf16, #tpu.memory_space<vmem_shared>> -> memref<10240x128xbf16, #tpu.memory_space<vmem_shared>>
      %dma_start3A_543 = tpu.memref_slice %arg10[%dma_start3A_534] : memref<5x!tpu.dma_semaphore, #tpu.memory_space<semaphore_mem>> -> memref<1x!tpu.dma_semaphore, #tpu.memory_space<semaphore_mem>>
      %dma_start3A_544 = tpu.memref_squeeze %dma_start3A_543 : memref<1x!tpu.dma_semaphore, #tpu.memory_space<semaphore_mem>> -> memref<!tpu.dma_semaphore, #tpu.memory_space<semaphore_mem>>
      tpu.enqueue_indirect_dma source(%dma_start3A_538 : memref<80x128xbf16, #tpu.memory_space<vmem>>) target(%dma_start3A_542 : memref<10240x128xbf16, #tpu.memory_space<vmem_shared>>) offsets(%dma_start3A_539 : memref<80xi32, #tpu.memory_space<vmem>>) semaphore(%dma_start3A_544 : memref<!tpu.dma_semaphore, #tpu.memory_space<semaphore_mem>>) {add = true}
      %add3A_545 = arith.constant 2 : i32
      %add3A_546 = arith.addi %mul3A_484, %add3A_545 : i32
      %mul3A_547 = arith.constant 80 : i32
      %mul3A_548 = arith.muli %add3A_546, %mul3A_547 : i32
      %dma_wait3A_549 = arith.constant 2 : i32
      %dma_wait3A_550 = arith.constant 2 : i32
      %dma_wait3A_551 = arith.constant 0 : i32
      %dma_wait3A_552 = arith.constant 0 : i32
      %dma_wait3A_553 = tpu.memref_slice %arg7[%dma_wait3A_549, %dma_wait3A_551, %dma_wait3A_552] : memref<5x80x128xbf16, #tpu.memory_space<vmem>> -> memref<1x80x128xbf16, #tpu.memory_space<vmem>>
      %dma_wait3A_554 = tpu.memref_squeeze %dma_wait3A_553 : memref<1x80x128xbf16, #tpu.memory_space<vmem>> -> memref<80x128xbf16, #tpu.memory_space<vmem>>
      %dma_wait3A_555 = tpu.memref_slice %arg5[%mul3A_548] : memref<10000xi32, #tpu.memory_space<vmem>> -> memref<80xi32, #tpu.memory_space<vmem>>
      %dma_wait3A_556 = arith.constant 0 : i32
      %dma_wait3A_557 = arith.constant 0 : i32
      %dma_wait3A_558 = tpu.memref_slice %arg2[%dma_wait3A_556, %dma_wait3A_557] : memref<10000x128xbf16, #tpu.memory_space<hbm>> -> memref<10000x128xbf16, #tpu.memory_space<hbm>>
      %dma_wait3A_559 = tpu.memref_slice %arg9[%dma_wait3A_550] : memref<5x!tpu.dma_semaphore, #tpu.memory_space<semaphore_mem>> -> memref<1x!tpu.dma_semaphore, #tpu.memory_space<semaphore_mem>>
      %dma_wait3A_560 = tpu.memref_squeeze %dma_wait3A_559 : memref<1x!tpu.dma_semaphore, #tpu.memory_space<semaphore_mem>> -> memref<!tpu.dma_semaphore, #tpu.memory_space<semaphore_mem>>
      tpu.wait_indirect_dma semaphore(%dma_wait3A_560 : memref<!tpu.dma_semaphore, #tpu.memory_space<semaphore_mem>>) src(%dma_wait3A_558 : memref<10000x128xbf16, #tpu.memory_space<hbm>>) dst(%dma_wait3A_554 : memref<80x128xbf16, #tpu.memory_space<vmem>>)
      %mul3A_561 = arith.constant 80 : i32
      %mul3A_562 = arith.muli %add3A_546, %mul3A_561 : i32
      %dma_start3A_563 = arith.constant 2 : i32
      %dma_start3A_564 = arith.constant 2 : i32
      %dma_start3A_565 = arith.constant 0 : i32
      %dma_start3A_566 = arith.constant 0 : i32
      %dma_start3A_567 = tpu.memref_slice %arg7[%dma_start3A_563, %dma_start3A_565, %dma_start3A_566] : memref<5x80x128xbf16, #tpu.memory_space<vmem>> -> memref<1x80x128xbf16, #tpu.memory_space<vmem>>
      %dma_start3A_568 = tpu.memref_squeeze %dma_start3A_567 : memref<1x80x128xbf16, #tpu.memory_space<vmem>> -> memref<80x128xbf16, #tpu.memory_space<vmem>>
      %dma_start3A_569 = tpu.memref_slice %arg6[%mul3A_562] : memref<10000xi32, #tpu.memory_space<vmem>> -> memref<80xi32, #tpu.memory_space<vmem>>
      %dma_start3A_570 = arith.constant 0 : i32
      %dma_start3A_571 = arith.constant 0 : i32
      %dma_start3A_572 = tpu.memref_slice %arg8[%dma_start3A_570, %dma_start3A_571] : memref<10240x128xbf16, #tpu.memory_space<vmem_shared>> -> memref<10240x128xbf16, #tpu.memory_space<vmem_shared>>
      %dma_start3A_573 = tpu.memref_slice %arg10[%dma_start3A_564] : memref<5x!tpu.dma_semaphore, #tpu.memory_space<semaphore_mem>> -> memref<1x!tpu.dma_semaphore, #tpu.memory_space<semaphore_mem>>
      %dma_start3A_574 = tpu.memref_squeeze %dma_start3A_573 : memref<1x!tpu.dma_semaphore, #tpu.memory_space<semaphore_mem>> -> memref<!tpu.dma_semaphore, #tpu.memory_space<semaphore_mem>>
      tpu.enqueue_indirect_dma source(%dma_start3A_568 : memref<80x128xbf16, #tpu.memory_space<vmem>>) target(%dma_start3A_572 : memref<10240x128xbf16, #tpu.memory_space<vmem_shared>>) offsets(%dma_start3A_569 : memref<80xi32, #tpu.memory_space<vmem>>) semaphore(%dma_start3A_574 : memref<!tpu.dma_semaphore, #tpu.memory_space<semaphore_mem>>) {add = true}
      %add3A_575 = arith.constant 3 : i32
      %add3A_576 = arith.addi %mul3A_484, %add3A_575 : i32
      %mul3A_577 = arith.constant 80 : i32
      %mul3A_578 = arith.muli %add3A_576, %mul3A_577 : i32
      %dma_wait3A_579 = arith.constant 3 : i32
      %dma_wait3A_580 = arith.constant 3 : i32
      %dma_wait3A_581 = arith.constant 0 : i32
      %dma_wait3A_582 = arith.constant 0 : i32
      %dma_wait3A_583 = tpu.memref_slice %arg7[%dma_wait3A_579, %dma_wait3A_581, %dma_wait3A_582] : memref<5x80x128xbf16, #tpu.memory_space<vmem>> -> memref<1x80x128xbf16, #tpu.memory_space<vmem>>
      %dma_wait3A_584 = tpu.memref_squeeze %dma_wait3A_583 : memref<1x80x128xbf16, #tpu.memory_space<vmem>> -> memref<80x128xbf16, #tpu.memory_space<vmem>>
      %dma_wait3A_585 = tpu.memref_slice %arg5[%mul3A_578] : memref<10000xi32, #tpu.memory_space<vmem>> -> memref<80xi32, #tpu.memory_space<vmem>>
      %dma_wait3A_586 = arith.constant 0 : i32
      %dma_wait3A_587 = arith.constant 0 : i32
      %dma_wait3A_588 = tpu.memref_slice %arg2[%dma_wait3A_586, %dma_wait3A_587] : memref<10000x128xbf16, #tpu.memory_space<hbm>> -> memref<10000x128xbf16, #tpu.memory_space<hbm>>
      %dma_wait3A_589 = tpu.memref_slice %arg9[%dma_wait3A_580] : memref<5x!tpu.dma_semaphore, #tpu.memory_space<semaphore_mem>> -> memref<1x!tpu.dma_semaphore, #tpu.memory_space<semaphore_mem>>
      %dma_wait3A_590 = tpu.memref_squeeze %dma_wait3A_589 : memref<1x!tpu.dma_semaphore, #tpu.memory_space<semaphore_mem>> -> memref<!tpu.dma_semaphore, #tpu.memory_space<semaphore_mem>>
      tpu.wait_indirect_dma semaphore(%dma_wait3A_590 : memref<!tpu.dma_semaphore, #tpu.memory_space<semaphore_mem>>) src(%dma_wait3A_588 : memref<10000x128xbf16, #tpu.memory_space<hbm>>) dst(%dma_wait3A_584 : memref<80x128xbf16, #tpu.memory_space<vmem>>)
      %mul3A_591 = arith.constant 80 : i32
      %mul3A_592 = arith.muli %add3A_576, %mul3A_591 : i32
      %dma_start3A_593 = arith.constant 3 : i32
      %dma_start3A_594 = arith.constant 3 : i32
      %dma_start3A_595 = arith.constant 0 : i32
      %dma_start3A_596 = arith.constant 0 : i32
      %dma_start3A_597 = tpu.memref_slice %arg7[%dma_start3A_593, %dma_start3A_595, %dma_start3A_596] : memref<5x80x128xbf16, #tpu.memory_space<vmem>> -> memref<1x80x128xbf16, #tpu.memory_space<vmem>>
      %dma_start3A_598 = tpu.memref_squeeze %dma_start3A_597 : memref<1x80x128xbf16, #tpu.memory_space<vmem>> -> memref<80x128xbf16, #tpu.memory_space<vmem>>
      %dma_start3A_599 = tpu.memref_slice %arg6[%mul3A_592] : memref<10000xi32, #tpu.memory_space<vmem>> -> memref<80xi32, #tpu.memory_space<vmem>>
      %dma_start3A_600 = arith.constant 0 : i32
      %dma_start3A_601 = arith.constant 0 : i32
      %dma_start3A_602 = tpu.memref_slice %arg8[%dma_start3A_600, %dma_start3A_601] : memref<10240x128xbf16, #tpu.memory_space<vmem_shared>> -> memref<10240x128xbf16, #tpu.memory_space<vmem_shared>>
      %dma_start3A_603 = tpu.memref_slice %arg10[%dma_start3A_594] : memref<5x!tpu.dma_semaphore, #tpu.memory_space<semaphore_mem>> -> memref<1x!tpu.dma_semaphore, #tpu.memory_space<semaphore_mem>>
      %dma_start3A_604 = tpu.memref_squeeze %dma_start3A_603 : memref<1x!tpu.dma_semaphore, #tpu.memory_space<semaphore_mem>> -> memref<!tpu.dma_semaphore, #tpu.memory_space<semaphore_mem>>
      tpu.enqueue_indirect_dma source(%dma_start3A_598 : memref<80x128xbf16, #tpu.memory_space<vmem>>) target(%dma_start3A_602 : memref<10240x128xbf16, #tpu.memory_space<vmem_shared>>) offsets(%dma_start3A_599 : memref<80xi32, #tpu.memory_space<vmem>>) semaphore(%dma_start3A_604 : memref<!tpu.dma_semaphore, #tpu.memory_space<semaphore_mem>>) {add = true}
      %add3A_605 = arith.constant 4 : i32
      %add3A_606 = arith.addi %mul3A_484, %add3A_605 : i32
      %mul3A_607 = arith.constant 80 : i32
      %mul3A_608 = arith.muli %add3A_606, %mul3A_607 : i32
      %dma_wait3A_609 = arith.constant 4 : i32
      %dma_wait3A_610 = arith.constant 4 : i32
      %dma_wait3A_611 = arith.constant 0 : i32
      %dma_wait3A_612 = arith.constant 0 : i32
      %dma_wait3A_613 = tpu.memref_slice %arg7[%dma_wait3A_609, %dma_wait3A_611, %dma_wait3A_612] : memref<5x80x128xbf16, #tpu.memory_space<vmem>> -> memref<1x80x128xbf16, #tpu.memory_space<vmem>>
      %dma_wait3A_614 = tpu.memref_squeeze %dma_wait3A_613 : memref<1x80x128xbf16, #tpu.memory_space<vmem>> -> memref<80x128xbf16, #tpu.memory_space<vmem>>
      %dma_wait3A_615 = tpu.memref_slice %arg5[%mul3A_608] : memref<10000xi32, #tpu.memory_space<vmem>> -> memref<80xi32, #tpu.memory_space<vmem>>
      %dma_wait3A_616 = arith.constant 0 : i32
      %dma_wait3A_617 = arith.constant 0 : i32
      %dma_wait3A_618 = tpu.memref_slice %arg2[%dma_wait3A_616, %dma_wait3A_617] : memref<10000x128xbf16, #tpu.memory_space<hbm>> -> memref<10000x128xbf16, #tpu.memory_space<hbm>>
      %dma_wait3A_619 = tpu.memref_slice %arg9[%dma_wait3A_610] : memref<5x!tpu.dma_semaphore, #tpu.memory_space<semaphore_mem>> -> memref<1x!tpu.dma_semaphore, #tpu.memory_space<semaphore_mem>>
      %dma_wait3A_620 = tpu.memref_squeeze %dma_wait3A_619 : memref<1x!tpu.dma_semaphore, #tpu.memory_space<semaphore_mem>> -> memref<!tpu.dma_semaphore, #tpu.memory_space<semaphore_mem>>
      tpu.wait_indirect_dma semaphore(%dma_wait3A_620 : memref<!tpu.dma_semaphore, #tpu.memory_space<semaphore_mem>>) src(%dma_wait3A_618 : memref<10000x128xbf16, #tpu.memory_space<hbm>>) dst(%dma_wait3A_614 : memref<80x128xbf16, #tpu.memory_space<vmem>>)
      %mul3A_621 = arith.constant 80 : i32
      %mul3A_622 = arith.muli %add3A_606, %mul3A_621 : i32
      %dma_start3A_623 = arith.constant 4 : i32
      %dma_start3A_624 = arith.constant 4 : i32
      %dma_start3A_625 = arith.constant 0 : i32
      %dma_start3A_626 = arith.constant 0 : i32
      %dma_start3A_627 = tpu.memref_slice %arg7[%dma_start3A_623, %dma_start3A_625, %dma_start3A_626] : memref<5x80x128xbf16, #tpu.memory_space<vmem>> -> memref<1x80x128xbf16, #tpu.memory_space<vmem>>
      %dma_start3A_628 = tpu.memref_squeeze %dma_start3A_627 : memref<1x80x128xbf16, #tpu.memory_space<vmem>> -> memref<80x128xbf16, #tpu.memory_space<vmem>>
      %dma_start3A_629 = tpu.memref_slice %arg6[%mul3A_622] : memref<10000xi32, #tpu.memory_space<vmem>> -> memref<80xi32, #tpu.memory_space<vmem>>
      %dma_start3A_630 = arith.constant 0 : i32
      %dma_start3A_631 = arith.constant 0 : i32
      %dma_start3A_632 = tpu.memref_slice %arg8[%dma_start3A_630, %dma_start3A_631] : memref<10240x128xbf16, #tpu.memory_space<vmem_shared>> -> memref<10240x128xbf16, #tpu.memory_space<vmem_shared>>
      %dma_start3A_633 = tpu.memref_slice %arg10[%dma_start3A_624] : memref<5x!tpu.dma_semaphore, #tpu.memory_space<semaphore_mem>> -> memref<1x!tpu.dma_semaphore, #tpu.memory_space<semaphore_mem>>
      %dma_start3A_634 = tpu.memref_squeeze %dma_start3A_633 : memref<1x!tpu.dma_semaphore, #tpu.memory_space<semaphore_mem>> -> memref<!tpu.dma_semaphore, #tpu.memory_space<semaphore_mem>>
      tpu.enqueue_indirect_dma source(%dma_start3A_628 : memref<80x128xbf16, #tpu.memory_space<vmem>>) target(%dma_start3A_632 : memref<10240x128xbf16, #tpu.memory_space<vmem_shared>>) offsets(%dma_start3A_629 : memref<80xi32, #tpu.memory_space<vmem>>) semaphore(%dma_start3A_634 : memref<!tpu.dma_semaphore, #tpu.memory_space<semaphore_mem>>) {add = true}
      %add3A_635 = arith.constant 5 : i32
      %add3A_636 = arith.addi %mul3A_484, %add3A_635 : i32
      %add3A_637 = arith.constant 0 : i32
      %add3A_638 = arith.addi %add3A_636, %add3A_637 : i32
      %lt3A = arith.constant 125 : i32
      %lt3A_639 = arith.cmpi slt, %add3A_638, %lt3A : i32
      %convert_element_type3A = arith.extui %lt3A_639 : i1 to i32
      %cond3A = arith.constant 0 : i32
      %cond3A_640 = arith.cmpi ne, %convert_element_type3A, %cond3A : i32
      scf.if %cond3A_640 {
        %dma_wait3A_677 = arith.constant 0 : i32
        %dma_wait3A_678 = arith.constant 0 : i32
        %dma_wait3A_679 = arith.constant 0 : i32
        %dma_wait3A_680 = arith.constant 0 : i32
        %dma_wait3A_681 = tpu.memref_slice %arg7[%dma_wait3A_677, %dma_wait3A_679, %dma_wait3A_680] : memref<5x80x128xbf16, #tpu.memory_space<vmem>> -> memref<1x80x128xbf16, #tpu.memory_space<vmem>>
        %dma_wait3A_682 = tpu.memref_squeeze %dma_wait3A_681 : memref<1x80x128xbf16, #tpu.memory_space<vmem>> -> memref<80x128xbf16, #tpu.memory_space<vmem>>
        %dma_wait3A_683 = arith.constant 0 : i32
        %dma_wait3A_684 = tpu.memref_slice %arg6[%dma_wait3A_683] : memref<10000xi32, #tpu.memory_space<vmem>> -> memref<80xi32, #tpu.memory_space<vmem>>
        %dma_wait3A_685 = arith.constant 0 : i32
        %dma_wait3A_686 = arith.constant 0 : i32
        %dma_wait3A_687 = tpu.memref_slice %arg8[%dma_wait3A_685, %dma_wait3A_686] : memref<10240x128xbf16, #tpu.memory_space<vmem_shared>> -> memref<10240x128xbf16, #tpu.memory_space<vmem_shared>>
        %dma_wait3A_688 = tpu.memref_slice %arg10[%dma_wait3A_678] : memref<5x!tpu.dma_semaphore, #tpu.memory_space<semaphore_mem>> -> memref<1x!tpu.dma_semaphore, #tpu.memory_space<semaphore_mem>>
        %dma_wait3A_689 = tpu.memref_squeeze %dma_wait3A_688 : memref<1x!tpu.dma_semaphore, #tpu.memory_space<semaphore_mem>> -> memref<!tpu.dma_semaphore, #tpu.memory_space<semaphore_mem>>
        tpu.wait_indirect_dma semaphore(%dma_wait3A_689 : memref<!tpu.dma_semaphore, #tpu.memory_space<semaphore_mem>>) src(%dma_wait3A_682 : memref<80x128xbf16, #tpu.memory_space<vmem>>) dst(%dma_wait3A_687 : memref<10240x128xbf16, #tpu.memory_space<vmem_shared>>)
        %mul3A_690 = arith.constant 80 : i32
        %mul3A_691 = arith.muli %add3A_638, %mul3A_690 : i32
        %dma_start3A_692 = arith.constant 0 : i32
        %dma_start3A_693 = arith.constant 0 : i32
        %dma_start3A_694 = arith.constant 0 : i32
        %dma_start3A_695 = arith.constant 0 : i32
        %dma_start3A_696 = tpu.memref_slice %arg7[%dma_start3A_692, %dma_start3A_694, %dma_start3A_695] : memref<5x80x128xbf16, #tpu.memory_space<vmem>> -> memref<1x80x128xbf16, #tpu.memory_space<vmem>>
        %dma_start3A_697 = tpu.memref_squeeze %dma_start3A_696 : memref<1x80x128xbf16, #tpu.memory_space<vmem>> -> memref<80x128xbf16, #tpu.memory_space<vmem>>
        %dma_start3A_698 = tpu.memref_slice %arg5[%mul3A_691] : memref<10000xi32, #tpu.memory_space<vmem>> -> memref<80xi32, #tpu.memory_space<vmem>>
        %dma_start3A_699 = arith.constant 0 : i32
        %dma_start3A_700 = arith.constant 0 : i32
        %dma_start3A_701 = tpu.memref_slice %arg2[%dma_start3A_699, %dma_start3A_700] : memref<10000x128xbf16, #tpu.memory_space<hbm>> -> memref<10000x128xbf16, #tpu.memory_space<hbm>>
        %dma_start3A_702 = tpu.memref_slice %arg9[%dma_start3A_693] : memref<5x!tpu.dma_semaphore, #tpu.memory_space<semaphore_mem>> -> memref<1x!tpu.dma_semaphore, #tpu.memory_space<semaphore_mem>>
        %dma_start3A_703 = tpu.memref_squeeze %dma_start3A_702 : memref<1x!tpu.dma_semaphore, #tpu.memory_space<semaphore_mem>> -> memref<!tpu.dma_semaphore, #tpu.memory_space<semaphore_mem>>
        tpu.enqueue_indirect_dma source(%dma_start3A_701 : memref<10000x128xbf16, #tpu.memory_space<hbm>>) target(%dma_start3A_697 : memref<80x128xbf16, #tpu.memory_space<vmem>>) offsets(%dma_start3A_698 : memref<80xi32, #tpu.memory_space<vmem>>) semaphore(%dma_start3A_703 : memref<!tpu.dma_semaphore, #tpu.memory_space<semaphore_mem>>)
      } else {
      }
      %add3A_641 = arith.constant 5 : i32
      %add3A_642 = arith.addi %mul3A_484, %add3A_641 : i32
      %add3A_643 = arith.constant 1 : i32
      %add3A_644 = arith.addi %add3A_642, %add3A_643 : i32
      %lt3A_645 = arith.constant 125 : i32
      %lt3A_646 = arith.cmpi slt, %add3A_644, %lt3A_645 : i32
      %convert_element_type3A_647 = arith.extui %lt3A_646 : i1 to i32
      %cond3A_648 = arith.constant 0 : i32
      %cond3A_649 = arith.cmpi ne, %convert_element_type3A_647, %cond3A_648 : i32
      scf.if %cond3A_649 {
        %dma_wait3A_677 = arith.constant 1 : i32
        %dma_wait3A_678 = arith.constant 1 : i32
        %dma_wait3A_679 = arith.constant 0 : i32
        %dma_wait3A_680 = arith.constant 0 : i32
        %dma_wait3A_681 = tpu.memref_slice %arg7[%dma_wait3A_677, %dma_wait3A_679, %dma_wait3A_680] : memref<5x80x128xbf16, #tpu.memory_space<vmem>> -> memref<1x80x128xbf16, #tpu.memory_space<vmem>>
        %dma_wait3A_682 = tpu.memref_squeeze %dma_wait3A_681 : memref<1x80x128xbf16, #tpu.memory_space<vmem>> -> memref<80x128xbf16, #tpu.memory_space<vmem>>
        %dma_wait3A_683 = arith.constant 0 : i32
        %dma_wait3A_684 = tpu.memref_slice %arg6[%dma_wait3A_683] : memref<10000xi32, #tpu.memory_space<vmem>> -> memref<80xi32, #tpu.memory_space<vmem>>
        %dma_wait3A_685 = arith.constant 0 : i32
        %dma_wait3A_686 = arith.constant 0 : i32
        %dma_wait3A_687 = tpu.memref_slice %arg8[%dma_wait3A_685, %dma_wait3A_686] : memref<10240x128xbf16, #tpu.memory_space<vmem_shared>> -> memref<10240x128xbf16, #tpu.memory_space<vmem_shared>>
        %dma_wait3A_688 = tpu.memref_slice %arg10[%dma_wait3A_678] : memref<5x!tpu.dma_semaphore, #tpu.memory_space<semaphore_mem>> -> memref<1x!tpu.dma_semaphore, #tpu.memory_space<semaphore_mem>>
        %dma_wait3A_689 = tpu.memref_squeeze %dma_wait3A_688 : memref<1x!tpu.dma_semaphore, #tpu.memory_space<semaphore_mem>> -> memref<!tpu.dma_semaphore, #tpu.memory_space<semaphore_mem>>
        tpu.wait_indirect_dma semaphore(%dma_wait3A_689 : memref<!tpu.dma_semaphore, #tpu.memory_space<semaphore_mem>>) src(%dma_wait3A_682 : memref<80x128xbf16, #tpu.memory_space<vmem>>) dst(%dma_wait3A_687 : memref<10240x128xbf16, #tpu.memory_space<vmem_shared>>)
        %mul3A_690 = arith.constant 80 : i32
        %mul3A_691 = arith.muli %add3A_644, %mul3A_690 : i32
        %dma_start3A_692 = arith.constant 1 : i32
        %dma_start3A_693 = arith.constant 1 : i32
        %dma_start3A_694 = arith.constant 0 : i32
        %dma_start3A_695 = arith.constant 0 : i32
        %dma_start3A_696 = tpu.memref_slice %arg7[%dma_start3A_692, %dma_start3A_694, %dma_start3A_695] : memref<5x80x128xbf16, #tpu.memory_space<vmem>> -> memref<1x80x128xbf16, #tpu.memory_space<vmem>>
        %dma_start3A_697 = tpu.memref_squeeze %dma_start3A_696 : memref<1x80x128xbf16, #tpu.memory_space<vmem>> -> memref<80x128xbf16, #tpu.memory_space<vmem>>
        %dma_start3A_698 = tpu.memref_slice %arg5[%mul3A_691] : memref<10000xi32, #tpu.memory_space<vmem>> -> memref<80xi32, #tpu.memory_space<vmem>>
        %dma_start3A_699 = arith.constant 0 : i32
        %dma_start3A_700 = arith.constant 0 : i32
        %dma_start3A_701 = tpu.memref_slice %arg2[%dma_start3A_699, %dma_start3A_700] : memref<10000x128xbf16, #tpu.memory_space<hbm>> -> memref<10000x128xbf16, #tpu.memory_space<hbm>>
        %dma_start3A_702 = tpu.memref_slice %arg9[%dma_start3A_693] : memref<5x!tpu.dma_semaphore, #tpu.memory_space<semaphore_mem>> -> memref<1x!tpu.dma_semaphore, #tpu.memory_space<semaphore_mem>>
        %dma_start3A_703 = tpu.memref_squeeze %dma_start3A_702 : memref<1x!tpu.dma_semaphore, #tpu.memory_space<semaphore_mem>> -> memref<!tpu.dma_semaphore, #tpu.memory_space<semaphore_mem>>
        tpu.enqueue_indirect_dma source(%dma_start3A_701 : memref<10000x128xbf16, #tpu.memory_space<hbm>>) target(%dma_start3A_697 : memref<80x128xbf16, #tpu.memory_space<vmem>>) offsets(%dma_start3A_698 : memref<80xi32, #tpu.memory_space<vmem>>) semaphore(%dma_start3A_703 : memref<!tpu.dma_semaphore, #tpu.memory_space<semaphore_mem>>)
      } else {
      }
      %add3A_650 = arith.constant 5 : i32
      %add3A_651 = arith.addi %mul3A_484, %add3A_650 : i32
      %add3A_652 = arith.constant 2 : i32
      %add3A_653 = arith.addi %add3A_651, %add3A_652 : i32
      %lt3A_654 = arith.constant 125 : i32
      %lt3A_655 = arith.cmpi slt, %add3A_653, %lt3A_654 : i32
      %convert_element_type3A_656 = arith.extui %lt3A_655 : i1 to i32
      %cond3A_657 = arith.constant 0 : i32
      %cond3A_658 = arith.cmpi ne, %convert_element_type3A_656, %cond3A_657 : i32
      scf.if %cond3A_658 {
        %dma_wait3A_677 = arith.constant 2 : i32
        %dma_wait3A_678 = arith.constant 2 : i32
        %dma_wait3A_679 = arith.constant 0 : i32
        %dma_wait3A_680 = arith.constant 0 : i32
        %dma_wait3A_681 = tpu.memref_slice %arg7[%dma_wait3A_677, %dma_wait3A_679, %dma_wait3A_680] : memref<5x80x128xbf16, #tpu.memory_space<vmem>> -> memref<1x80x128xbf16, #tpu.memory_space<vmem>>
        %dma_wait3A_682 = tpu.memref_squeeze %dma_wait3A_681 : memref<1x80x128xbf16, #tpu.memory_space<vmem>> -> memref<80x128xbf16, #tpu.memory_space<vmem>>
        %dma_wait3A_683 = arith.constant 0 : i32
        %dma_wait3A_684 = tpu.memref_slice %arg6[%dma_wait3A_683] : memref<10000xi32, #tpu.memory_space<vmem>> -> memref<80xi32, #tpu.memory_space<vmem>>
        %dma_wait3A_685 = arith.constant 0 : i32
        %dma_wait3A_686 = arith.constant 0 : i32
        %dma_wait3A_687 = tpu.memref_slice %arg8[%dma_wait3A_685, %dma_wait3A_686] : memref<10240x128xbf16, #tpu.memory_space<vmem_shared>> -> memref<10240x128xbf16, #tpu.memory_space<vmem_shared>>
        %dma_wait3A_688 = tpu.memref_slice %arg10[%dma_wait3A_678] : memref<5x!tpu.dma_semaphore, #tpu.memory_space<semaphore_mem>> -> memref<1x!tpu.dma_semaphore, #tpu.memory_space<semaphore_mem>>
        %dma_wait3A_689 = tpu.memref_squeeze %dma_wait3A_688 : memref<1x!tpu.dma_semaphore, #tpu.memory_space<semaphore_mem>> -> memref<!tpu.dma_semaphore, #tpu.memory_space<semaphore_mem>>
        tpu.wait_indirect_dma semaphore(%dma_wait3A_689 : memref<!tpu.dma_semaphore, #tpu.memory_space<semaphore_mem>>) src(%dma_wait3A_682 : memref<80x128xbf16, #tpu.memory_space<vmem>>) dst(%dma_wait3A_687 : memref<10240x128xbf16, #tpu.memory_space<vmem_shared>>)
        %mul3A_690 = arith.constant 80 : i32
        %mul3A_691 = arith.muli %add3A_653, %mul3A_690 : i32
        %dma_start3A_692 = arith.constant 2 : i32
        %dma_start3A_693 = arith.constant 2 : i32
        %dma_start3A_694 = arith.constant 0 : i32
        %dma_start3A_695 = arith.constant 0 : i32
        %dma_start3A_696 = tpu.memref_slice %arg7[%dma_start3A_692, %dma_start3A_694, %dma_start3A_695] : memref<5x80x128xbf16, #tpu.memory_space<vmem>> -> memref<1x80x128xbf16, #tpu.memory_space<vmem>>
        %dma_start3A_697 = tpu.memref_squeeze %dma_start3A_696 : memref<1x80x128xbf16, #tpu.memory_space<vmem>> -> memref<80x128xbf16, #tpu.memory_space<vmem>>
        %dma_start3A_698 = tpu.memref_slice %arg5[%mul3A_691] : memref<10000xi32, #tpu.memory_space<vmem>> -> memref<80xi32, #tpu.memory_space<vmem>>
        %dma_start3A_699 = arith.constant 0 : i32
        %dma_start3A_700 = arith.constant 0 : i32
        %dma_start3A_701 = tpu.memref_slice %arg2[%dma_start3A_699, %dma_start3A_700] : memref<10000x128xbf16, #tpu.memory_space<hbm>> -> memref<10000x128xbf16, #tpu.memory_space<hbm>>
        %dma_start3A_702 = tpu.memref_slice %arg9[%dma_start3A_693] : memref<5x!tpu.dma_semaphore, #tpu.memory_space<semaphore_mem>> -> memref<1x!tpu.dma_semaphore, #tpu.memory_space<semaphore_mem>>
        %dma_start3A_703 = tpu.memref_squeeze %dma_start3A_702 : memref<1x!tpu.dma_semaphore, #tpu.memory_space<semaphore_mem>> -> memref<!tpu.dma_semaphore, #tpu.memory_space<semaphore_mem>>
        tpu.enqueue_indirect_dma source(%dma_start3A_701 : memref<10000x128xbf16, #tpu.memory_space<hbm>>) target(%dma_start3A_697 : memref<80x128xbf16, #tpu.memory_space<vmem>>) offsets(%dma_start3A_698 : memref<80xi32, #tpu.memory_space<vmem>>) semaphore(%dma_start3A_703 : memref<!tpu.dma_semaphore, #tpu.memory_space<semaphore_mem>>)
      } else {
      }
      %add3A_659 = arith.constant 5 : i32
      %add3A_660 = arith.addi %mul3A_484, %add3A_659 : i32
      %add3A_661 = arith.constant 3 : i32
      %add3A_662 = arith.addi %add3A_660, %add3A_661 : i32
      %lt3A_663 = arith.constant 125 : i32
      %lt3A_664 = arith.cmpi slt, %add3A_662, %lt3A_663 : i32
      %convert_element_type3A_665 = arith.extui %lt3A_664 : i1 to i32
      %cond3A_666 = arith.constant 0 : i32
      %cond3A_667 = arith.cmpi ne, %convert_element_type3A_665, %cond3A_666 : i32
      scf.if %cond3A_667 {
        %dma_wait3A_677 = arith.constant 3 : i32
        %dma_wait3A_678 = arith.constant 3 : i32
        %dma_wait3A_679 = arith.constant 0 : i32
        %dma_wait3A_680 = arith.constant 0 : i32
        %dma_wait3A_681 = tpu.memref_slice %arg7[%dma_wait3A_677, %dma_wait3A_679, %dma_wait3A_680] : memref<5x80x128xbf16, #tpu.memory_space<vmem>> -> memref<1x80x128xbf16, #tpu.memory_space<vmem>>
        %dma_wait3A_682 = tpu.memref_squeeze %dma_wait3A_681 : memref<1x80x128xbf16, #tpu.memory_space<vmem>> -> memref<80x128xbf16, #tpu.memory_space<vmem>>
        %dma_wait3A_683 = arith.constant 0 : i32
        %dma_wait3A_684 = tpu.memref_slice %arg6[%dma_wait3A_683] : memref<10000xi32, #tpu.memory_space<vmem>> -> memref<80xi32, #tpu.memory_space<vmem>>
        %dma_wait3A_685 = arith.constant 0 : i32
        %dma_wait3A_686 = arith.constant 0 : i32
        %dma_wait3A_687 = tpu.memref_slice %arg8[%dma_wait3A_685, %dma_wait3A_686] : memref<10240x128xbf16, #tpu.memory_space<vmem_shared>> -> memref<10240x128xbf16, #tpu.memory_space<vmem_shared>>
        %dma_wait3A_688 = tpu.memref_slice %arg10[%dma_wait3A_678] : memref<5x!tpu.dma_semaphore, #tpu.memory_space<semaphore_mem>> -> memref<1x!tpu.dma_semaphore, #tpu.memory_space<semaphore_mem>>
        %dma_wait3A_689 = tpu.memref_squeeze %dma_wait3A_688 : memref<1x!tpu.dma_semaphore, #tpu.memory_space<semaphore_mem>> -> memref<!tpu.dma_semaphore, #tpu.memory_space<semaphore_mem>>
        tpu.wait_indirect_dma semaphore(%dma_wait3A_689 : memref<!tpu.dma_semaphore, #tpu.memory_space<semaphore_mem>>) src(%dma_wait3A_682 : memref<80x128xbf16, #tpu.memory_space<vmem>>) dst(%dma_wait3A_687 : memref<10240x128xbf16, #tpu.memory_space<vmem_shared>>)
        %mul3A_690 = arith.constant 80 : i32
        %mul3A_691 = arith.muli %add3A_662, %mul3A_690 : i32
        %dma_start3A_692 = arith.constant 3 : i32
        %dma_start3A_693 = arith.constant 3 : i32
        %dma_start3A_694 = arith.constant 0 : i32
        %dma_start3A_695 = arith.constant 0 : i32
        %dma_start3A_696 = tpu.memref_slice %arg7[%dma_start3A_692, %dma_start3A_694, %dma_start3A_695] : memref<5x80x128xbf16, #tpu.memory_space<vmem>> -> memref<1x80x128xbf16, #tpu.memory_space<vmem>>
        %dma_start3A_697 = tpu.memref_squeeze %dma_start3A_696 : memref<1x80x128xbf16, #tpu.memory_space<vmem>> -> memref<80x128xbf16, #tpu.memory_space<vmem>>
        %dma_start3A_698 = tpu.memref_slice %arg5[%mul3A_691] : memref<10000xi32, #tpu.memory_space<vmem>> -> memref<80xi32, #tpu.memory_space<vmem>>
        %dma_start3A_699 = arith.constant 0 : i32
        %dma_start3A_700 = arith.constant 0 : i32
        %dma_start3A_701 = tpu.memref_slice %arg2[%dma_start3A_699, %dma_start3A_700] : memref<10000x128xbf16, #tpu.memory_space<hbm>> -> memref<10000x128xbf16, #tpu.memory_space<hbm>>
        %dma_start3A_702 = tpu.memref_slice %arg9[%dma_start3A_693] : memref<5x!tpu.dma_semaphore, #tpu.memory_space<semaphore_mem>> -> memref<1x!tpu.dma_semaphore, #tpu.memory_space<semaphore_mem>>
        %dma_start3A_703 = tpu.memref_squeeze %dma_start3A_702 : memref<1x!tpu.dma_semaphore, #tpu.memory_space<semaphore_mem>> -> memref<!tpu.dma_semaphore, #tpu.memory_space<semaphore_mem>>
        tpu.enqueue_indirect_dma source(%dma_start3A_701 : memref<10000x128xbf16, #tpu.memory_space<hbm>>) target(%dma_start3A_697 : memref<80x128xbf16, #tpu.memory_space<vmem>>) offsets(%dma_start3A_698 : memref<80xi32, #tpu.memory_space<vmem>>) semaphore(%dma_start3A_703 : memref<!tpu.dma_semaphore, #tpu.memory_space<semaphore_mem>>)
      } else {
      }
      %add3A_668 = arith.constant 5 : i32
      %add3A_669 = arith.addi %mul3A_484, %add3A_668 : i32
      %add3A_670 = arith.constant 4 : i32
      %add3A_671 = arith.addi %add3A_669, %add3A_670 : i32
      %lt3A_672 = arith.constant 125 : i32
      %lt3A_673 = arith.cmpi slt, %add3A_671, %lt3A_672 : i32
      %convert_element_type3A_674 = arith.extui %lt3A_673 : i1 to i32
      %cond3A_675 = arith.constant 0 : i32
      %cond3A_676 = arith.cmpi ne, %convert_element_type3A_674, %cond3A_675 : i32
      scf.if %cond3A_676 {
        %dma_wait3A_677 = arith.constant 4 : i32
        %dma_wait3A_678 = arith.constant 4 : i32
        %dma_wait3A_679 = arith.constant 0 : i32
        %dma_wait3A_680 = arith.constant 0 : i32
        %dma_wait3A_681 = tpu.memref_slice %arg7[%dma_wait3A_677, %dma_wait3A_679, %dma_wait3A_680] : memref<5x80x128xbf16, #tpu.memory_space<vmem>> -> memref<1x80x128xbf16, #tpu.memory_space<vmem>>
        %dma_wait3A_682 = tpu.memref_squeeze %dma_wait3A_681 : memref<1x80x128xbf16, #tpu.memory_space<vmem>> -> memref<80x128xbf16, #tpu.memory_space<vmem>>
        %dma_wait3A_683 = arith.constant 0 : i32
        %dma_wait3A_684 = tpu.memref_slice %arg6[%dma_wait3A_683] : memref<10000xi32, #tpu.memory_space<vmem>> -> memref<80xi32, #tpu.memory_space<vmem>>
        %dma_wait3A_685 = arith.constant 0 : i32
        %dma_wait3A_686 = arith.constant 0 : i32
        %dma_wait3A_687 = tpu.memref_slice %arg8[%dma_wait3A_685, %dma_wait3A_686] : memref<10240x128xbf16, #tpu.memory_space<vmem_shared>> -> memref<10240x128xbf16, #tpu.memory_space<vmem_shared>>
        %dma_wait3A_688 = tpu.memref_slice %arg10[%dma_wait3A_678] : memref<5x!tpu.dma_semaphore, #tpu.memory_space<semaphore_mem>> -> memref<1x!tpu.dma_semaphore, #tpu.memory_space<semaphore_mem>>
        %dma_wait3A_689 = tpu.memref_squeeze %dma_wait3A_688 : memref<1x!tpu.dma_semaphore, #tpu.memory_space<semaphore_mem>> -> memref<!tpu.dma_semaphore, #tpu.memory_space<semaphore_mem>>
        tpu.wait_indirect_dma semaphore(%dma_wait3A_689 : memref<!tpu.dma_semaphore, #tpu.memory_space<semaphore_mem>>) src(%dma_wait3A_682 : memref<80x128xbf16, #tpu.memory_space<vmem>>) dst(%dma_wait3A_687 : memref<10240x128xbf16, #tpu.memory_space<vmem_shared>>)
        %mul3A_690 = arith.constant 80 : i32
        %mul3A_691 = arith.muli %add3A_671, %mul3A_690 : i32
        %dma_start3A_692 = arith.constant 4 : i32
        %dma_start3A_693 = arith.constant 4 : i32
        %dma_start3A_694 = arith.constant 0 : i32
        %dma_start3A_695 = arith.constant 0 : i32
        %dma_start3A_696 = tpu.memref_slice %arg7[%dma_start3A_692, %dma_start3A_694, %dma_start3A_695] : memref<5x80x128xbf16, #tpu.memory_space<vmem>> -> memref<1x80x128xbf16, #tpu.memory_space<vmem>>
        %dma_start3A_697 = tpu.memref_squeeze %dma_start3A_696 : memref<1x80x128xbf16, #tpu.memory_space<vmem>> -> memref<80x128xbf16, #tpu.memory_space<vmem>>
        %dma_start3A_698 = tpu.memref_slice %arg5[%mul3A_691] : memref<10000xi32, #tpu.memory_space<vmem>> -> memref<80xi32, #tpu.memory_space<vmem>>
        %dma_start3A_699 = arith.constant 0 : i32
        %dma_start3A_700 = arith.constant 0 : i32
        %dma_start3A_701 = tpu.memref_slice %arg2[%dma_start3A_699, %dma_start3A_700] : memref<10000x128xbf16, #tpu.memory_space<hbm>> -> memref<10000x128xbf16, #tpu.memory_space<hbm>>
        %dma_start3A_702 = tpu.memref_slice %arg9[%dma_start3A_693] : memref<5x!tpu.dma_semaphore, #tpu.memory_space<semaphore_mem>> -> memref<1x!tpu.dma_semaphore, #tpu.memory_space<semaphore_mem>>
        %dma_start3A_703 = tpu.memref_squeeze %dma_start3A_702 : memref<1x!tpu.dma_semaphore, #tpu.memory_space<semaphore_mem>> -> memref<!tpu.dma_semaphore, #tpu.memory_space<semaphore_mem>>
        tpu.enqueue_indirect_dma source(%dma_start3A_701 : memref<10000x128xbf16, #tpu.memory_space<hbm>>) target(%dma_start3A_697 : memref<80x128xbf16, #tpu.memory_space<vmem>>) offsets(%dma_start3A_698 : memref<80xi32, #tpu.memory_space<vmem>>) semaphore(%dma_start3A_703 : memref<!tpu.dma_semaphore, #tpu.memory_space<semaphore_mem>>)
      } else {
      }
    }
    %scan3A_411 = arith.constant 25 : i32
    %dma_wait3A_412 = arith.constant 0 : i32
    %dma_wait3A_413 = arith.constant 0 : i32
    %dma_wait3A_414 = arith.constant 0 : i32
    %dma_wait3A_415 = arith.constant 0 : i32
    %dma_wait3A_416 = tpu.memref_slice %arg7[%dma_wait3A_412, %dma_wait3A_414, %dma_wait3A_415] : memref<5x80x128xbf16, #tpu.memory_space<vmem>> -> memref<1x80x128xbf16, #tpu.memory_space<vmem>>
    %dma_wait3A_417 = tpu.memref_squeeze %dma_wait3A_416 : memref<1x80x128xbf16, #tpu.memory_space<vmem>> -> memref<80x128xbf16, #tpu.memory_space<vmem>>
    %dma_wait3A_418 = arith.constant 0 : i32
    %dma_wait3A_419 = tpu.memref_slice %arg6[%dma_wait3A_418] : memref<10000xi32, #tpu.memory_space<vmem>> -> memref<80xi32, #tpu.memory_space<vmem>>
    %dma_wait3A_420 = arith.constant 0 : i32
    %dma_wait3A_421 = arith.constant 0 : i32
    %dma_wait3A_422 = tpu.memref_slice %arg8[%dma_wait3A_420, %dma_wait3A_421] : memref<10240x128xbf16, #tpu.memory_space<vmem_shared>> -> memref<10240x128xbf16, #tpu.memory_space<vmem_shared>>
    %dma_wait3A_423 = tpu.memref_slice %arg10[%dma_wait3A_413] : memref<5x!tpu.dma_semaphore, #tpu.memory_space<semaphore_mem>> -> memref<1x!tpu.dma_semaphore, #tpu.memory_space<semaphore_mem>>
    %dma_wait3A_424 = tpu.memref_squeeze %dma_wait3A_423 : memref<1x!tpu.dma_semaphore, #tpu.memory_space<semaphore_mem>> -> memref<!tpu.dma_semaphore, #tpu.memory_space<semaphore_mem>>
    tpu.wait_indirect_dma semaphore(%dma_wait3A_424 : memref<!tpu.dma_semaphore, #tpu.memory_space<semaphore_mem>>) src(%dma_wait3A_417 : memref<80x128xbf16, #tpu.memory_space<vmem>>) dst(%dma_wait3A_422 : memref<10240x128xbf16, #tpu.memory_space<vmem_shared>>)
    %dma_wait3A_425 = arith.constant 1 : i32
    %dma_wait3A_426 = arith.constant 1 : i32
    %dma_wait3A_427 = arith.constant 0 : i32
    %dma_wait3A_428 = arith.constant 0 : i32
    %dma_wait3A_429 = tpu.memref_slice %arg7[%dma_wait3A_425, %dma_wait3A_427, %dma_wait3A_428] : memref<5x80x128xbf16, #tpu.memory_space<vmem>> -> memref<1x80x128xbf16, #tpu.memory_space<vmem>>
    %dma_wait3A_430 = tpu.memref_squeeze %dma_wait3A_429 : memref<1x80x128xbf16, #tpu.memory_space<vmem>> -> memref<80x128xbf16, #tpu.memory_space<vmem>>
    %dma_wait3A_431 = arith.constant 0 : i32
    %dma_wait3A_432 = tpu.memref_slice %arg6[%dma_wait3A_431] : memref<10000xi32, #tpu.memory_space<vmem>> -> memref<80xi32, #tpu.memory_space<vmem>>
    %dma_wait3A_433 = arith.constant 0 : i32
    %dma_wait3A_434 = arith.constant 0 : i32
    %dma_wait3A_435 = tpu.memref_slice %arg8[%dma_wait3A_433, %dma_wait3A_434] : memref<10240x128xbf16, #tpu.memory_space<vmem_shared>> -> memref<10240x128xbf16, #tpu.memory_space<vmem_shared>>
    %dma_wait3A_436 = tpu.memref_slice %arg10[%dma_wait3A_426] : memref<5x!tpu.dma_semaphore, #tpu.memory_space<semaphore_mem>> -> memref<1x!tpu.dma_semaphore, #tpu.memory_space<semaphore_mem>>
    %dma_wait3A_437 = tpu.memref_squeeze %dma_wait3A_436 : memref<1x!tpu.dma_semaphore, #tpu.memory_space<semaphore_mem>> -> memref<!tpu.dma_semaphore, #tpu.memory_space<semaphore_mem>>
    tpu.wait_indirect_dma semaphore(%dma_wait3A_437 : memref<!tpu.dma_semaphore, #tpu.memory_space<semaphore_mem>>) src(%dma_wait3A_430 : memref<80x128xbf16, #tpu.memory_space<vmem>>) dst(%dma_wait3A_435 : memref<10240x128xbf16, #tpu.memory_space<vmem_shared>>)
    %dma_wait3A_438 = arith.constant 2 : i32
    %dma_wait3A_439 = arith.constant 2 : i32
    %dma_wait3A_440 = arith.constant 0 : i32
    %dma_wait3A_441 = arith.constant 0 : i32
    %dma_wait3A_442 = tpu.memref_slice %arg7[%dma_wait3A_438, %dma_wait3A_440, %dma_wait3A_441] : memref<5x80x128xbf16, #tpu.memory_space<vmem>> -> memref<1x80x128xbf16, #tpu.memory_space<vmem>>
    %dma_wait3A_443 = tpu.memref_squeeze %dma_wait3A_442 : memref<1x80x128xbf16, #tpu.memory_space<vmem>> -> memref<80x128xbf16, #tpu.memory_space<vmem>>
    %dma_wait3A_444 = arith.constant 0 : i32
    %dma_wait3A_445 = tpu.memref_slice %arg6[%dma_wait3A_444] : memref<10000xi32, #tpu.memory_space<vmem>> -> memref<80xi32, #tpu.memory_space<vmem>>
    %dma_wait3A_446 = arith.constant 0 : i32
    %dma_wait3A_447 = arith.constant 0 : i32
    %dma_wait3A_448 = tpu.memref_slice %arg8[%dma_wait3A_446, %dma_wait3A_447] : memref<10240x128xbf16, #tpu.memory_space<vmem_shared>> -> memref<10240x128xbf16, #tpu.memory_space<vmem_shared>>
    %dma_wait3A_449 = tpu.memref_slice %arg10[%dma_wait3A_439] : memref<5x!tpu.dma_semaphore, #tpu.memory_space<semaphore_mem>> -> memref<1x!tpu.dma_semaphore, #tpu.memory_space<semaphore_mem>>
    %dma_wait3A_450 = tpu.memref_squeeze %dma_wait3A_449 : memref<1x!tpu.dma_semaphore, #tpu.memory_space<semaphore_mem>> -> memref<!tpu.dma_semaphore, #tpu.memory_space<semaphore_mem>>
    tpu.wait_indirect_dma semaphore(%dma_wait3A_450 : memref<!tpu.dma_semaphore, #tpu.memory_space<semaphore_mem>>) src(%dma_wait3A_443 : memref<80x128xbf16, #tpu.memory_space<vmem>>) dst(%dma_wait3A_448 : memref<10240x128xbf16, #tpu.memory_space<vmem_shared>>)
    %dma_wait3A_451 = arith.constant 3 : i32
    %dma_wait3A_452 = arith.constant 3 : i32
    %dma_wait3A_453 = arith.constant 0 : i32
    %dma_wait3A_454 = arith.constant 0 : i32
    %dma_wait3A_455 = tpu.memref_slice %arg7[%dma_wait3A_451, %dma_wait3A_453, %dma_wait3A_454] : memref<5x80x128xbf16, #tpu.memory_space<vmem>> -> memref<1x80x128xbf16, #tpu.memory_space<vmem>>
    %dma_wait3A_456 = tpu.memref_squeeze %dma_wait3A_455 : memref<1x80x128xbf16, #tpu.memory_space<vmem>> -> memref<80x128xbf16, #tpu.memory_space<vmem>>
    %dma_wait3A_457 = arith.constant 0 : i32
    %dma_wait3A_458 = tpu.memref_slice %arg6[%dma_wait3A_457] : memref<10000xi32, #tpu.memory_space<vmem>> -> memref<80xi32, #tpu.memory_space<vmem>>
    %dma_wait3A_459 = arith.constant 0 : i32
    %dma_wait3A_460 = arith.constant 0 : i32
    %dma_wait3A_461 = tpu.memref_slice %arg8[%dma_wait3A_459, %dma_wait3A_460] : memref<10240x128xbf16, #tpu.memory_space<vmem_shared>> -> memref<10240x128xbf16, #tpu.memory_space<vmem_shared>>
    %dma_wait3A_462 = tpu.memref_slice %arg10[%dma_wait3A_452] : memref<5x!tpu.dma_semaphore, #tpu.memory_space<semaphore_mem>> -> memref<1x!tpu.dma_semaphore, #tpu.memory_space<semaphore_mem>>
    %dma_wait3A_463 = tpu.memref_squeeze %dma_wait3A_462 : memref<1x!tpu.dma_semaphore, #tpu.memory_space<semaphore_mem>> -> memref<!tpu.dma_semaphore, #tpu.memory_space<semaphore_mem>>
    tpu.wait_indirect_dma semaphore(%dma_wait3A_463 : memref<!tpu.dma_semaphore, #tpu.memory_space<semaphore_mem>>) src(%dma_wait3A_456 : memref<80x128xbf16, #tpu.memory_space<vmem>>) dst(%dma_wait3A_461 : memref<10240x128xbf16, #tpu.memory_space<vmem_shared>>)
    %dma_wait3A_464 = arith.constant 4 : i32
    %dma_wait3A_465 = arith.constant 4 : i32
    %dma_wait3A_466 = arith.constant 0 : i32
    %dma_wait3A_467 = arith.constant 0 : i32
    %dma_wait3A_468 = tpu.memref_slice %arg7[%dma_wait3A_464, %dma_wait3A_466, %dma_wait3A_467] : memref<5x80x128xbf16, #tpu.memory_space<vmem>> -> memref<1x80x128xbf16, #tpu.memory_space<vmem>>
    %dma_wait3A_469 = tpu.memref_squeeze %dma_wait3A_468 : memref<1x80x128xbf16, #tpu.memory_space<vmem>> -> memref<80x128xbf16, #tpu.memory_space<vmem>>
    %dma_wait3A_470 = arith.constant 0 : i32
    %dma_wait3A_471 = tpu.memref_slice %arg6[%dma_wait3A_470] : memref<10000xi32, #tpu.memory_space<vmem>> -> memref<80xi32, #tpu.memory_space<vmem>>
    %dma_wait3A_472 = arith.constant 0 : i32
    %dma_wait3A_473 = arith.constant 0 : i32
    %dma_wait3A_474 = tpu.memref_slice %arg8[%dma_wait3A_472, %dma_wait3A_473] : memref<10240x128xbf16, #tpu.memory_space<vmem_shared>> -> memref<10240x128xbf16, #tpu.memory_space<vmem_shared>>
    %dma_wait3A_475 = tpu.memref_slice %arg10[%dma_wait3A_465] : memref<5x!tpu.dma_semaphore, #tpu.memory_space<semaphore_mem>> -> memref<1x!tpu.dma_semaphore, #tpu.memory_space<semaphore_mem>>
    %dma_wait3A_476 = tpu.memref_squeeze %dma_wait3A_475 : memref<1x!tpu.dma_semaphore, #tpu.memory_space<semaphore_mem>> -> memref<!tpu.dma_semaphore, #tpu.memory_space<semaphore_mem>>
    tpu.wait_indirect_dma semaphore(%dma_wait3A_476 : memref<!tpu.dma_semaphore, #tpu.memory_space<semaphore_mem>>) src(%dma_wait3A_469 : memref<80x128xbf16, #tpu.memory_space<vmem>>) dst(%dma_wait3A_474 : memref<10240x128xbf16, #tpu.memory_space<vmem_shared>>)
    %barrier3A_477 = arith.constant 0 : index
    tpu.barrier barrier_id(%barrier3A_477)
    %mul3A_478 = arith.constant 640 : i32
    %mul3A_479 = arith.muli %arg1, %mul3A_478 : i32
    %mul3A_480 = arith.constant 640 : i32
    %mul3A_481 = arith.muli %arg1, %mul3A_480 : i32
    "tpu.region"() ({
      %run_scoped3A = tpu.sem_alloc : memref<!tpu.dma_semaphore, #tpu.memory_space<semaphore_mem>>
      %dma_start3A_482 = arith.constant 0 : i32
      %dma_start3A_483 = tpu.memref_slice %arg4[%arg0, %mul3A_481, %dma_start3A_482] : memref<2x10240x128xbf16, #tpu.memory_space<hbm>> -> memref<1x640x128xbf16, #tpu.memory_space<hbm>>
      %dma_start3A_484 = tpu.memref_squeeze %dma_start3A_483 : memref<1x640x128xbf16, #tpu.memory_space<hbm>> -> memref<640x128xbf16, #tpu.memory_space<hbm>>
      %dma_start3A_485 = arith.constant 0 : i32
      %dma_start3A_486 = tpu.memref_slice %arg8[%mul3A_479, %dma_start3A_485] : memref<10240x128xbf16, #tpu.memory_space<vmem_shared>> -> memref<640x128xbf16, #tpu.memory_space<vmem_shared>>
      tpu.enqueue_dma source(%dma_start3A_486 : memref<640x128xbf16, #tpu.memory_space<vmem_shared>>) target(%dma_start3A_484 : memref<640x128xbf16, #tpu.memory_space<hbm>>) target_semaphore(%run_scoped3A : memref<!tpu.dma_semaphore, #tpu.memory_space<semaphore_mem>>)
      %dma_wait3A_487 = arith.constant 0 : i32
      %dma_wait3A_488 = tpu.memref_slice %arg4[%arg0, %mul3A_481, %dma_wait3A_487] : memref<2x10240x128xbf16, #tpu.memory_space<hbm>> -> memref<1x640x128xbf16, #tpu.memory_space<hbm>>
      %dma_wait3A_489 = tpu.memref_squeeze %dma_wait3A_488 : memref<1x640x128xbf16, #tpu.memory_space<hbm>> -> memref<640x128xbf16, #tpu.memory_space<hbm>>
      %dma_wait3A_490 = arith.constant 0 : i32
      %dma_wait3A_491 = tpu.memref_slice %arg8[%mul3A_479, %dma_wait3A_490] : memref<10240x128xbf16, #tpu.memory_space<vmem_shared>> -> memref<640x128xbf16, #tpu.memory_space<vmem_shared>>
      tpu.wait_dma2 semaphore(%run_scoped3A : memref<!tpu.dma_semaphore, #tpu.memory_space<semaphore_mem>>) src(%dma_wait3A_491 : memref<640x128xbf16, #tpu.memory_space<vmem_shared>>) dst(%dma_wait3A_489 : memref<640x128xbf16, #tpu.memory_space<hbm>>)
      tpu.yield
    }) : () -> ()
    return
  }
}

#map = affine_map<(d0, d1) -> (0, 0)>
#map1 = affine_map<(d0, d1) -> (0)>
#map2 = affine_map<(d0, d1) -> (0, 0, 0)>
module attributes {stable_mosaic.version = 14 : i64} {
  func.func @_scat_body(%arg0: i32, %arg1: i32, %arg2: memref<10000x128xbf16, #tpu.memory_space<hbm>>, %arg3: memref<640000xi32, #tpu.memory_space<hbm>>, %arg4: memref<2x10240x128xbf16, #tpu.memory_space<hbm>>, %arg5: memref<10000xi32, #tpu.memory_space<vmem>>, %arg6: memref<10000xi32, #tpu.memory_space<vmem>>, %arg7: memref<5x80x128xbf16, #tpu.memory_space<vmem>>, %arg8: memref<10240x128xbf16, #tpu.memory_space<vmem_shared>>, %arg9: memref<5x!tpu.dma_semaphore, #tpu.memory_space<semaphore_mem>>, %arg10: memref<5x!tpu.dma_semaphore, #tpu.memory_space<semaphore_mem>>) attributes {dimension_semantics = [#tpu.dimension_semantics<core_parallel>, #tpu.dimension_semantics<subcore_parallel>], iteration_bounds = array<i64: 2, 16>, scalar_prefetch = 0 : i64, scratch_operands = 6 : i64, tpu.core_type = #tpu.core_type<sc_vector_subcore>, window_params = [{transform_indices = #map}, {transform_indices = #map1}, {transform_indices = #map2}]} {
    %mul3A = arith.constant 2 : i32
    %mul3A_0 = arith.muli %arg1, %mul3A : i32
    %add3A = arith.addi %mul3A_0, %arg0 : i32
    %mul3A_1 = arith.constant 10000 : i32
    %mul3A_2 = arith.muli %add3A, %mul3A_1 : i32
    %dma_start3A = arith.constant 1 : i32
    %dma_start3A_3 = tpu.memref_slice %arg3[%mul3A_2] : memref<640000xi32, #tpu.memory_space<hbm>> -> memref<10000xi32, #tpu.memory_space<hbm>>
    %dma_start3A_4 = tpu.memref_slice %arg9[%dma_start3A] : memref<5x!tpu.dma_semaphore, #tpu.memory_space<semaphore_mem>> -> memref<1x!tpu.dma_semaphore, #tpu.memory_space<semaphore_mem>>
    %dma_start3A_5 = tpu.memref_squeeze %dma_start3A_4 : memref<1x!tpu.dma_semaphore, #tpu.memory_space<semaphore_mem>> -> memref<!tpu.dma_semaphore, #tpu.memory_space<semaphore_mem>>
    %dma_start3A_6 = tpu.memref_slice %arg3[%mul3A_2] : memref<640000xi32, #tpu.memory_space<hbm>> -> memref<10000xi32, #tpu.memory_space<hbm>>
    tpu.enqueue_dma source(%dma_start3A_6 : memref<10000xi32, #tpu.memory_space<hbm>>) target(%arg5 : memref<10000xi32, #tpu.memory_space<vmem>>) target_semaphore(%dma_start3A_5 : memref<!tpu.dma_semaphore, #tpu.memory_space<semaphore_mem>>)
    %mul3A_7 = arith.constant 10000 : i32
    %mul3A_8 = arith.muli %add3A, %mul3A_7 : i32
    %add3A_9 = arith.constant 320000 : i32
    %add3A_10 = arith.addi %add3A_9, %mul3A_8 : i32
    %dma_start3A_11 = arith.constant 1 : i32
    %dma_start3A_12 = tpu.memref_slice %arg3[%add3A_10] : memref<640000xi32, #tpu.memory_space<hbm>> -> memref<10000xi32, #tpu.memory_space<hbm>>
    %dma_start3A_13 = tpu.memref_slice %arg9[%dma_start3A_11] : memref<5x!tpu.dma_semaphore, #tpu.memory_space<semaphore_mem>> -> memref<1x!tpu.dma_semaphore, #tpu.memory_space<semaphore_mem>>
    %dma_start3A_14 = tpu.memref_squeeze %dma_start3A_13 : memref<1x!tpu.dma_semaphore, #tpu.memory_space<semaphore_mem>> -> memref<!tpu.dma_semaphore, #tpu.memory_space<semaphore_mem>>
    %dma_start3A_15 = tpu.memref_slice %arg3[%add3A_10] : memref<640000xi32, #tpu.memory_space<hbm>> -> memref<10000xi32, #tpu.memory_space<hbm>>
    tpu.enqueue_dma source(%dma_start3A_15 : memref<10000xi32, #tpu.memory_space<hbm>>) target(%arg6 : memref<10000xi32, #tpu.memory_space<vmem>>) target_semaphore(%dma_start3A_14 : memref<!tpu.dma_semaphore, #tpu.memory_space<semaphore_mem>>)
    %broadcast_in_dim3A = arith.constant 0.000000e+00 : bf16
    %broadcast_in_dim3A_16 = vector.broadcast %broadcast_in_dim3A : bf16 to vector<32xbf16>
    %scan3A = arith.constant 0 : i32
    %scan3A_17 = arith.constant 0 : i32
    %scan3A_18 = arith.constant 80 : i32
    %scan3A_19 = arith.addi %scan3A_17, %scan3A_18 : i32
    %scan3A_20 = arith.constant 1 : i32
    scf.for %scan3A_482 = %scan3A_17 to %scan3A_19 step %scan3A_20  : i32 {
      %swap3A = arith.constant 0 : i32
      %swap3A_483 = arith.index_cast %swap3A : i32 to index
      %swap3A_484 = arith.index_cast %scan3A_482 : i32 to index
      %swap3A_485 = arith.constant 0 : index
      %swap3A_486 = tpu.vector_load %arg7[%swap3A_483, %swap3A_484, %swap3A_485] {strides = array<i32>} : memref<5x80x128xbf16, #tpu.memory_space<vmem>>, vector<1x1x32xbf16>,
      %swap3A_487 = vector.shape_cast %swap3A_486 : vector<1x1x32xbf16> to vector<32xbf16>
      %swap3A_488 = vector.shape_cast %broadcast_in_dim3A_16 : vector<32xbf16> to vector<1x1x32xbf16>
      tpu.vector_store %arg7[%swap3A_483, %swap3A_484, %swap3A_485], %swap3A_488 {strides = array<i32>} : memref<5x80x128xbf16, #tpu.memory_space<vmem>>, vector<1x1x32xbf16>,
      %swap3A_489 = arith.constant 0 : i32
      %swap3A_490 = arith.index_cast %swap3A_489 : i32 to index
      %swap3A_491 = arith.index_cast %scan3A_482 : i32 to index
      %swap3A_492 = arith.constant 32 : index
      %swap3A_493 = tpu.vector_load %arg7[%swap3A_490, %swap3A_491, %swap3A_492] {strides = array<i32>} : memref<5x80x128xbf16, #tpu.memory_space<vmem>>, vector<1x1x32xbf16>,
      %swap3A_494 = vector.shape_cast %swap3A_493 : vector<1x1x32xbf16> to vector<32xbf16>
      %swap3A_495 = vector.shape_cast %broadcast_in_dim3A_16 : vector<32xbf16> to vector<1x1x32xbf16>
      tpu.vector_store %arg7[%swap3A_490, %swap3A_491, %swap3A_492], %swap3A_495 {strides = array<i32>} : memref<5x80x128xbf16, #tpu.memory_space<vmem>>, vector<1x1x32xbf16>,
      %swap3A_496 = arith.constant 0 : i32
      %swap3A_497 = arith.index_cast %swap3A_496 : i32 to index
      %swap3A_498 = arith.index_cast %scan3A_482 : i32 to index
      %swap3A_499 = arith.constant 64 : index
      %swap3A_500 = tpu.vector_load %arg7[%swap3A_497, %swap3A_498, %swap3A_499] {strides = array<i32>} : memref<5x80x128xbf16, #tpu.memory_space<vmem>>, vector<1x1x32xbf16>,
      %swap3A_501 = vector.shape_cast %swap3A_500 : vector<1x1x32xbf16> to vector<32xbf16>
      %swap3A_502 = vector.shape_cast %broadcast_in_dim3A_16 : vector<32xbf16> to vector<1x1x32xbf16>
      tpu.vector_store %arg7[%swap3A_497, %swap3A_498, %swap3A_499], %swap3A_502 {strides = array<i32>} : memref<5x80x128xbf16, #tpu.memory_space<vmem>>, vector<1x1x32xbf16>,
      %swap3A_503 = arith.constant 0 : i32
      %swap3A_504 = arith.index_cast %swap3A_503 : i32 to index
      %swap3A_505 = arith.index_cast %scan3A_482 : i32 to index
      %swap3A_506 = arith.constant 96 : index
      %swap3A_507 = tpu.vector_load %arg7[%swap3A_504, %swap3A_505, %swap3A_506] {strides = array<i32>} : memref<5x80x128xbf16, #tpu.memory_space<vmem>>, vector<1x1x32xbf16>,
      %swap3A_508 = vector.shape_cast %swap3A_507 : vector<1x1x32xbf16> to vector<32xbf16>
      %swap3A_509 = vector.shape_cast %broadcast_in_dim3A_16 : vector<32xbf16> to vector<1x1x32xbf16>
      tpu.vector_store %arg7[%swap3A_504, %swap3A_505, %swap3A_506], %swap3A_509 {strides = array<i32>} : memref<5x80x128xbf16, #tpu.memory_space<vmem>>, vector<1x1x32xbf16>,
    }
    %scan3A_21 = arith.constant 80 : i32
    %mul3A_22 = arith.constant 640 : i32
    %mul3A_23 = arith.muli %arg1, %mul3A_22 : i32
    %add3A_24 = arith.constant 0 : i32
    %add3A_25 = arith.addi %mul3A_23, %add3A_24 : i32
    %dma_start3A_26 = arith.constant 0 : i32
    %dma_start3A_27 = arith.constant 0 : i32
    %dma_start3A_28 = arith.constant 0 : i32
    %dma_start3A_29 = arith.constant 0 : i32
    %dma_start3A_30 = tpu.memref_slice %arg7[%dma_start3A_26, %dma_start3A_28, %dma_start3A_29] : memref<5x80x128xbf16, #tpu.memory_space<vmem>> -> memref<1x80x128xbf16, #tpu.memory_space<vmem>>
    %dma_start3A_31 = tpu.memref_squeeze %dma_start3A_30 : memref<1x80x128xbf16, #tpu.memory_space<vmem>> -> memref<80x128xbf16, #tpu.memory_space<vmem>>
    %dma_start3A_32 = arith.constant 0 : i32
    %dma_start3A_33 = tpu.memref_slice %arg8[%add3A_25, %dma_start3A_32] : memref<10240x128xbf16, #tpu.memory_space<vmem_shared>> -> memref<80x128xbf16, #tpu.memory_space<vmem_shared>>
    %dma_start3A_34 = tpu.memref_slice %arg9[%dma_start3A_27] : memref<5x!tpu.dma_semaphore, #tpu.memory_space<semaphore_mem>> -> memref<1x!tpu.dma_semaphore, #tpu.memory_space<semaphore_mem>>
    %dma_start3A_35 = tpu.memref_squeeze %dma_start3A_34 : memref<1x!tpu.dma_semaphore, #tpu.memory_space<semaphore_mem>> -> memref<!tpu.dma_semaphore, #tpu.memory_space<semaphore_mem>>
    %dma_start3A_36 = arith.constant 0 : i32
    %dma_start3A_37 = tpu.memref_slice %arg8[%add3A_25, %dma_start3A_36] : memref<10240x128xbf16, #tpu.memory_space<vmem_shared>> -> memref<80x128xbf16, #tpu.memory_space<vmem_shared>>
    %dma_start3A_38 = arith.constant 0 : i32
    %dma_start3A_39 = arith.constant 0 : i32
    %dma_start3A_40 = tpu.memref_slice %arg7[%dma_start3A_26, %dma_start3A_38, %dma_start3A_39] : memref<5x80x128xbf16, #tpu.memory_space<vmem>> -> memref<1x80x128xbf16, #tpu.memory_space<vmem>>
    %dma_start3A_41 = tpu.memref_squeeze %dma_start3A_40 : memref<1x80x128xbf16, #tpu.memory_space<vmem>> -> memref<80x128xbf16, #tpu.memory_space<vmem>>
    tpu.enqueue_dma source(%dma_start3A_41 : memref<80x128xbf16, #tpu.memory_space<vmem>>) target(%dma_start3A_37 : memref<80x128xbf16, #tpu.memory_space<vmem_shared>>) target_semaphore(%dma_start3A_35 : memref<!tpu.dma_semaphore, #tpu.memory_space<semaphore_mem>>)
    %mul3A_42 = arith.constant 640 : i32
    %mul3A_43 = arith.muli %arg1, %mul3A_42 : i32
    %add3A_44 = arith.constant 80 : i32
    %add3A_45 = arith.addi %mul3A_43, %add3A_44 : i32
    %dma_start3A_46 = arith.constant 0 : i32
    %dma_start3A_47 = arith.constant 0 : i32
    %dma_start3A_48 = arith.constant 0 : i32
    %dma_start3A_49 = arith.constant 0 : i32
    %dma_start3A_50 = tpu.memref_slice %arg7[%dma_start3A_46, %dma_start3A_48, %dma_start3A_49] : memref<5x80x128xbf16, #tpu.memory_space<vmem>> -> memref<1x80x128xbf16, #tpu.memory_space<vmem>>
    %dma_start3A_51 = tpu.memref_squeeze %dma_start3A_50 : memref<1x80x128xbf16, #tpu.memory_space<vmem>> -> memref<80x128xbf16, #tpu.memory_space<vmem>>
    %dma_start3A_52 = arith.constant 0 : i32
    %dma_start3A_53 = tpu.memref_slice %arg8[%add3A_45, %dma_start3A_52] : memref<10240x128xbf16, #tpu.memory_space<vmem_shared>> -> memref<80x128xbf16, #tpu.memory_space<vmem_shared>>
    %dma_start3A_54 = tpu.memref_slice %arg9[%dma_start3A_47] : memref<5x!tpu.dma_semaphore, #tpu.memory_space<semaphore_mem>> -> memref<1x!tpu.dma_semaphore, #tpu.memory_space<semaphore_mem>>
    %dma_start3A_55 = tpu.memref_squeeze %dma_start3A_54 : memref<1x!tpu.dma_semaphore, #tpu.memory_space<semaphore_mem>> -> memref<!tpu.dma_semaphore, #tpu.memory_space<semaphore_mem>>
    %dma_start3A_56 = arith.constant 0 : i32
    %dma_start3A_57 = tpu.memref_slice %arg8[%add3A_45, %dma_start3A_56] : memref<10240x128xbf16, #tpu.memory_space<vmem_shared>> -> memref<80x128xbf16, #tpu.memory_space<vmem_shared>>
    %dma_start3A_58 = arith.constant 0 : i32
    %dma_start3A_59 = arith.constant 0 : i32
    %dma_start3A_60 = tpu.memref_slice %arg7[%dma_start3A_46, %dma_start3A_58, %dma_start3A_59] : memref<5x80x128xbf16, #tpu.memory_space<vmem>> -> memref<1x80x128xbf16, #tpu.memory_space<vmem>>
    %dma_start3A_61 = tpu.memref_squeeze %dma_start3A_60 : memref<1x80x128xbf16, #tpu.memory_space<vmem>> -> memref<80x128xbf16, #tpu.memory_space<vmem>>
    tpu.enqueue_dma source(%dma_start3A_61 : memref<80x128xbf16, #tpu.memory_space<vmem>>) target(%dma_start3A_57 : memref<80x128xbf16, #tpu.memory_space<vmem_shared>>) target_semaphore(%dma_start3A_55 : memref<!tpu.dma_semaphore, #tpu.memory_space<semaphore_mem>>)
    %mul3A_62 = arith.constant 640 : i32
    %mul3A_63 = arith.muli %arg1, %mul3A_62 : i32
    %add3A_64 = arith.constant 160 : i32
    %add3A_65 = arith.addi %mul3A_63, %add3A_64 : i32
    %dma_start3A_66 = arith.constant 0 : i32
    %dma_start3A_67 = arith.constant 0 : i32
    %dma_start3A_68 = arith.constant 0 : i32
    %dma_start3A_69 = arith.constant 0 : i32
    %dma_start3A_70 = tpu.memref_slice %arg7[%dma_start3A_66, %dma_start3A_68, %dma_start3A_69] : memref<5x80x128xbf16, #tpu.memory_space<vmem>> -> memref<1x80x128xbf16, #tpu.memory_space<vmem>>
    %dma_start3A_71 = tpu.memref_squeeze %dma_start3A_70 : memref<1x80x128xbf16, #tpu.memory_space<vmem>> -> memref<80x128xbf16, #tpu.memory_space<vmem>>
    %dma_start3A_72 = arith.constant 0 : i32
    %dma_start3A_73 = tpu.memref_slice %arg8[%add3A_65, %dma_start3A_72] : memref<10240x128xbf16, #tpu.memory_space<vmem_shared>> -> memref<80x128xbf16, #tpu.memory_space<vmem_shared>>
    %dma_start3A_74 = tpu.memref_slice %arg9[%dma_start3A_67] : memref<5x!tpu.dma_semaphore, #tpu.memory_space<semaphore_mem>> -> memref<1x!tpu.dma_semaphore, #tpu.memory_space<semaphore_mem>>
    %dma_start3A_75 = tpu.memref_squeeze %dma_start3A_74 : memref<1x!tpu.dma_semaphore, #tpu.memory_space<semaphore_mem>> -> memref<!tpu.dma_semaphore, #tpu.memory_space<semaphore_mem>>
    %dma_start3A_76 = arith.constant 0 : i32
    %dma_start3A_77 = tpu.memref_slice %arg8[%add3A_65, %dma_start3A_76] : memref<10240x128xbf16, #tpu.memory_space<vmem_shared>> -> memref<80x128xbf16, #tpu.memory_space<vmem_shared>>
    %dma_start3A_78 = arith.constant 0 : i32
    %dma_start3A_79 = arith.constant 0 : i32
    %dma_start3A_80 = tpu.memref_slice %arg7[%dma_start3A_66, %dma_start3A_78, %dma_start3A_79] : memref<5x80x128xbf16, #tpu.memory_space<vmem>> -> memref<1x80x128xbf16, #tpu.memory_space<vmem>>
    %dma_start3A_81 = tpu.memref_squeeze %dma_start3A_80 : memref<1x80x128xbf16, #tpu.memory_space<vmem>> -> memref<80x128xbf16, #tpu.memory_space<vmem>>
    tpu.enqueue_dma source(%dma_start3A_81 : memref<80x128xbf16, #tpu.memory_space<vmem>>) target(%dma_start3A_77 : memref<80x128xbf16, #tpu.memory_space<vmem_shared>>) target_semaphore(%dma_start3A_75 : memref<!tpu.dma_semaphore, #tpu.memory_space<semaphore_mem>>)
    %mul3A_82 = arith.constant 640 : i32
    %mul3A_83 = arith.muli %arg1, %mul3A_82 : i32
    %add3A_84 = arith.constant 240 : i32
    %add3A_85 = arith.addi %mul3A_83, %add3A_84 : i32
    %dma_start3A_86 = arith.constant 0 : i32
    %dma_start3A_87 = arith.constant 0 : i32
    %dma_start3A_88 = arith.constant 0 : i32
    %dma_start3A_89 = arith.constant 0 : i32
    %dma_start3A_90 = tpu.memref_slice %arg7[%dma_start3A_86, %dma_start3A_88, %dma_start3A_89] : memref<5x80x128xbf16, #tpu.memory_space<vmem>> -> memref<1x80x128xbf16, #tpu.memory_space<vmem>>
    %dma_start3A_91 = tpu.memref_squeeze %dma_start3A_90 : memref<1x80x128xbf16, #tpu.memory_space<vmem>> -> memref<80x128xbf16, #tpu.memory_space<vmem>>
    %dma_start3A_92 = arith.constant 0 : i32
    %dma_start3A_93 = tpu.memref_slice %arg8[%add3A_85, %dma_start3A_92] : memref<10240x128xbf16, #tpu.memory_space<vmem_shared>> -> memref<80x128xbf16, #tpu.memory_space<vmem_shared>>
    %dma_start3A_94 = tpu.memref_slice %arg9[%dma_start3A_87] : memref<5x!tpu.dma_semaphore, #tpu.memory_space<semaphore_mem>> -> memref<1x!tpu.dma_semaphore, #tpu.memory_space<semaphore_mem>>
    %dma_start3A_95 = tpu.memref_squeeze %dma_start3A_94 : memref<1x!tpu.dma_semaphore, #tpu.memory_space<semaphore_mem>> -> memref<!tpu.dma_semaphore, #tpu.memory_space<semaphore_mem>>
    %dma_start3A_96 = arith.constant 0 : i32
    %dma_start3A_97 = tpu.memref_slice %arg8[%add3A_85, %dma_start3A_96] : memref<10240x128xbf16, #tpu.memory_space<vmem_shared>> -> memref<80x128xbf16, #tpu.memory_space<vmem_shared>>
    %dma_start3A_98 = arith.constant 0 : i32
    %dma_start3A_99 = arith.constant 0 : i32
    %dma_start3A_100 = tpu.memref_slice %arg7[%dma_start3A_86, %dma_start3A_98, %dma_start3A_99] : memref<5x80x128xbf16, #tpu.memory_space<vmem>> -> memref<1x80x128xbf16, #tpu.memory_space<vmem>>
    %dma_start3A_101 = tpu.memref_squeeze %dma_start3A_100 : memref<1x80x128xbf16, #tpu.memory_space<vmem>> -> memref<80x128xbf16, #tpu.memory_space<vmem>>
    tpu.enqueue_dma source(%dma_start3A_101 : memref<80x128xbf16, #tpu.memory_space<vmem>>) target(%dma_start3A_97 : memref<80x128xbf16, #tpu.memory_space<vmem_shared>>) target_semaphore(%dma_start3A_95 : memref<!tpu.dma_semaphore, #tpu.memory_space<semaphore_mem>>)
    %mul3A_102 = arith.constant 640 : i32
    %mul3A_103 = arith.muli %arg1, %mul3A_102 : i32
    %add3A_104 = arith.constant 320 : i32
    %add3A_105 = arith.addi %mul3A_103, %add3A_104 : i32
    %dma_start3A_106 = arith.constant 0 : i32
    %dma_start3A_107 = arith.constant 0 : i32
    %dma_start3A_108 = arith.constant 0 : i32
    %dma_start3A_109 = arith.constant 0 : i32
    %dma_start3A_110 = tpu.memref_slice %arg7[%dma_start3A_106, %dma_start3A_108, %dma_start3A_109] : memref<5x80x128xbf16, #tpu.memory_space<vmem>> -> memref<1x80x128xbf16, #tpu.memory_space<vmem>>
    %dma_start3A_111 = tpu.memref_squeeze %dma_start3A_110 : memref<1x80x128xbf16, #tpu.memory_space<vmem>> -> memref<80x128xbf16, #tpu.memory_space<vmem>>
    %dma_start3A_112 = arith.constant 0 : i32
    %dma_start3A_113 = tpu.memref_slice %arg8[%add3A_105, %dma_start3A_112] : memref<10240x128xbf16, #tpu.memory_space<vmem_shared>> -> memref<80x128xbf16, #tpu.memory_space<vmem_shared>>
    %dma_start3A_114 = tpu.memref_slice %arg9[%dma_start3A_107] : memref<5x!tpu.dma_semaphore, #tpu.memory_space<semaphore_mem>> -> memref<1x!tpu.dma_semaphore, #tpu.memory_space<semaphore_mem>>
    %dma_start3A_115 = tpu.memref_squeeze %dma_start3A_114 : memref<1x!tpu.dma_semaphore, #tpu.memory_space<semaphore_mem>> -> memref<!tpu.dma_semaphore, #tpu.memory_space<semaphore_mem>>
    %dma_start3A_116 = arith.constant 0 : i32
    %dma_start3A_117 = tpu.memref_slice %arg8[%add3A_105, %dma_start3A_116] : memref<10240x128xbf16, #tpu.memory_space<vmem_shared>> -> memref<80x128xbf16, #tpu.memory_space<vmem_shared>>
    %dma_start3A_118 = arith.constant 0 : i32
    %dma_start3A_119 = arith.constant 0 : i32
    %dma_start3A_120 = tpu.memref_slice %arg7[%dma_start3A_106, %dma_start3A_118, %dma_start3A_119] : memref<5x80x128xbf16, #tpu.memory_space<vmem>> -> memref<1x80x128xbf16, #tpu.memory_space<vmem>>
    %dma_start3A_121 = tpu.memref_squeeze %dma_start3A_120 : memref<1x80x128xbf16, #tpu.memory_space<vmem>> -> memref<80x128xbf16, #tpu.memory_space<vmem>>
    tpu.enqueue_dma source(%dma_start3A_121 : memref<80x128xbf16, #tpu.memory_space<vmem>>) target(%dma_start3A_117 : memref<80x128xbf16, #tpu.memory_space<vmem_shared>>) target_semaphore(%dma_start3A_115 : memref<!tpu.dma_semaphore, #tpu.memory_space<semaphore_mem>>)
    %mul3A_122 = arith.constant 640 : i32
    %mul3A_123 = arith.muli %arg1, %mul3A_122 : i32
    %add3A_124 = arith.constant 400 : i32
    %add3A_125 = arith.addi %mul3A_123, %add3A_124 : i32
    %dma_start3A_126 = arith.constant 0 : i32
    %dma_start3A_127 = arith.constant 0 : i32
    %dma_start3A_128 = arith.constant 0 : i32
    %dma_start3A_129 = arith.constant 0 : i32
    %dma_start3A_130 = tpu.memref_slice %arg7[%dma_start3A_126, %dma_start3A_128, %dma_start3A_129] : memref<5x80x128xbf16, #tpu.memory_space<vmem>> -> memref<1x80x128xbf16, #tpu.memory_space<vmem>>
    %dma_start3A_131 = tpu.memref_squeeze %dma_start3A_130 : memref<1x80x128xbf16, #tpu.memory_space<vmem>> -> memref<80x128xbf16, #tpu.memory_space<vmem>>
    %dma_start3A_132 = arith.constant 0 : i32
    %dma_start3A_133 = tpu.memref_slice %arg8[%add3A_125, %dma_start3A_132] : memref<10240x128xbf16, #tpu.memory_space<vmem_shared>> -> memref<80x128xbf16, #tpu.memory_space<vmem_shared>>
    %dma_start3A_134 = tpu.memref_slice %arg9[%dma_start3A_127] : memref<5x!tpu.dma_semaphore, #tpu.memory_space<semaphore_mem>> -> memref<1x!tpu.dma_semaphore, #tpu.memory_space<semaphore_mem>>
    %dma_start3A_135 = tpu.memref_squeeze %dma_start3A_134 : memref<1x!tpu.dma_semaphore, #tpu.memory_space<semaphore_mem>> -> memref<!tpu.dma_semaphore, #tpu.memory_space<semaphore_mem>>
    %dma_start3A_136 = arith.constant 0 : i32
    %dma_start3A_137 = tpu.memref_slice %arg8[%add3A_125, %dma_start3A_136] : memref<10240x128xbf16, #tpu.memory_space<vmem_shared>> -> memref<80x128xbf16, #tpu.memory_space<vmem_shared>>
    %dma_start3A_138 = arith.constant 0 : i32
    %dma_start3A_139 = arith.constant 0 : i32
    %dma_start3A_140 = tpu.memref_slice %arg7[%dma_start3A_126, %dma_start3A_138, %dma_start3A_139] : memref<5x80x128xbf16, #tpu.memory_space<vmem>> -> memref<1x80x128xbf16, #tpu.memory_space<vmem>>
    %dma_start3A_141 = tpu.memref_squeeze %dma_start3A_140 : memref<1x80x128xbf16, #tpu.memory_space<vmem>> -> memref<80x128xbf16, #tpu.memory_space<vmem>>
    tpu.enqueue_dma source(%dma_start3A_141 : memref<80x128xbf16, #tpu.memory_space<vmem>>) target(%dma_start3A_137 : memref<80x128xbf16, #tpu.memory_space<vmem_shared>>) target_semaphore(%dma_start3A_135 : memref<!tpu.dma_semaphore, #tpu.memory_space<semaphore_mem>>)
    %mul3A_142 = arith.constant 640 : i32
    %mul3A_143 = arith.muli %arg1, %mul3A_142 : i32
    %add3A_144 = arith.constant 480 : i32
    %add3A_145 = arith.addi %mul3A_143, %add3A_144 : i32
    %dma_start3A_146 = arith.constant 0 : i32
    %dma_start3A_147 = arith.constant 0 : i32
    %dma_start3A_148 = arith.constant 0 : i32
    %dma_start3A_149 = arith.constant 0 : i32
    %dma_start3A_150 = tpu.memref_slice %arg7[%dma_start3A_146, %dma_start3A_148, %dma_start3A_149] : memref<5x80x128xbf16, #tpu.memory_space<vmem>> -> memref<1x80x128xbf16, #tpu.memory_space<vmem>>
    %dma_start3A_151 = tpu.memref_squeeze %dma_start3A_150 : memref<1x80x128xbf16, #tpu.memory_space<vmem>> -> memref<80x128xbf16, #tpu.memory_space<vmem>>
    %dma_start3A_152 = arith.constant 0 : i32
    %dma_start3A_153 = tpu.memref_slice %arg8[%add3A_145, %dma_start3A_152] : memref<10240x128xbf16, #tpu.memory_space<vmem_shared>> -> memref<80x128xbf16, #tpu.memory_space<vmem_shared>>
    %dma_start3A_154 = tpu.memref_slice %arg9[%dma_start3A_147] : memref<5x!tpu.dma_semaphore, #tpu.memory_space<semaphore_mem>> -> memref<1x!tpu.dma_semaphore, #tpu.memory_space<semaphore_mem>>
    %dma_start3A_155 = tpu.memref_squeeze %dma_start3A_154 : memref<1x!tpu.dma_semaphore, #tpu.memory_space<semaphore_mem>> -> memref<!tpu.dma_semaphore, #tpu.memory_space<semaphore_mem>>
    %dma_start3A_156 = arith.constant 0 : i32
    %dma_start3A_157 = tpu.memref_slice %arg8[%add3A_145, %dma_start3A_156] : memref<10240x128xbf16, #tpu.memory_space<vmem_shared>> -> memref<80x128xbf16, #tpu.memory_space<vmem_shared>>
    %dma_start3A_158 = arith.constant 0 : i32
    %dma_start3A_159 = arith.constant 0 : i32
    %dma_start3A_160 = tpu.memref_slice %arg7[%dma_start3A_146, %dma_start3A_158, %dma_start3A_159] : memref<5x80x128xbf16, #tpu.memory_space<vmem>> -> memref<1x80x128xbf16, #tpu.memory_space<vmem>>
    %dma_start3A_161 = tpu.memref_squeeze %dma_start3A_160 : memref<1x80x128xbf16, #tpu.memory_space<vmem>> -> memref<80x128xbf16, #tpu.memory_space<vmem>>
    tpu.enqueue_dma source(%dma_start3A_161 : memref<80x128xbf16, #tpu.memory_space<vmem>>) target(%dma_start3A_157 : memref<80x128xbf16, #tpu.memory_space<vmem_shared>>) target_semaphore(%dma_start3A_155 : memref<!tpu.dma_semaphore, #tpu.memory_space<semaphore_mem>>)
    %mul3A_162 = arith.constant 640 : i32
    %mul3A_163 = arith.muli %arg1, %mul3A_162 : i32
    %add3A_164 = arith.constant 560 : i32
    %add3A_165 = arith.addi %mul3A_163, %add3A_164 : i32
    %dma_start3A_166 = arith.constant 0 : i32
    %dma_start3A_167 = arith.constant 0 : i32
    %dma_start3A_168 = arith.constant 0 : i32
    %dma_start3A_169 = arith.constant 0 : i32
    %dma_start3A_170 = tpu.memref_slice %arg7[%dma_start3A_166, %dma_start3A_168, %dma_start3A_169] : memref<5x80x128xbf16, #tpu.memory_space<vmem>> -> memref<1x80x128xbf16, #tpu.memory_space<vmem>>
    %dma_start3A_171 = tpu.memref_squeeze %dma_start3A_170 : memref<1x80x128xbf16, #tpu.memory_space<vmem>> -> memref<80x128xbf16, #tpu.memory_space<vmem>>
    %dma_start3A_172 = arith.constant 0 : i32
    %dma_start3A_173 = tpu.memref_slice %arg8[%add3A_165, %dma_start3A_172] : memref<10240x128xbf16, #tpu.memory_space<vmem_shared>> -> memref<80x128xbf16, #tpu.memory_space<vmem_shared>>
    %dma_start3A_174 = tpu.memref_slice %arg9[%dma_start3A_167] : memref<5x!tpu.dma_semaphore, #tpu.memory_space<semaphore_mem>> -> memref<1x!tpu.dma_semaphore, #tpu.memory_space<semaphore_mem>>
    %dma_start3A_175 = tpu.memref_squeeze %dma_start3A_174 : memref<1x!tpu.dma_semaphore, #tpu.memory_space<semaphore_mem>> -> memref<!tpu.dma_semaphore, #tpu.memory_space<semaphore_mem>>
    %dma_start3A_176 = arith.constant 0 : i32
    %dma_start3A_177 = tpu.memref_slice %arg8[%add3A_165, %dma_start3A_176] : memref<10240x128xbf16, #tpu.memory_space<vmem_shared>> -> memref<80x128xbf16, #tpu.memory_space<vmem_shared>>
    %dma_start3A_178 = arith.constant 0 : i32
    %dma_start3A_179 = arith.constant 0 : i32
    %dma_start3A_180 = tpu.memref_slice %arg7[%dma_start3A_166, %dma_start3A_178, %dma_start3A_179] : memref<5x80x128xbf16, #tpu.memory_space<vmem>> -> memref<1x80x128xbf16, #tpu.memory_space<vmem>>
    %dma_start3A_181 = tpu.memref_squeeze %dma_start3A_180 : memref<1x80x128xbf16, #tpu.memory_space<vmem>> -> memref<80x128xbf16, #tpu.memory_space<vmem>>
    tpu.enqueue_dma source(%dma_start3A_181 : memref<80x128xbf16, #tpu.memory_space<vmem>>) target(%dma_start3A_177 : memref<80x128xbf16, #tpu.memory_space<vmem_shared>>) target_semaphore(%dma_start3A_175 : memref<!tpu.dma_semaphore, #tpu.memory_space<semaphore_mem>>)
    %mul3A_182 = arith.constant 640 : i32
    %mul3A_183 = arith.muli %arg1, %mul3A_182 : i32
    %dma_wait3A = arith.constant 0 : i32
    %dma_wait3A_184 = arith.constant 0 : i32
    %dma_wait3A_185 = arith.constant 0 : i32
    %dma_wait3A_186 = arith.constant 0 : i32
    %dma_wait3A_187 = tpu.memref_slice %arg7[%dma_wait3A, %dma_wait3A_185, %dma_wait3A_186] : memref<5x80x128xbf16, #tpu.memory_space<vmem>> -> memref<1x80x128xbf16, #tpu.memory_space<vmem>>
    %dma_wait3A_188 = tpu.memref_squeeze %dma_wait3A_187 : memref<1x80x128xbf16, #tpu.memory_space<vmem>> -> memref<80x128xbf16, #tpu.memory_space<vmem>>
    %dma_wait3A_189 = arith.constant 0 : i32
    %dma_wait3A_190 = tpu.memref_slice %arg8[%mul3A_183, %dma_wait3A_189] : memref<10240x128xbf16, #tpu.memory_space<vmem_shared>> -> memref<80x128xbf16, #tpu.memory_space<vmem_shared>>
    %dma_wait3A_191 = tpu.memref_slice %arg9[%dma_wait3A_184] : memref<5x!tpu.dma_semaphore, #tpu.memory_space<semaphore_mem>> -> memref<1x!tpu.dma_semaphore, #tpu.memory_space<semaphore_mem>>
    %dma_wait3A_192 = tpu.memref_squeeze %dma_wait3A_191 : memref<1x!tpu.dma_semaphore, #tpu.memory_space<semaphore_mem>> -> memref<!tpu.dma_semaphore, #tpu.memory_space<semaphore_mem>>
    %dma_wait3A_193 = arith.constant 0 : i32
    %dma_wait3A_194 = tpu.memref_slice %arg8[%mul3A_183, %dma_wait3A_193] : memref<10240x128xbf16, #tpu.memory_space<vmem_shared>> -> memref<80x128xbf16, #tpu.memory_space<vmem_shared>>
    %dma_wait3A_195 = arith.constant 0 : i32
    %dma_wait3A_196 = arith.constant 0 : i32
    %dma_wait3A_197 = tpu.memref_slice %arg7[%dma_wait3A, %dma_wait3A_195, %dma_wait3A_196] : memref<5x80x128xbf16, #tpu.memory_space<vmem>> -> memref<1x80x128xbf16, #tpu.memory_space<vmem>>
    %dma_wait3A_198 = tpu.memref_squeeze %dma_wait3A_197 : memref<1x80x128xbf16, #tpu.memory_space<vmem>> -> memref<80x128xbf16, #tpu.memory_space<vmem>>
    tpu.wait_dma2 semaphore(%dma_wait3A_192 : memref<!tpu.dma_semaphore, #tpu.memory_space<semaphore_mem>>) src(%dma_wait3A_198 : memref<80x128xbf16, #tpu.memory_space<vmem>>) dst(%dma_wait3A_194 : memref<80x128xbf16, #tpu.memory_space<vmem_shared>>)
    %mul3A_199 = arith.constant 640 : i32
    %mul3A_200 = arith.muli %arg1, %mul3A_199 : i32
    %dma_wait3A_201 = arith.constant 0 : i32
    %dma_wait3A_202 = arith.constant 0 : i32
    %dma_wait3A_203 = arith.constant 0 : i32
    %dma_wait3A_204 = arith.constant 0 : i32
    %dma_wait3A_205 = tpu.memref_slice %arg7[%dma_wait3A_201, %dma_wait3A_203, %dma_wait3A_204] : memref<5x80x128xbf16, #tpu.memory_space<vmem>> -> memref<1x80x128xbf16, #tpu.memory_space<vmem>>
    %dma_wait3A_206 = tpu.memref_squeeze %dma_wait3A_205 : memref<1x80x128xbf16, #tpu.memory_space<vmem>> -> memref<80x128xbf16, #tpu.memory_space<vmem>>
    %dma_wait3A_207 = arith.constant 0 : i32
    %dma_wait3A_208 = tpu.memref_slice %arg8[%mul3A_200, %dma_wait3A_207] : memref<10240x128xbf16, #tpu.memory_space<vmem_shared>> -> memref<80x128xbf16, #tpu.memory_space<vmem_shared>>
    %dma_wait3A_209 = tpu.memref_slice %arg9[%dma_wait3A_202] : memref<5x!tpu.dma_semaphore, #tpu.memory_space<semaphore_mem>> -> memref<1x!tpu.dma_semaphore, #tpu.memory_space<semaphore_mem>>
    %dma_wait3A_210 = tpu.memref_squeeze %dma_wait3A_209 : memref<1x!tpu.dma_semaphore, #tpu.memory_space<semaphore_mem>> -> memref<!tpu.dma_semaphore, #tpu.memory_space<semaphore_mem>>
    %dma_wait3A_211 = arith.constant 0 : i32
    %dma_wait3A_212 = tpu.memref_slice %arg8[%mul3A_200, %dma_wait3A_211] : memref<10240x128xbf16, #tpu.memory_space<vmem_shared>> -> memref<80x128xbf16, #tpu.memory_space<vmem_shared>>
    %dma_wait3A_213 = arith.constant 0 : i32
    %dma_wait3A_214 = arith.constant 0 : i32
    %dma_wait3A_215 = tpu.memref_slice %arg7[%dma_wait3A_201, %dma_wait3A_213, %dma_wait3A_214] : memref<5x80x128xbf16, #tpu.memory_space<vmem>> -> memref<1x80x128xbf16, #tpu.memory_space<vmem>>
    %dma_wait3A_216 = tpu.memref_squeeze %dma_wait3A_215 : memref<1x80x128xbf16, #tpu.memory_space<vmem>> -> memref<80x128xbf16, #tpu.memory_space<vmem>>
    tpu.wait_dma2 semaphore(%dma_wait3A_210 : memref<!tpu.dma_semaphore, #tpu.memory_space<semaphore_mem>>) src(%dma_wait3A_216 : memref<80x128xbf16, #tpu.memory_space<vmem>>) dst(%dma_wait3A_212 : memref<80x128xbf16, #tpu.memory_space<vmem_shared>>)
    %mul3A_217 = arith.constant 640 : i32
    %mul3A_218 = arith.muli %arg1, %mul3A_217 : i32
    %dma_wait3A_219 = arith.constant 0 : i32
    %dma_wait3A_220 = arith.constant 0 : i32
    %dma_wait3A_221 = arith.constant 0 : i32
    %dma_wait3A_222 = arith.constant 0 : i32
    %dma_wait3A_223 = tpu.memref_slice %arg7[%dma_wait3A_219, %dma_wait3A_221, %dma_wait3A_222] : memref<5x80x128xbf16, #tpu.memory_space<vmem>> -> memref<1x80x128xbf16, #tpu.memory_space<vmem>>
    %dma_wait3A_224 = tpu.memref_squeeze %dma_wait3A_223 : memref<1x80x128xbf16, #tpu.memory_space<vmem>> -> memref<80x128xbf16, #tpu.memory_space<vmem>>
    %dma_wait3A_225 = arith.constant 0 : i32
    %dma_wait3A_226 = tpu.memref_slice %arg8[%mul3A_218, %dma_wait3A_225] : memref<10240x128xbf16, #tpu.memory_space<vmem_shared>> -> memref<80x128xbf16, #tpu.memory_space<vmem_shared>>
    %dma_wait3A_227 = tpu.memref_slice %arg9[%dma_wait3A_220] : memref<5x!tpu.dma_semaphore, #tpu.memory_space<semaphore_mem>> -> memref<1x!tpu.dma_semaphore, #tpu.memory_space<semaphore_mem>>
    %dma_wait3A_228 = tpu.memref_squeeze %dma_wait3A_227 : memref<1x!tpu.dma_semaphore, #tpu.memory_space<semaphore_mem>> -> memref<!tpu.dma_semaphore, #tpu.memory_space<semaphore_mem>>
    %dma_wait3A_229 = arith.constant 0 : i32
    %dma_wait3A_230 = tpu.memref_slice %arg8[%mul3A_218, %dma_wait3A_229] : memref<10240x128xbf16, #tpu.memory_space<vmem_shared>> -> memref<80x128xbf16, #tpu.memory_space<vmem_shared>>
    %dma_wait3A_231 = arith.constant 0 : i32
    %dma_wait3A_232 = arith.constant 0 : i32
    %dma_wait3A_233 = tpu.memref_slice %arg7[%dma_wait3A_219, %dma_wait3A_231, %dma_wait3A_232] : memref<5x80x128xbf16, #tpu.memory_space<vmem>> -> memref<1x80x128xbf16, #tpu.memory_space<vmem>>
    %dma_wait3A_234 = tpu.memref_squeeze %dma_wait3A_233 : memref<1x80x128xbf16, #tpu.memory_space<vmem>> -> memref<80x128xbf16, #tpu.memory_space<vmem>>
    tpu.wait_dma2 semaphore(%dma_wait3A_228 : memref<!tpu.dma_semaphore, #tpu.memory_space<semaphore_mem>>) src(%dma_wait3A_234 : memref<80x128xbf16, #tpu.memory_space<vmem>>) dst(%dma_wait3A_230 : memref<80x128xbf16, #tpu.memory_space<vmem_shared>>)
    %mul3A_235 = arith.constant 640 : i32
    %mul3A_236 = arith.muli %arg1, %mul3A_235 : i32
    %dma_wait3A_237 = arith.constant 0 : i32
    %dma_wait3A_238 = arith.constant 0 : i32
    %dma_wait3A_239 = arith.constant 0 : i32
    %dma_wait3A_240 = arith.constant 0 : i32
    %dma_wait3A_241 = tpu.memref_slice %arg7[%dma_wait3A_237, %dma_wait3A_239, %dma_wait3A_240] : memref<5x80x128xbf16, #tpu.memory_space<vmem>> -> memref<1x80x128xbf16, #tpu.memory_space<vmem>>
    %dma_wait3A_242 = tpu.memref_squeeze %dma_wait3A_241 : memref<1x80x128xbf16, #tpu.memory_space<vmem>> -> memref<80x128xbf16, #tpu.memory_space<vmem>>
    %dma_wait3A_243 = arith.constant 0 : i32
    %dma_wait3A_244 = tpu.memref_slice %arg8[%mul3A_236, %dma_wait3A_243] : memref<10240x128xbf16, #tpu.memory_space<vmem_shared>> -> memref<80x128xbf16, #tpu.memory_space<vmem_shared>>
    %dma_wait3A_245 = tpu.memref_slice %arg9[%dma_wait3A_238] : memref<5x!tpu.dma_semaphore, #tpu.memory_space<semaphore_mem>> -> memref<1x!tpu.dma_semaphore, #tpu.memory_space<semaphore_mem>>
    %dma_wait3A_246 = tpu.memref_squeeze %dma_wait3A_245 : memref<1x!tpu.dma_semaphore, #tpu.memory_space<semaphore_mem>> -> memref<!tpu.dma_semaphore, #tpu.memory_space<semaphore_mem>>
    %dma_wait3A_247 = arith.constant 0 : i32
    %dma_wait3A_248 = tpu.memref_slice %arg8[%mul3A_236, %dma_wait3A_247] : memref<10240x128xbf16, #tpu.memory_space<vmem_shared>> -> memref<80x128xbf16, #tpu.memory_space<vmem_shared>>
    %dma_wait3A_249 = arith.constant 0 : i32
    %dma_wait3A_250 = arith.constant 0 : i32
    %dma_wait3A_251 = tpu.memref_slice %arg7[%dma_wait3A_237, %dma_wait3A_249, %dma_wait3A_250] : memref<5x80x128xbf16, #tpu.memory_space<vmem>> -> memref<1x80x128xbf16, #tpu.memory_space<vmem>>
    %dma_wait3A_252 = tpu.memref_squeeze %dma_wait3A_251 : memref<1x80x128xbf16, #tpu.memory_space<vmem>> -> memref<80x128xbf16, #tpu.memory_space<vmem>>
    tpu.wait_dma2 semaphore(%dma_wait3A_246 : memref<!tpu.dma_semaphore, #tpu.memory_space<semaphore_mem>>) src(%dma_wait3A_252 : memref<80x128xbf16, #tpu.memory_space<vmem>>) dst(%dma_wait3A_248 : memref<80x128xbf16, #tpu.memory_space<vmem_shared>>)
    %mul3A_253 = arith.constant 640 : i32
    %mul3A_254 = arith.muli %arg1, %mul3A_253 : i32
    %dma_wait3A_255 = arith.constant 0 : i32
    %dma_wait3A_256 = arith.constant 0 : i32
    %dma_wait3A_257 = arith.constant 0 : i32
    %dma_wait3A_258 = arith.constant 0 : i32
    %dma_wait3A_259 = tpu.memref_slice %arg7[%dma_wait3A_255, %dma_wait3A_257, %dma_wait3A_258] : memref<5x80x128xbf16, #tpu.memory_space<vmem>> -> memref<1x80x128xbf16, #tpu.memory_space<vmem>>
    %dma_wait3A_260 = tpu.memref_squeeze %dma_wait3A_259 : memref<1x80x128xbf16, #tpu.memory_space<vmem>> -> memref<80x128xbf16, #tpu.memory_space<vmem>>
    %dma_wait3A_261 = arith.constant 0 : i32
    %dma_wait3A_262 = tpu.memref_slice %arg8[%mul3A_254, %dma_wait3A_261] : memref<10240x128xbf16, #tpu.memory_space<vmem_shared>> -> memref<80x128xbf16, #tpu.memory_space<vmem_shared>>
    %dma_wait3A_263 = tpu.memref_slice %arg9[%dma_wait3A_256] : memref<5x!tpu.dma_semaphore, #tpu.memory_space<semaphore_mem>> -> memref<1x!tpu.dma_semaphore, #tpu.memory_space<semaphore_mem>>
    %dma_wait3A_264 = tpu.memref_squeeze %dma_wait3A_263 : memref<1x!tpu.dma_semaphore, #tpu.memory_space<semaphore_mem>> -> memref<!tpu.dma_semaphore, #tpu.memory_space<semaphore_mem>>
    %dma_wait3A_265 = arith.constant 0 : i32
    %dma_wait3A_266 = tpu.memref_slice %arg8[%mul3A_254, %dma_wait3A_265] : memref<10240x128xbf16, #tpu.memory_space<vmem_shared>> -> memref<80x128xbf16, #tpu.memory_space<vmem_shared>>
    %dma_wait3A_267 = arith.constant 0 : i32
    %dma_wait3A_268 = arith.constant 0 : i32
    %dma_wait3A_269 = tpu.memref_slice %arg7[%dma_wait3A_255, %dma_wait3A_267, %dma_wait3A_268] : memref<5x80x128xbf16, #tpu.memory_space<vmem>> -> memref<1x80x128xbf16, #tpu.memory_space<vmem>>
    %dma_wait3A_270 = tpu.memref_squeeze %dma_wait3A_269 : memref<1x80x128xbf16, #tpu.memory_space<vmem>> -> memref<80x128xbf16, #tpu.memory_space<vmem>>
    tpu.wait_dma2 semaphore(%dma_wait3A_264 : memref<!tpu.dma_semaphore, #tpu.memory_space<semaphore_mem>>) src(%dma_wait3A_270 : memref<80x128xbf16, #tpu.memory_space<vmem>>) dst(%dma_wait3A_266 : memref<80x128xbf16, #tpu.memory_space<vmem_shared>>)
    %mul3A_271 = arith.constant 640 : i32
    %mul3A_272 = arith.muli %arg1, %mul3A_271 : i32
    %dma_wait3A_273 = arith.constant 0 : i32
    %dma_wait3A_274 = arith.constant 0 : i32
    %dma_wait3A_275 = arith.constant 0 : i32
    %dma_wait3A_276 = arith.constant 0 : i32
    %dma_wait3A_277 = tpu.memref_slice %arg7[%dma_wait3A_273, %dma_wait3A_275, %dma_wait3A_276] : memref<5x80x128xbf16, #tpu.memory_space<vmem>> -> memref<1x80x128xbf16, #tpu.memory_space<vmem>>
    %dma_wait3A_278 = tpu.memref_squeeze %dma_wait3A_277 : memref<1x80x128xbf16, #tpu.memory_space<vmem>> -> memref<80x128xbf16, #tpu.memory_space<vmem>>
    %dma_wait3A_279 = arith.constant 0 : i32
    %dma_wait3A_280 = tpu.memref_slice %arg8[%mul3A_272, %dma_wait3A_279] : memref<10240x128xbf16, #tpu.memory_space<vmem_shared>> -> memref<80x128xbf16, #tpu.memory_space<vmem_shared>>
    %dma_wait3A_281 = tpu.memref_slice %arg9[%dma_wait3A_274] : memref<5x!tpu.dma_semaphore, #tpu.memory_space<semaphore_mem>> -> memref<1x!tpu.dma_semaphore, #tpu.memory_space<semaphore_mem>>
    %dma_wait3A_282 = tpu.memref_squeeze %dma_wait3A_281 : memref<1x!tpu.dma_semaphore, #tpu.memory_space<semaphore_mem>> -> memref<!tpu.dma_semaphore, #tpu.memory_space<semaphore_mem>>
    %dma_wait3A_283 = arith.constant 0 : i32
    %dma_wait3A_284 = tpu.memref_slice %arg8[%mul3A_272, %dma_wait3A_283] : memref<10240x128xbf16, #tpu.memory_space<vmem_shared>> -> memref<80x128xbf16, #tpu.memory_space<vmem_shared>>
    %dma_wait3A_285 = arith.constant 0 : i32
    %dma_wait3A_286 = arith.constant 0 : i32
    %dma_wait3A_287 = tpu.memref_slice %arg7[%dma_wait3A_273, %dma_wait3A_285, %dma_wait3A_286] : memref<5x80x128xbf16, #tpu.memory_space<vmem>> -> memref<1x80x128xbf16, #tpu.memory_space<vmem>>
    %dma_wait3A_288 = tpu.memref_squeeze %dma_wait3A_287 : memref<1x80x128xbf16, #tpu.memory_space<vmem>> -> memref<80x128xbf16, #tpu.memory_space<vmem>>
    tpu.wait_dma2 semaphore(%dma_wait3A_282 : memref<!tpu.dma_semaphore, #tpu.memory_space<semaphore_mem>>) src(%dma_wait3A_288 : memref<80x128xbf16, #tpu.memory_space<vmem>>) dst(%dma_wait3A_284 : memref<80x128xbf16, #tpu.memory_space<vmem_shared>>)
    %mul3A_289 = arith.constant 640 : i32
    %mul3A_290 = arith.muli %arg1, %mul3A_289 : i32
    %dma_wait3A_291 = arith.constant 0 : i32
    %dma_wait3A_292 = arith.constant 0 : i32
    %dma_wait3A_293 = arith.constant 0 : i32
    %dma_wait3A_294 = arith.constant 0 : i32
    %dma_wait3A_295 = tpu.memref_slice %arg7[%dma_wait3A_291, %dma_wait3A_293, %dma_wait3A_294] : memref<5x80x128xbf16, #tpu.memory_space<vmem>> -> memref<1x80x128xbf16, #tpu.memory_space<vmem>>
    %dma_wait3A_296 = tpu.memref_squeeze %dma_wait3A_295 : memref<1x80x128xbf16, #tpu.memory_space<vmem>> -> memref<80x128xbf16, #tpu.memory_space<vmem>>
    %dma_wait3A_297 = arith.constant 0 : i32
    %dma_wait3A_298 = tpu.memref_slice %arg8[%mul3A_290, %dma_wait3A_297] : memref<10240x128xbf16, #tpu.memory_space<vmem_shared>> -> memref<80x128xbf16, #tpu.memory_space<vmem_shared>>
    %dma_wait3A_299 = tpu.memref_slice %arg9[%dma_wait3A_292] : memref<5x!tpu.dma_semaphore, #tpu.memory_space<semaphore_mem>> -> memref<1x!tpu.dma_semaphore, #tpu.memory_space<semaphore_mem>>
    %dma_wait3A_300 = tpu.memref_squeeze %dma_wait3A_299 : memref<1x!tpu.dma_semaphore, #tpu.memory_space<semaphore_mem>> -> memref<!tpu.dma_semaphore, #tpu.memory_space<semaphore_mem>>
    %dma_wait3A_301 = arith.constant 0 : i32
    %dma_wait3A_302 = tpu.memref_slice %arg8[%mul3A_290, %dma_wait3A_301] : memref<10240x128xbf16, #tpu.memory_space<vmem_shared>> -> memref<80x128xbf16, #tpu.memory_space<vmem_shared>>
    %dma_wait3A_303 = arith.constant 0 : i32
    %dma_wait3A_304 = arith.constant 0 : i32
    %dma_wait3A_305 = tpu.memref_slice %arg7[%dma_wait3A_291, %dma_wait3A_303, %dma_wait3A_304] : memref<5x80x128xbf16, #tpu.memory_space<vmem>> -> memref<1x80x128xbf16, #tpu.memory_space<vmem>>
    %dma_wait3A_306 = tpu.memref_squeeze %dma_wait3A_305 : memref<1x80x128xbf16, #tpu.memory_space<vmem>> -> memref<80x128xbf16, #tpu.memory_space<vmem>>
    tpu.wait_dma2 semaphore(%dma_wait3A_300 : memref<!tpu.dma_semaphore, #tpu.memory_space<semaphore_mem>>) src(%dma_wait3A_306 : memref<80x128xbf16, #tpu.memory_space<vmem>>) dst(%dma_wait3A_302 : memref<80x128xbf16, #tpu.memory_space<vmem_shared>>)
    %mul3A_307 = arith.constant 640 : i32
    %mul3A_308 = arith.muli %arg1, %mul3A_307 : i32
    %dma_wait3A_309 = arith.constant 0 : i32
    %dma_wait3A_310 = arith.constant 0 : i32
    %dma_wait3A_311 = arith.constant 0 : i32
    %dma_wait3A_312 = arith.constant 0 : i32
    %dma_wait3A_313 = tpu.memref_slice %arg7[%dma_wait3A_309, %dma_wait3A_311, %dma_wait3A_312] : memref<5x80x128xbf16, #tpu.memory_space<vmem>> -> memref<1x80x128xbf16, #tpu.memory_space<vmem>>
    %dma_wait3A_314 = tpu.memref_squeeze %dma_wait3A_313 : memref<1x80x128xbf16, #tpu.memory_space<vmem>> -> memref<80x128xbf16, #tpu.memory_space<vmem>>
    %dma_wait3A_315 = arith.constant 0 : i32
    %dma_wait3A_316 = tpu.memref_slice %arg8[%mul3A_308, %dma_wait3A_315] : memref<10240x128xbf16, #tpu.memory_space<vmem_shared>> -> memref<80x128xbf16, #tpu.memory_space<vmem_shared>>
    %dma_wait3A_317 = tpu.memref_slice %arg9[%dma_wait3A_310] : memref<5x!tpu.dma_semaphore, #tpu.memory_space<semaphore_mem>> -> memref<1x!tpu.dma_semaphore, #tpu.memory_space<semaphore_mem>>
    %dma_wait3A_318 = tpu.memref_squeeze %dma_wait3A_317 : memref<1x!tpu.dma_semaphore, #tpu.memory_space<semaphore_mem>> -> memref<!tpu.dma_semaphore, #tpu.memory_space<semaphore_mem>>
    %dma_wait3A_319 = arith.constant 0 : i32
    %dma_wait3A_320 = tpu.memref_slice %arg8[%mul3A_308, %dma_wait3A_319] : memref<10240x128xbf16, #tpu.memory_space<vmem_shared>> -> memref<80x128xbf16, #tpu.memory_space<vmem_shared>>
    %dma_wait3A_321 = arith.constant 0 : i32
    %dma_wait3A_322 = arith.constant 0 : i32
    %dma_wait3A_323 = tpu.memref_slice %arg7[%dma_wait3A_309, %dma_wait3A_321, %dma_wait3A_322] : memref<5x80x128xbf16, #tpu.memory_space<vmem>> -> memref<1x80x128xbf16, #tpu.memory_space<vmem>>
    %dma_wait3A_324 = tpu.memref_squeeze %dma_wait3A_323 : memref<1x80x128xbf16, #tpu.memory_space<vmem>> -> memref<80x128xbf16, #tpu.memory_space<vmem>>
    tpu.wait_dma2 semaphore(%dma_wait3A_318 : memref<!tpu.dma_semaphore, #tpu.memory_space<semaphore_mem>>) src(%dma_wait3A_324 : memref<80x128xbf16, #tpu.memory_space<vmem>>) dst(%dma_wait3A_320 : memref<80x128xbf16, #tpu.memory_space<vmem_shared>>)
    %mul3A_325 = arith.constant 10000 : i32
    %mul3A_326 = arith.muli %add3A, %mul3A_325 : i32
    %dma_wait3A_327 = arith.constant 1 : i32
    %dma_wait3A_328 = tpu.memref_slice %arg3[%mul3A_326] : memref<640000xi32, #tpu.memory_space<hbm>> -> memref<10000xi32, #tpu.memory_space<hbm>>
    %dma_wait3A_329 = tpu.memref_slice %arg9[%dma_wait3A_327] : memref<5x!tpu.dma_semaphore, #tpu.memory_space<semaphore_mem>> -> memref<1x!tpu.dma_semaphore, #tpu.memory_space<semaphore_mem>>
    %dma_wait3A_330 = tpu.memref_squeeze %dma_wait3A_329 : memref<1x!tpu.dma_semaphore, #tpu.memory_space<semaphore_mem>> -> memref<!tpu.dma_semaphore, #tpu.memory_space<semaphore_mem>>
    %dma_wait3A_331 = tpu.memref_slice %arg3[%mul3A_326] : memref<640000xi32, #tpu.memory_space<hbm>> -> memref<10000xi32, #tpu.memory_space<hbm>>
    tpu.wait_dma2 semaphore(%dma_wait3A_330 : memref<!tpu.dma_semaphore, #tpu.memory_space<semaphore_mem>>) src(%dma_wait3A_331 : memref<10000xi32, #tpu.memory_space<hbm>>) dst(%arg5 : memref<10000xi32, #tpu.memory_space<vmem>>)
    %mul3A_332 = arith.constant 10000 : i32
    %mul3A_333 = arith.muli %add3A, %mul3A_332 : i32
    %add3A_334 = arith.constant 320000 : i32
    %add3A_335 = arith.addi %add3A_334, %mul3A_333 : i32
    %dma_wait3A_336 = arith.constant 1 : i32
    %dma_wait3A_337 = tpu.memref_slice %arg3[%add3A_335] : memref<640000xi32, #tpu.memory_space<hbm>> -> memref<10000xi32, #tpu.memory_space<hbm>>
    %dma_wait3A_338 = tpu.memref_slice %arg9[%dma_wait3A_336] : memref<5x!tpu.dma_semaphore, #tpu.memory_space<semaphore_mem>> -> memref<1x!tpu.dma_semaphore, #tpu.memory_space<semaphore_mem>>
    %dma_wait3A_339 = tpu.memref_squeeze %dma_wait3A_338 : memref<1x!tpu.dma_semaphore, #tpu.memory_space<semaphore_mem>> -> memref<!tpu.dma_semaphore, #tpu.memory_space<semaphore_mem>>
    %dma_wait3A_340 = tpu.memref_slice %arg3[%add3A_335] : memref<640000xi32, #tpu.memory_space<hbm>> -> memref<10000xi32, #tpu.memory_space<hbm>>
    tpu.wait_dma2 semaphore(%dma_wait3A_339 : memref<!tpu.dma_semaphore, #tpu.memory_space<semaphore_mem>>) src(%dma_wait3A_340 : memref<10000xi32, #tpu.memory_space<hbm>>) dst(%arg6 : memref<10000xi32, #tpu.memory_space<vmem>>)
    %barrier3A = arith.constant 0 : index
    tpu.barrier barrier_id(%barrier3A)
    %dma_start3A_341 = arith.constant 0 : i32
    %dma_start3A_342 = arith.constant 0 : i32
    %dma_start3A_343 = arith.constant 0 : i32
    %dma_start3A_344 = arith.constant 0 : i32
    %dma_start3A_345 = tpu.memref_slice %arg7[%dma_start3A_341, %dma_start3A_343, %dma_start3A_344] : memref<5x80x128xbf16, #tpu.memory_space<vmem>> -> memref<1x80x128xbf16, #tpu.memory_space<vmem>>
    %dma_start3A_346 = tpu.memref_squeeze %dma_start3A_345 : memref<1x80x128xbf16, #tpu.memory_space<vmem>> -> memref<80x128xbf16, #tpu.memory_space<vmem>>
    %dma_start3A_347 = arith.constant 0 : i32
    %dma_start3A_348 = tpu.memref_slice %arg5[%dma_start3A_347] : memref<10000xi32, #tpu.memory_space<vmem>> -> memref<80xi32, #tpu.memory_space<vmem>>
    %dma_start3A_349 = arith.constant 0 : i32
    %dma_start3A_350 = arith.constant 0 : i32
    %dma_start3A_351 = tpu.memref_slice %arg2[%dma_start3A_349, %dma_start3A_350] : memref<10000x128xbf16, #tpu.memory_space<hbm>> -> memref<10000x128xbf16, #tpu.memory_space<hbm>>
    %dma_start3A_352 = tpu.memref_slice %arg9[%dma_start3A_342] : memref<5x!tpu.dma_semaphore, #tpu.memory_space<semaphore_mem>> -> memref<1x!tpu.dma_semaphore, #tpu.memory_space<semaphore_mem>>
    %dma_start3A_353 = tpu.memref_squeeze %dma_start3A_352 : memref<1x!tpu.dma_semaphore, #tpu.memory_space<semaphore_mem>> -> memref<!tpu.dma_semaphore, #tpu.memory_space<semaphore_mem>>
    tpu.enqueue_indirect_dma source(%dma_start3A_351 : memref<10000x128xbf16, #tpu.memory_space<hbm>>) target(%dma_start3A_346 : memref<80x128xbf16, #tpu.memory_space<vmem>>) offsets(%dma_start3A_348 : memref<80xi32, #tpu.memory_space<vmem>>) semaphore(%dma_start3A_353 : memref<!tpu.dma_semaphore, #tpu.memory_space<semaphore_mem>>)
    %dma_start3A_354 = arith.constant 1 : i32
    %dma_start3A_355 = arith.constant 1 : i32
    %dma_start3A_356 = arith.constant 0 : i32
    %dma_start3A_357 = arith.constant 0 : i32
    %dma_start3A_358 = tpu.memref_slice %arg7[%dma_start3A_354, %dma_start3A_356, %dma_start3A_357] : memref<5x80x128xbf16, #tpu.memory_space<vmem>> -> memref<1x80x128xbf16, #tpu.memory_space<vmem>>
    %dma_start3A_359 = tpu.memref_squeeze %dma_start3A_358 : memref<1x80x128xbf16, #tpu.memory_space<vmem>> -> memref<80x128xbf16, #tpu.memory_space<vmem>>
    %dma_start3A_360 = arith.constant 80 : i32
    %dma_start3A_361 = tpu.memref_slice %arg5[%dma_start3A_360] : memref<10000xi32, #tpu.memory_space<vmem>> -> memref<80xi32, #tpu.memory_space<vmem>>
    %dma_start3A_362 = arith.constant 0 : i32
    %dma_start3A_363 = arith.constant 0 : i32
    %dma_start3A_364 = tpu.memref_slice %arg2[%dma_start3A_362, %dma_start3A_363] : memref<10000x128xbf16, #tpu.memory_space<hbm>> -> memref<10000x128xbf16, #tpu.memory_space<hbm>>
    %dma_start3A_365 = tpu.memref_slice %arg9[%dma_start3A_355] : memref<5x!tpu.dma_semaphore, #tpu.memory_space<semaphore_mem>> -> memref<1x!tpu.dma_semaphore, #tpu.memory_space<semaphore_mem>>
    %dma_start3A_366 = tpu.memref_squeeze %dma_start3A_365 : memref<1x!tpu.dma_semaphore, #tpu.memory_space<semaphore_mem>> -> memref<!tpu.dma_semaphore, #tpu.memory_space<semaphore_mem>>
    tpu.enqueue_indirect_dma source(%dma_start3A_364 : memref<10000x128xbf16, #tpu.memory_space<hbm>>) target(%dma_start3A_359 : memref<80x128xbf16, #tpu.memory_space<vmem>>) offsets(%dma_start3A_361 : memref<80xi32, #tpu.memory_space<vmem>>) semaphore(%dma_start3A_366 : memref<!tpu.dma_semaphore, #tpu.memory_space<semaphore_mem>>)
    %dma_start3A_367 = arith.constant 2 : i32
    %dma_start3A_368 = arith.constant 2 : i32
    %dma_start3A_369 = arith.constant 0 : i32
    %dma_start3A_370 = arith.constant 0 : i32
    %dma_start3A_371 = tpu.memref_slice %arg7[%dma_start3A_367, %dma_start3A_369, %dma_start3A_370] : memref<5x80x128xbf16, #tpu.memory_space<vmem>> -> memref<1x80x128xbf16, #tpu.memory_space<vmem>>
    %dma_start3A_372 = tpu.memref_squeeze %dma_start3A_371 : memref<1x80x128xbf16, #tpu.memory_space<vmem>> -> memref<80x128xbf16, #tpu.memory_space<vmem>>
    %dma_start3A_373 = arith.constant 160 : i32
    %dma_start3A_374 = tpu.memref_slice %arg5[%dma_start3A_373] : memref<10000xi32, #tpu.memory_space<vmem>> -> memref<80xi32, #tpu.memory_space<vmem>>
    %dma_start3A_375 = arith.constant 0 : i32
    %dma_start3A_376 = arith.constant 0 : i32
    %dma_start3A_377 = tpu.memref_slice %arg2[%dma_start3A_375, %dma_start3A_376] : memref<10000x128xbf16, #tpu.memory_space<hbm>> -> memref<10000x128xbf16, #tpu.memory_space<hbm>>
    %dma_start3A_378 = tpu.memref_slice %arg9[%dma_start3A_368] : memref<5x!tpu.dma_semaphore, #tpu.memory_space<semaphore_mem>> -> memref<1x!tpu.dma_semaphore, #tpu.memory_space<semaphore_mem>>
    %dma_start3A_379 = tpu.memref_squeeze %dma_start3A_378 : memref<1x!tpu.dma_semaphore, #tpu.memory_space<semaphore_mem>> -> memref<!tpu.dma_semaphore, #tpu.memory_space<semaphore_mem>>
    tpu.enqueue_indirect_dma source(%dma_start3A_377 : memref<10000x128xbf16, #tpu.memory_space<hbm>>) target(%dma_start3A_372 : memref<80x128xbf16, #tpu.memory_space<vmem>>) offsets(%dma_start3A_374 : memref<80xi32, #tpu.memory_space<vmem>>) semaphore(%dma_start3A_379 : memref<!tpu.dma_semaphore, #tpu.memory_space<semaphore_mem>>)
    %dma_start3A_380 = arith.constant 3 : i32
    %dma_start3A_381 = arith.constant 3 : i32
    %dma_start3A_382 = arith.constant 0 : i32
    %dma_start3A_383 = arith.constant 0 : i32
    %dma_start3A_384 = tpu.memref_slice %arg7[%dma_start3A_380, %dma_start3A_382, %dma_start3A_383] : memref<5x80x128xbf16, #tpu.memory_space<vmem>> -> memref<1x80x128xbf16, #tpu.memory_space<vmem>>
    %dma_start3A_385 = tpu.memref_squeeze %dma_start3A_384 : memref<1x80x128xbf16, #tpu.memory_space<vmem>> -> memref<80x128xbf16, #tpu.memory_space<vmem>>
    %dma_start3A_386 = arith.constant 240 : i32
    %dma_start3A_387 = tpu.memref_slice %arg5[%dma_start3A_386] : memref<10000xi32, #tpu.memory_space<vmem>> -> memref<80xi32, #tpu.memory_space<vmem>>
    %dma_start3A_388 = arith.constant 0 : i32
    %dma_start3A_389 = arith.constant 0 : i32
    %dma_start3A_390 = tpu.memref_slice %arg2[%dma_start3A_388, %dma_start3A_389] : memref<10000x128xbf16, #tpu.memory_space<hbm>> -> memref<10000x128xbf16, #tpu.memory_space<hbm>>
    %dma_start3A_391 = tpu.memref_slice %arg9[%dma_start3A_381] : memref<5x!tpu.dma_semaphore, #tpu.memory_space<semaphore_mem>> -> memref<1x!tpu.dma_semaphore, #tpu.memory_space<semaphore_mem>>
    %dma_start3A_392 = tpu.memref_squeeze %dma_start3A_391 : memref<1x!tpu.dma_semaphore, #tpu.memory_space<semaphore_mem>> -> memref<!tpu.dma_semaphore, #tpu.memory_space<semaphore_mem>>
    tpu.enqueue_indirect_dma source(%dma_start3A_390 : memref<10000x128xbf16, #tpu.memory_space<hbm>>) target(%dma_start3A_385 : memref<80x128xbf16, #tpu.memory_space<vmem>>) offsets(%dma_start3A_387 : memref<80xi32, #tpu.memory_space<vmem>>) semaphore(%dma_start3A_392 : memref<!tpu.dma_semaphore, #tpu.memory_space<semaphore_mem>>)
    %dma_start3A_393 = arith.constant 4 : i32
    %dma_start3A_394 = arith.constant 4 : i32
    %dma_start3A_395 = arith.constant 0 : i32
    %dma_start3A_396 = arith.constant 0 : i32
    %dma_start3A_397 = tpu.memref_slice %arg7[%dma_start3A_393, %dma_start3A_395, %dma_start3A_396] : memref<5x80x128xbf16, #tpu.memory_space<vmem>> -> memref<1x80x128xbf16, #tpu.memory_space<vmem>>
    %dma_start3A_398 = tpu.memref_squeeze %dma_start3A_397 : memref<1x80x128xbf16, #tpu.memory_space<vmem>> -> memref<80x128xbf16, #tpu.memory_space<vmem>>
    %dma_start3A_399 = arith.constant 320 : i32
    %dma_start3A_400 = tpu.memref_slice %arg5[%dma_start3A_399] : memref<10000xi32, #tpu.memory_space<vmem>> -> memref<80xi32, #tpu.memory_space<vmem>>
    %dma_start3A_401 = arith.constant 0 : i32
    %dma_start3A_402 = arith.constant 0 : i32
    %dma_start3A_403 = tpu.memref_slice %arg2[%dma_start3A_401, %dma_start3A_402] : memref<10000x128xbf16, #tpu.memory_space<hbm>> -> memref<10000x128xbf16, #tpu.memory_space<hbm>>
    %dma_start3A_404 = tpu.memref_slice %arg9[%dma_start3A_394] : memref<5x!tpu.dma_semaphore, #tpu.memory_space<semaphore_mem>> -> memref<1x!tpu.dma_semaphore, #tpu.memory_space<semaphore_mem>>
    %dma_start3A_405 = tpu.memref_squeeze %dma_start3A_404 : memref<1x!tpu.dma_semaphore, #tpu.memory_space<semaphore_mem>> -> memref<!tpu.dma_semaphore, #tpu.memory_space<semaphore_mem>>
    tpu.enqueue_indirect_dma source(%dma_start3A_403 : memref<10000x128xbf16, #tpu.memory_space<hbm>>) target(%dma_start3A_398 : memref<80x128xbf16, #tpu.memory_space<vmem>>) offsets(%dma_start3A_400 : memref<80xi32, #tpu.memory_space<vmem>>) semaphore(%dma_start3A_405 : memref<!tpu.dma_semaphore, #tpu.memory_space<semaphore_mem>>)
    %scan3A_406 = arith.constant 0 : i32
    %scan3A_407 = arith.constant 0 : i32
    %scan3A_408 = arith.constant 25 : i32
    %scan3A_409 = arith.addi %scan3A_407, %scan3A_408 : i32
    %scan3A_410 = arith.constant 1 : i32
    scf.for %scan3A_482 = %scan3A_407 to %scan3A_409 step %scan3A_410  : i32 {
      %mul3A_483 = arith.constant 5 : i32
      %mul3A_484 = arith.muli %scan3A_482, %mul3A_483 : i32
      %add3A_485 = arith.constant 0 : i32
      %add3A_486 = arith.addi %mul3A_484, %add3A_485 : i32
      %mul3A_487 = arith.constant 80 : i32
      %mul3A_488 = arith.muli %add3A_486, %mul3A_487 : i32
      %dma_wait3A_489 = arith.constant 0 : i32
      %dma_wait3A_490 = arith.constant 0 : i32
      %dma_wait3A_491 = arith.constant 0 : i32
      %dma_wait3A_492 = arith.constant 0 : i32
      %dma_wait3A_493 = tpu.memref_slice %arg7[%dma_wait3A_489, %dma_wait3A_491, %dma_wait3A_492] : memref<5x80x128xbf16, #tpu.memory_space<vmem>> -> memref<1x80x128xbf16, #tpu.memory_space<vmem>>
      %dma_wait3A_494 = tpu.memref_squeeze %dma_wait3A_493 : memref<1x80x128xbf16, #tpu.memory_space<vmem>> -> memref<80x128xbf16, #tpu.memory_space<vmem>>
      %dma_wait3A_495 = tpu.memref_slice %arg5[%mul3A_488] : memref<10000xi32, #tpu.memory_space<vmem>> -> memref<80xi32, #tpu.memory_space<vmem>>
      %dma_wait3A_496 = arith.constant 0 : i32
      %dma_wait3A_497 = arith.constant 0 : i32
      %dma_wait3A_498 = tpu.memref_slice %arg2[%dma_wait3A_496, %dma_wait3A_497] : memref<10000x128xbf16, #tpu.memory_space<hbm>> -> memref<10000x128xbf16, #tpu.memory_space<hbm>>
      %dma_wait3A_499 = tpu.memref_slice %arg9[%dma_wait3A_490] : memref<5x!tpu.dma_semaphore, #tpu.memory_space<semaphore_mem>> -> memref<1x!tpu.dma_semaphore, #tpu.memory_space<semaphore_mem>>
      %dma_wait3A_500 = tpu.memref_squeeze %dma_wait3A_499 : memref<1x!tpu.dma_semaphore, #tpu.memory_space<semaphore_mem>> -> memref<!tpu.dma_semaphore, #tpu.memory_space<semaphore_mem>>
      tpu.wait_indirect_dma semaphore(%dma_wait3A_500 : memref<!tpu.dma_semaphore, #tpu.memory_space<semaphore_mem>>) src(%dma_wait3A_498 : memref<10000x128xbf16, #tpu.memory_space<hbm>>) dst(%dma_wait3A_494 : memref<80x128xbf16, #tpu.memory_space<vmem>>)
      %mul3A_501 = arith.constant 80 : i32
      %mul3A_502 = arith.muli %add3A_486, %mul3A_501 : i32
      %dma_start3A_503 = arith.constant 0 : i32
      %dma_start3A_504 = arith.constant 0 : i32
      %dma_start3A_505 = arith.constant 0 : i32
      %dma_start3A_506 = arith.constant 0 : i32
      %dma_start3A_507 = tpu.memref_slice %arg7[%dma_start3A_503, %dma_start3A_505, %dma_start3A_506] : memref<5x80x128xbf16, #tpu.memory_space<vmem>> -> memref<1x80x128xbf16, #tpu.memory_space<vmem>>
      %dma_start3A_508 = tpu.memref_squeeze %dma_start3A_507 : memref<1x80x128xbf16, #tpu.memory_space<vmem>> -> memref<80x128xbf16, #tpu.memory_space<vmem>>
      %dma_start3A_509 = tpu.memref_slice %arg6[%mul3A_502] : memref<10000xi32, #tpu.memory_space<vmem>> -> memref<80xi32, #tpu.memory_space<vmem>>
      %dma_start3A_510 = arith.constant 0 : i32
      %dma_start3A_511 = arith.constant 0 : i32
      %dma_start3A_512 = tpu.memref_slice %arg8[%dma_start3A_510, %dma_start3A_511] : memref<10240x128xbf16, #tpu.memory_space<vmem_shared>> -> memref<10240x128xbf16, #tpu.memory_space<vmem_shared>>
      %dma_start3A_513 = tpu.memref_slice %arg10[%dma_start3A_504] : memref<5x!tpu.dma_semaphore, #tpu.memory_space<semaphore_mem>> -> memref<1x!tpu.dma_semaphore, #tpu.memory_space<semaphore_mem>>
      %dma_start3A_514 = tpu.memref_squeeze %dma_start3A_513 : memref<1x!tpu.dma_semaphore, #tpu.memory_space<semaphore_mem>> -> memref<!tpu.dma_semaphore, #tpu.memory_space<semaphore_mem>>
      tpu.enqueue_indirect_dma source(%dma_start3A_508 : memref<80x128xbf16, #tpu.memory_space<vmem>>) target(%dma_start3A_512 : memref<10240x128xbf16, #tpu.memory_space<vmem_shared>>) offsets(%dma_start3A_509 : memref<80xi32, #tpu.memory_space<vmem>>) semaphore(%dma_start3A_514 : memref<!tpu.dma_semaphore, #tpu.memory_space<semaphore_mem>>) {add = true}
      %add3A_515 = arith.constant 1 : i32
      %add3A_516 = arith.addi %mul3A_484, %add3A_515 : i32
      %mul3A_517 = arith.constant 80 : i32
      %mul3A_518 = arith.muli %add3A_516, %mul3A_517 : i32
      %dma_wait3A_519 = arith.constant 1 : i32
      %dma_wait3A_520 = arith.constant 1 : i32
      %dma_wait3A_521 = arith.constant 0 : i32
      %dma_wait3A_522 = arith.constant 0 : i32
      %dma_wait3A_523 = tpu.memref_slice %arg7[%dma_wait3A_519, %dma_wait3A_521, %dma_wait3A_522] : memref<5x80x128xbf16, #tpu.memory_space<vmem>> -> memref<1x80x128xbf16, #tpu.memory_space<vmem>>
      %dma_wait3A_524 = tpu.memref_squeeze %dma_wait3A_523 : memref<1x80x128xbf16, #tpu.memory_space<vmem>> -> memref<80x128xbf16, #tpu.memory_space<vmem>>
      %dma_wait3A_525 = tpu.memref_slice %arg5[%mul3A_518] : memref<10000xi32, #tpu.memory_space<vmem>> -> memref<80xi32, #tpu.memory_space<vmem>>
      %dma_wait3A_526 = arith.constant 0 : i32
      %dma_wait3A_527 = arith.constant 0 : i32
      %dma_wait3A_528 = tpu.memref_slice %arg2[%dma_wait3A_526, %dma_wait3A_527] : memref<10000x128xbf16, #tpu.memory_space<hbm>> -> memref<10000x128xbf16, #tpu.memory_space<hbm>>
      %dma_wait3A_529 = tpu.memref_slice %arg9[%dma_wait3A_520] : memref<5x!tpu.dma_semaphore, #tpu.memory_space<semaphore_mem>> -> memref<1x!tpu.dma_semaphore, #tpu.memory_space<semaphore_mem>>
      %dma_wait3A_530 = tpu.memref_squeeze %dma_wait3A_529 : memref<1x!tpu.dma_semaphore, #tpu.memory_space<semaphore_mem>> -> memref<!tpu.dma_semaphore, #tpu.memory_space<semaphore_mem>>
      tpu.wait_indirect_dma semaphore(%dma_wait3A_530 : memref<!tpu.dma_semaphore, #tpu.memory_space<semaphore_mem>>) src(%dma_wait3A_528 : memref<10000x128xbf16, #tpu.memory_space<hbm>>) dst(%dma_wait3A_524 : memref<80x128xbf16, #tpu.memory_space<vmem>>)
      %mul3A_531 = arith.constant 80 : i32
      %mul3A_532 = arith.muli %add3A_516, %mul3A_531 : i32
      %dma_start3A_533 = arith.constant 1 : i32
      %dma_start3A_534 = arith.constant 1 : i32
      %dma_start3A_535 = arith.constant 0 : i32
      %dma_start3A_536 = arith.constant 0 : i32
      %dma_start3A_537 = tpu.memref_slice %arg7[%dma_start3A_533, %dma_start3A_535, %dma_start3A_536] : memref<5x80x128xbf16, #tpu.memory_space<vmem>> -> memref<1x80x128xbf16, #tpu.memory_space<vmem>>
      %dma_start3A_538 = tpu.memref_squeeze %dma_start3A_537 : memref<1x80x128xbf16, #tpu.memory_space<vmem>> -> memref<80x128xbf16, #tpu.memory_space<vmem>>
      %dma_start3A_539 = tpu.memref_slice %arg6[%mul3A_532] : memref<10000xi32, #tpu.memory_space<vmem>> -> memref<80xi32, #tpu.memory_space<vmem>>
      %dma_start3A_540 = arith.constant 0 : i32
      %dma_start3A_541 = arith.constant 0 : i32
      %dma_start3A_542 = tpu.memref_slice %arg8[%dma_start3A_540, %dma_start3A_541] : memref<10240x128xbf16, #tpu.memory_space<vmem_shared>> -> memref<10240x128xbf16, #tpu.memory_space<vmem_shared>>
      %dma_start3A_543 = tpu.memref_slice %arg10[%dma_start3A_534] : memref<5x!tpu.dma_semaphore, #tpu.memory_space<semaphore_mem>> -> memref<1x!tpu.dma_semaphore, #tpu.memory_space<semaphore_mem>>
      %dma_start3A_544 = tpu.memref_squeeze %dma_start3A_543 : memref<1x!tpu.dma_semaphore, #tpu.memory_space<semaphore_mem>> -> memref<!tpu.dma_semaphore, #tpu.memory_space<semaphore_mem>>
      tpu.enqueue_indirect_dma source(%dma_start3A_538 : memref<80x128xbf16, #tpu.memory_space<vmem>>) target(%dma_start3A_542 : memref<10240x128xbf16, #tpu.memory_space<vmem_shared>>) offsets(%dma_start3A_539 : memref<80xi32, #tpu.memory_space<vmem>>) semaphore(%dma_start3A_544 : memref<!tpu.dma_semaphore, #tpu.memory_space<semaphore_mem>>) {add = true}
      %add3A_545 = arith.constant 2 : i32
      %add3A_546 = arith.addi %mul3A_484, %add3A_545 : i32
      %mul3A_547 = arith.constant 80 : i32
      %mul3A_548 = arith.muli %add3A_546, %mul3A_547 : i32
      %dma_wait3A_549 = arith.constant 2 : i32
      %dma_wait3A_550 = arith.constant 2 : i32
      %dma_wait3A_551 = arith.constant 0 : i32
      %dma_wait3A_552 = arith.constant 0 : i32
      %dma_wait3A_553 = tpu.memref_slice %arg7[%dma_wait3A_549, %dma_wait3A_551, %dma_wait3A_552] : memref<5x80x128xbf16, #tpu.memory_space<vmem>> -> memref<1x80x128xbf16, #tpu.memory_space<vmem>>
      %dma_wait3A_554 = tpu.memref_squeeze %dma_wait3A_553 : memref<1x80x128xbf16, #tpu.memory_space<vmem>> -> memref<80x128xbf16, #tpu.memory_space<vmem>>
      %dma_wait3A_555 = tpu.memref_slice %arg5[%mul3A_548] : memref<10000xi32, #tpu.memory_space<vmem>> -> memref<80xi32, #tpu.memory_space<vmem>>
      %dma_wait3A_556 = arith.constant 0 : i32
      %dma_wait3A_557 = arith.constant 0 : i32
      %dma_wait3A_558 = tpu.memref_slice %arg2[%dma_wait3A_556, %dma_wait3A_557] : memref<10000x128xbf16, #tpu.memory_space<hbm>> -> memref<10000x128xbf16, #tpu.memory_space<hbm>>
      %dma_wait3A_559 = tpu.memref_slice %arg9[%dma_wait3A_550] : memref<5x!tpu.dma_semaphore, #tpu.memory_space<semaphore_mem>> -> memref<1x!tpu.dma_semaphore, #tpu.memory_space<semaphore_mem>>
      %dma_wait3A_560 = tpu.memref_squeeze %dma_wait3A_559 : memref<1x!tpu.dma_semaphore, #tpu.memory_space<semaphore_mem>> -> memref<!tpu.dma_semaphore, #tpu.memory_space<semaphore_mem>>
      tpu.wait_indirect_dma semaphore(%dma_wait3A_560 : memref<!tpu.dma_semaphore, #tpu.memory_space<semaphore_mem>>) src(%dma_wait3A_558 : memref<10000x128xbf16, #tpu.memory_space<hbm>>) dst(%dma_wait3A_554 : memref<80x128xbf16, #tpu.memory_space<vmem>>)
      %mul3A_561 = arith.constant 80 : i32
      %mul3A_562 = arith.muli %add3A_546, %mul3A_561 : i32
      %dma_start3A_563 = arith.constant 2 : i32
      %dma_start3A_564 = arith.constant 2 : i32
      %dma_start3A_565 = arith.constant 0 : i32
      %dma_start3A_566 = arith.constant 0 : i32
      %dma_start3A_567 = tpu.memref_slice %arg7[%dma_start3A_563, %dma_start3A_565, %dma_start3A_566] : memref<5x80x128xbf16, #tpu.memory_space<vmem>> -> memref<1x80x128xbf16, #tpu.memory_space<vmem>>
      %dma_start3A_568 = tpu.memref_squeeze %dma_start3A_567 : memref<1x80x128xbf16, #tpu.memory_space<vmem>> -> memref<80x128xbf16, #tpu.memory_space<vmem>>
      %dma_start3A_569 = tpu.memref_slice %arg6[%mul3A_562] : memref<10000xi32, #tpu.memory_space<vmem>> -> memref<80xi32, #tpu.memory_space<vmem>>
      %dma_start3A_570 = arith.constant 0 : i32
      %dma_start3A_571 = arith.constant 0 : i32
      %dma_start3A_572 = tpu.memref_slice %arg8[%dma_start3A_570, %dma_start3A_571] : memref<10240x128xbf16, #tpu.memory_space<vmem_shared>> -> memref<10240x128xbf16, #tpu.memory_space<vmem_shared>>
      %dma_start3A_573 = tpu.memref_slice %arg10[%dma_start3A_564] : memref<5x!tpu.dma_semaphore, #tpu.memory_space<semaphore_mem>> -> memref<1x!tpu.dma_semaphore, #tpu.memory_space<semaphore_mem>>
      %dma_start3A_574 = tpu.memref_squeeze %dma_start3A_573 : memref<1x!tpu.dma_semaphore, #tpu.memory_space<semaphore_mem>> -> memref<!tpu.dma_semaphore, #tpu.memory_space<semaphore_mem>>
      tpu.enqueue_indirect_dma source(%dma_start3A_568 : memref<80x128xbf16, #tpu.memory_space<vmem>>) target(%dma_start3A_572 : memref<10240x128xbf16, #tpu.memory_space<vmem_shared>>) offsets(%dma_start3A_569 : memref<80xi32, #tpu.memory_space<vmem>>) semaphore(%dma_start3A_574 : memref<!tpu.dma_semaphore, #tpu.memory_space<semaphore_mem>>) {add = true}
      %add3A_575 = arith.constant 3 : i32
      %add3A_576 = arith.addi %mul3A_484, %add3A_575 : i32
      %mul3A_577 = arith.constant 80 : i32
      %mul3A_578 = arith.muli %add3A_576, %mul3A_577 : i32
      %dma_wait3A_579 = arith.constant 3 : i32
      %dma_wait3A_580 = arith.constant 3 : i32
      %dma_wait3A_581 = arith.constant 0 : i32
      %dma_wait3A_582 = arith.constant 0 : i32
      %dma_wait3A_583 = tpu.memref_slice %arg7[%dma_wait3A_579, %dma_wait3A_581, %dma_wait3A_582] : memref<5x80x128xbf16, #tpu.memory_space<vmem>> -> memref<1x80x128xbf16, #tpu.memory_space<vmem>>
      %dma_wait3A_584 = tpu.memref_squeeze %dma_wait3A_583 : memref<1x80x128xbf16, #tpu.memory_space<vmem>> -> memref<80x128xbf16, #tpu.memory_space<vmem>>
      %dma_wait3A_585 = tpu.memref_slice %arg5[%mul3A_578] : memref<10000xi32, #tpu.memory_space<vmem>> -> memref<80xi32, #tpu.memory_space<vmem>>
      %dma_wait3A_586 = arith.constant 0 : i32
      %dma_wait3A_587 = arith.constant 0 : i32
      %dma_wait3A_588 = tpu.memref_slice %arg2[%dma_wait3A_586, %dma_wait3A_587] : memref<10000x128xbf16, #tpu.memory_space<hbm>> -> memref<10000x128xbf16, #tpu.memory_space<hbm>>
      %dma_wait3A_589 = tpu.memref_slice %arg9[%dma_wait3A_580] : memref<5x!tpu.dma_semaphore, #tpu.memory_space<semaphore_mem>> -> memref<1x!tpu.dma_semaphore, #tpu.memory_space<semaphore_mem>>
      %dma_wait3A_590 = tpu.memref_squeeze %dma_wait3A_589 : memref<1x!tpu.dma_semaphore, #tpu.memory_space<semaphore_mem>> -> memref<!tpu.dma_semaphore, #tpu.memory_space<semaphore_mem>>
      tpu.wait_indirect_dma semaphore(%dma_wait3A_590 : memref<!tpu.dma_semaphore, #tpu.memory_space<semaphore_mem>>) src(%dma_wait3A_588 : memref<10000x128xbf16, #tpu.memory_space<hbm>>) dst(%dma_wait3A_584 : memref<80x128xbf16, #tpu.memory_space<vmem>>)
      %mul3A_591 = arith.constant 80 : i32
      %mul3A_592 = arith.muli %add3A_576, %mul3A_591 : i32
      %dma_start3A_593 = arith.constant 3 : i32
      %dma_start3A_594 = arith.constant 3 : i32
      %dma_start3A_595 = arith.constant 0 : i32
      %dma_start3A_596 = arith.constant 0 : i32
      %dma_start3A_597 = tpu.memref_slice %arg7[%dma_start3A_593, %dma_start3A_595, %dma_start3A_596] : memref<5x80x128xbf16, #tpu.memory_space<vmem>> -> memref<1x80x128xbf16, #tpu.memory_space<vmem>>
      %dma_start3A_598 = tpu.memref_squeeze %dma_start3A_597 : memref<1x80x128xbf16, #tpu.memory_space<vmem>> -> memref<80x128xbf16, #tpu.memory_space<vmem>>
      %dma_start3A_599 = tpu.memref_slice %arg6[%mul3A_592] : memref<10000xi32, #tpu.memory_space<vmem>> -> memref<80xi32, #tpu.memory_space<vmem>>
      %dma_start3A_600 = arith.constant 0 : i32
      %dma_start3A_601 = arith.constant 0 : i32
      %dma_start3A_602 = tpu.memref_slice %arg8[%dma_start3A_600, %dma_start3A_601] : memref<10240x128xbf16, #tpu.memory_space<vmem_shared>> -> memref<10240x128xbf16, #tpu.memory_space<vmem_shared>>
      %dma_start3A_603 = tpu.memref_slice %arg10[%dma_start3A_594] : memref<5x!tpu.dma_semaphore, #tpu.memory_space<semaphore_mem>> -> memref<1x!tpu.dma_semaphore, #tpu.memory_space<semaphore_mem>>
      %dma_start3A_604 = tpu.memref_squeeze %dma_start3A_603 : memref<1x!tpu.dma_semaphore, #tpu.memory_space<semaphore_mem>> -> memref<!tpu.dma_semaphore, #tpu.memory_space<semaphore_mem>>
      tpu.enqueue_indirect_dma source(%dma_start3A_598 : memref<80x128xbf16, #tpu.memory_space<vmem>>) target(%dma_start3A_602 : memref<10240x128xbf16, #tpu.memory_space<vmem_shared>>) offsets(%dma_start3A_599 : memref<80xi32, #tpu.memory_space<vmem>>) semaphore(%dma_start3A_604 : memref<!tpu.dma_semaphore, #tpu.memory_space<semaphore_mem>>) {add = true}
      %add3A_605 = arith.constant 4 : i32
      %add3A_606 = arith.addi %mul3A_484, %add3A_605 : i32
      %mul3A_607 = arith.constant 80 : i32
      %mul3A_608 = arith.muli %add3A_606, %mul3A_607 : i32
      %dma_wait3A_609 = arith.constant 4 : i32
      %dma_wait3A_610 = arith.constant 4 : i32
      %dma_wait3A_611 = arith.constant 0 : i32
      %dma_wait3A_612 = arith.constant 0 : i32
      %dma_wait3A_613 = tpu.memref_slice %arg7[%dma_wait3A_609, %dma_wait3A_611, %dma_wait3A_612] : memref<5x80x128xbf16, #tpu.memory_space<vmem>> -> memref<1x80x128xbf16, #tpu.memory_space<vmem>>
      %dma_wait3A_614 = tpu.memref_squeeze %dma_wait3A_613 : memref<1x80x128xbf16, #tpu.memory_space<vmem>> -> memref<80x128xbf16, #tpu.memory_space<vmem>>
      %dma_wait3A_615 = tpu.memref_slice %arg5[%mul3A_608] : memref<10000xi32, #tpu.memory_space<vmem>> -> memref<80xi32, #tpu.memory_space<vmem>>
      %dma_wait3A_616 = arith.constant 0 : i32
      %dma_wait3A_617 = arith.constant 0 : i32
      %dma_wait3A_618 = tpu.memref_slice %arg2[%dma_wait3A_616, %dma_wait3A_617] : memref<10000x128xbf16, #tpu.memory_space<hbm>> -> memref<10000x128xbf16, #tpu.memory_space<hbm>>
      %dma_wait3A_619 = tpu.memref_slice %arg9[%dma_wait3A_610] : memref<5x!tpu.dma_semaphore, #tpu.memory_space<semaphore_mem>> -> memref<1x!tpu.dma_semaphore, #tpu.memory_space<semaphore_mem>>
      %dma_wait3A_620 = tpu.memref_squeeze %dma_wait3A_619 : memref<1x!tpu.dma_semaphore, #tpu.memory_space<semaphore_mem>> -> memref<!tpu.dma_semaphore, #tpu.memory_space<semaphore_mem>>
      tpu.wait_indirect_dma semaphore(%dma_wait3A_620 : memref<!tpu.dma_semaphore, #tpu.memory_space<semaphore_mem>>) src(%dma_wait3A_618 : memref<10000x128xbf16, #tpu.memory_space<hbm>>) dst(%dma_wait3A_614 : memref<80x128xbf16, #tpu.memory_space<vmem>>)
      %mul3A_621 = arith.constant 80 : i32
      %mul3A_622 = arith.muli %add3A_606, %mul3A_621 : i32
      %dma_start3A_623 = arith.constant 4 : i32
      %dma_start3A_624 = arith.constant 4 : i32
      %dma_start3A_625 = arith.constant 0 : i32
      %dma_start3A_626 = arith.constant 0 : i32
      %dma_start3A_627 = tpu.memref_slice %arg7[%dma_start3A_623, %dma_start3A_625, %dma_start3A_626] : memref<5x80x128xbf16, #tpu.memory_space<vmem>> -> memref<1x80x128xbf16, #tpu.memory_space<vmem>>
      %dma_start3A_628 = tpu.memref_squeeze %dma_start3A_627 : memref<1x80x128xbf16, #tpu.memory_space<vmem>> -> memref<80x128xbf16, #tpu.memory_space<vmem>>
      %dma_start3A_629 = tpu.memref_slice %arg6[%mul3A_622] : memref<10000xi32, #tpu.memory_space<vmem>> -> memref<80xi32, #tpu.memory_space<vmem>>
      %dma_start3A_630 = arith.constant 0 : i32
      %dma_start3A_631 = arith.constant 0 : i32
      %dma_start3A_632 = tpu.memref_slice %arg8[%dma_start3A_630, %dma_start3A_631] : memref<10240x128xbf16, #tpu.memory_space<vmem_shared>> -> memref<10240x128xbf16, #tpu.memory_space<vmem_shared>>
      %dma_start3A_633 = tpu.memref_slice %arg10[%dma_start3A_624] : memref<5x!tpu.dma_semaphore, #tpu.memory_space<semaphore_mem>> -> memref<1x!tpu.dma_semaphore, #tpu.memory_space<semaphore_mem>>
      %dma_start3A_634 = tpu.memref_squeeze %dma_start3A_633 : memref<1x!tpu.dma_semaphore, #tpu.memory_space<semaphore_mem>> -> memref<!tpu.dma_semaphore, #tpu.memory_space<semaphore_mem>>
      tpu.enqueue_indirect_dma source(%dma_start3A_628 : memref<80x128xbf16, #tpu.memory_space<vmem>>) target(%dma_start3A_632 : memref<10240x128xbf16, #tpu.memory_space<vmem_shared>>) offsets(%dma_start3A_629 : memref<80xi32, #tpu.memory_space<vmem>>) semaphore(%dma_start3A_634 : memref<!tpu.dma_semaphore, #tpu.memory_space<semaphore_mem>>) {add = true}
      %add3A_635 = arith.constant 5 : i32
      %add3A_636 = arith.addi %mul3A_484, %add3A_635 : i32
      %add3A_637 = arith.constant 0 : i32
      %add3A_638 = arith.addi %add3A_636, %add3A_637 : i32
      %lt3A = arith.constant 125 : i32
      %lt3A_639 = arith.cmpi slt, %add3A_638, %lt3A : i32
      %convert_element_type3A = arith.extui %lt3A_639 : i1 to i32
      %cond3A = arith.constant 0 : i32
      %cond3A_640 = arith.cmpi ne, %convert_element_type3A, %cond3A : i32
      scf.if %cond3A_640 {
        %dma_wait3A_677 = arith.constant 0 : i32
        %dma_wait3A_678 = arith.constant 0 : i32
        %dma_wait3A_679 = arith.constant 0 : i32
        %dma_wait3A_680 = arith.constant 0 : i32
        %dma_wait3A_681 = tpu.memref_slice %arg7[%dma_wait3A_677, %dma_wait3A_679, %dma_wait3A_680] : memref<5x80x128xbf16, #tpu.memory_space<vmem>> -> memref<1x80x128xbf16, #tpu.memory_space<vmem>>
        %dma_wait3A_682 = tpu.memref_squeeze %dma_wait3A_681 : memref<1x80x128xbf16, #tpu.memory_space<vmem>> -> memref<80x128xbf16, #tpu.memory_space<vmem>>
        %dma_wait3A_683 = arith.constant 0 : i32
        %dma_wait3A_684 = tpu.memref_slice %arg6[%dma_wait3A_683] : memref<10000xi32, #tpu.memory_space<vmem>> -> memref<80xi32, #tpu.memory_space<vmem>>
        %dma_wait3A_685 = arith.constant 0 : i32
        %dma_wait3A_686 = arith.constant 0 : i32
        %dma_wait3A_687 = tpu.memref_slice %arg8[%dma_wait3A_685, %dma_wait3A_686] : memref<10240x128xbf16, #tpu.memory_space<vmem_shared>> -> memref<10240x128xbf16, #tpu.memory_space<vmem_shared>>
        %dma_wait3A_688 = tpu.memref_slice %arg10[%dma_wait3A_678] : memref<5x!tpu.dma_semaphore, #tpu.memory_space<semaphore_mem>> -> memref<1x!tpu.dma_semaphore, #tpu.memory_space<semaphore_mem>>
        %dma_wait3A_689 = tpu.memref_squeeze %dma_wait3A_688 : memref<1x!tpu.dma_semaphore, #tpu.memory_space<semaphore_mem>> -> memref<!tpu.dma_semaphore, #tpu.memory_space<semaphore_mem>>
        tpu.wait_indirect_dma semaphore(%dma_wait3A_689 : memref<!tpu.dma_semaphore, #tpu.memory_space<semaphore_mem>>) src(%dma_wait3A_682 : memref<80x128xbf16, #tpu.memory_space<vmem>>) dst(%dma_wait3A_687 : memref<10240x128xbf16, #tpu.memory_space<vmem_shared>>)
        %mul3A_690 = arith.constant 80 : i32
        %mul3A_691 = arith.muli %add3A_638, %mul3A_690 : i32
        %dma_start3A_692 = arith.constant 0 : i32
        %dma_start3A_693 = arith.constant 0 : i32
        %dma_start3A_694 = arith.constant 0 : i32
        %dma_start3A_695 = arith.constant 0 : i32
        %dma_start3A_696 = tpu.memref_slice %arg7[%dma_start3A_692, %dma_start3A_694, %dma_start3A_695] : memref<5x80x128xbf16, #tpu.memory_space<vmem>> -> memref<1x80x128xbf16, #tpu.memory_space<vmem>>
        %dma_start3A_697 = tpu.memref_squeeze %dma_start3A_696 : memref<1x80x128xbf16, #tpu.memory_space<vmem>> -> memref<80x128xbf16, #tpu.memory_space<vmem>>
        %dma_start3A_698 = tpu.memref_slice %arg5[%mul3A_691] : memref<10000xi32, #tpu.memory_space<vmem>> -> memref<80xi32, #tpu.memory_space<vmem>>
        %dma_start3A_699 = arith.constant 0 : i32
        %dma_start3A_700 = arith.constant 0 : i32
        %dma_start3A_701 = tpu.memref_slice %arg2[%dma_start3A_699, %dma_start3A_700] : memref<10000x128xbf16, #tpu.memory_space<hbm>> -> memref<10000x128xbf16, #tpu.memory_space<hbm>>
        %dma_start3A_702 = tpu.memref_slice %arg9[%dma_start3A_693] : memref<5x!tpu.dma_semaphore, #tpu.memory_space<semaphore_mem>> -> memref<1x!tpu.dma_semaphore, #tpu.memory_space<semaphore_mem>>
        %dma_start3A_703 = tpu.memref_squeeze %dma_start3A_702 : memref<1x!tpu.dma_semaphore, #tpu.memory_space<semaphore_mem>> -> memref<!tpu.dma_semaphore, #tpu.memory_space<semaphore_mem>>
        tpu.enqueue_indirect_dma source(%dma_start3A_701 : memref<10000x128xbf16, #tpu.memory_space<hbm>>) target(%dma_start3A_697 : memref<80x128xbf16, #tpu.memory_space<vmem>>) offsets(%dma_start3A_698 : memref<80xi32, #tpu.memory_space<vmem>>) semaphore(%dma_start3A_703 : memref<!tpu.dma_semaphore, #tpu.memory_space<semaphore_mem>>)
      } else {
      }
      %add3A_641 = arith.constant 5 : i32
      %add3A_642 = arith.addi %mul3A_484, %add3A_641 : i32
      %add3A_643 = arith.constant 1 : i32
      %add3A_644 = arith.addi %add3A_642, %add3A_643 : i32
      %lt3A_645 = arith.constant 125 : i32
      %lt3A_646 = arith.cmpi slt, %add3A_644, %lt3A_645 : i32
      %convert_element_type3A_647 = arith.extui %lt3A_646 : i1 to i32
      %cond3A_648 = arith.constant 0 : i32
      %cond3A_649 = arith.cmpi ne, %convert_element_type3A_647, %cond3A_648 : i32
      scf.if %cond3A_649 {
        %dma_wait3A_677 = arith.constant 1 : i32
        %dma_wait3A_678 = arith.constant 1 : i32
        %dma_wait3A_679 = arith.constant 0 : i32
        %dma_wait3A_680 = arith.constant 0 : i32
        %dma_wait3A_681 = tpu.memref_slice %arg7[%dma_wait3A_677, %dma_wait3A_679, %dma_wait3A_680] : memref<5x80x128xbf16, #tpu.memory_space<vmem>> -> memref<1x80x128xbf16, #tpu.memory_space<vmem>>
        %dma_wait3A_682 = tpu.memref_squeeze %dma_wait3A_681 : memref<1x80x128xbf16, #tpu.memory_space<vmem>> -> memref<80x128xbf16, #tpu.memory_space<vmem>>
        %dma_wait3A_683 = arith.constant 0 : i32
        %dma_wait3A_684 = tpu.memref_slice %arg6[%dma_wait3A_683] : memref<10000xi32, #tpu.memory_space<vmem>> -> memref<80xi32, #tpu.memory_space<vmem>>
        %dma_wait3A_685 = arith.constant 0 : i32
        %dma_wait3A_686 = arith.constant 0 : i32
        %dma_wait3A_687 = tpu.memref_slice %arg8[%dma_wait3A_685, %dma_wait3A_686] : memref<10240x128xbf16, #tpu.memory_space<vmem_shared>> -> memref<10240x128xbf16, #tpu.memory_space<vmem_shared>>
        %dma_wait3A_688 = tpu.memref_slice %arg10[%dma_wait3A_678] : memref<5x!tpu.dma_semaphore, #tpu.memory_space<semaphore_mem>> -> memref<1x!tpu.dma_semaphore, #tpu.memory_space<semaphore_mem>>
        %dma_wait3A_689 = tpu.memref_squeeze %dma_wait3A_688 : memref<1x!tpu.dma_semaphore, #tpu.memory_space<semaphore_mem>> -> memref<!tpu.dma_semaphore, #tpu.memory_space<semaphore_mem>>
        tpu.wait_indirect_dma semaphore(%dma_wait3A_689 : memref<!tpu.dma_semaphore, #tpu.memory_space<semaphore_mem>>) src(%dma_wait3A_682 : memref<80x128xbf16, #tpu.memory_space<vmem>>) dst(%dma_wait3A_687 : memref<10240x128xbf16, #tpu.memory_space<vmem_shared>>)
        %mul3A_690 = arith.constant 80 : i32
        %mul3A_691 = arith.muli %add3A_644, %mul3A_690 : i32
        %dma_start3A_692 = arith.constant 1 : i32
        %dma_start3A_693 = arith.constant 1 : i32
        %dma_start3A_694 = arith.constant 0 : i32
        %dma_start3A_695 = arith.constant 0 : i32
        %dma_start3A_696 = tpu.memref_slice %arg7[%dma_start3A_692, %dma_start3A_694, %dma_start3A_695] : memref<5x80x128xbf16, #tpu.memory_space<vmem>> -> memref<1x80x128xbf16, #tpu.memory_space<vmem>>
        %dma_start3A_697 = tpu.memref_squeeze %dma_start3A_696 : memref<1x80x128xbf16, #tpu.memory_space<vmem>> -> memref<80x128xbf16, #tpu.memory_space<vmem>>
        %dma_start3A_698 = tpu.memref_slice %arg5[%mul3A_691] : memref<10000xi32, #tpu.memory_space<vmem>> -> memref<80xi32, #tpu.memory_space<vmem>>
        %dma_start3A_699 = arith.constant 0 : i32
        %dma_start3A_700 = arith.constant 0 : i32
        %dma_start3A_701 = tpu.memref_slice %arg2[%dma_start3A_699, %dma_start3A_700] : memref<10000x128xbf16, #tpu.memory_space<hbm>> -> memref<10000x128xbf16, #tpu.memory_space<hbm>>
        %dma_start3A_702 = tpu.memref_slice %arg9[%dma_start3A_693] : memref<5x!tpu.dma_semaphore, #tpu.memory_space<semaphore_mem>> -> memref<1x!tpu.dma_semaphore, #tpu.memory_space<semaphore_mem>>
        %dma_start3A_703 = tpu.memref_squeeze %dma_start3A_702 : memref<1x!tpu.dma_semaphore, #tpu.memory_space<semaphore_mem>> -> memref<!tpu.dma_semaphore, #tpu.memory_space<semaphore_mem>>
        tpu.enqueue_indirect_dma source(%dma_start3A_701 : memref<10000x128xbf16, #tpu.memory_space<hbm>>) target(%dma_start3A_697 : memref<80x128xbf16, #tpu.memory_space<vmem>>) offsets(%dma_start3A_698 : memref<80xi32, #tpu.memory_space<vmem>>) semaphore(%dma_start3A_703 : memref<!tpu.dma_semaphore, #tpu.memory_space<semaphore_mem>>)
      } else {
      }
      %add3A_650 = arith.constant 5 : i32
      %add3A_651 = arith.addi %mul3A_484, %add3A_650 : i32
      %add3A_652 = arith.constant 2 : i32
      %add3A_653 = arith.addi %add3A_651, %add3A_652 : i32
      %lt3A_654 = arith.constant 125 : i32
      %lt3A_655 = arith.cmpi slt, %add3A_653, %lt3A_654 : i32
      %convert_element_type3A_656 = arith.extui %lt3A_655 : i1 to i32
      %cond3A_657 = arith.constant 0 : i32
      %cond3A_658 = arith.cmpi ne, %convert_element_type3A_656, %cond3A_657 : i32
      scf.if %cond3A_658 {
        %dma_wait3A_677 = arith.constant 2 : i32
        %dma_wait3A_678 = arith.constant 2 : i32
        %dma_wait3A_679 = arith.constant 0 : i32
        %dma_wait3A_680 = arith.constant 0 : i32
        %dma_wait3A_681 = tpu.memref_slice %arg7[%dma_wait3A_677, %dma_wait3A_679, %dma_wait3A_680] : memref<5x80x128xbf16, #tpu.memory_space<vmem>> -> memref<1x80x128xbf16, #tpu.memory_space<vmem>>
        %dma_wait3A_682 = tpu.memref_squeeze %dma_wait3A_681 : memref<1x80x128xbf16, #tpu.memory_space<vmem>> -> memref<80x128xbf16, #tpu.memory_space<vmem>>
        %dma_wait3A_683 = arith.constant 0 : i32
        %dma_wait3A_684 = tpu.memref_slice %arg6[%dma_wait3A_683] : memref<10000xi32, #tpu.memory_space<vmem>> -> memref<80xi32, #tpu.memory_space<vmem>>
        %dma_wait3A_685 = arith.constant 0 : i32
        %dma_wait3A_686 = arith.constant 0 : i32
        %dma_wait3A_687 = tpu.memref_slice %arg8[%dma_wait3A_685, %dma_wait3A_686] : memref<10240x128xbf16, #tpu.memory_space<vmem_shared>> -> memref<10240x128xbf16, #tpu.memory_space<vmem_shared>>
        %dma_wait3A_688 = tpu.memref_slice %arg10[%dma_wait3A_678] : memref<5x!tpu.dma_semaphore, #tpu.memory_space<semaphore_mem>> -> memref<1x!tpu.dma_semaphore, #tpu.memory_space<semaphore_mem>>
        %dma_wait3A_689 = tpu.memref_squeeze %dma_wait3A_688 : memref<1x!tpu.dma_semaphore, #tpu.memory_space<semaphore_mem>> -> memref<!tpu.dma_semaphore, #tpu.memory_space<semaphore_mem>>
        tpu.wait_indirect_dma semaphore(%dma_wait3A_689 : memref<!tpu.dma_semaphore, #tpu.memory_space<semaphore_mem>>) src(%dma_wait3A_682 : memref<80x128xbf16, #tpu.memory_space<vmem>>) dst(%dma_wait3A_687 : memref<10240x128xbf16, #tpu.memory_space<vmem_shared>>)
        %mul3A_690 = arith.constant 80 : i32
        %mul3A_691 = arith.muli %add3A_653, %mul3A_690 : i32
        %dma_start3A_692 = arith.constant 2 : i32
        %dma_start3A_693 = arith.constant 2 : i32
        %dma_start3A_694 = arith.constant 0 : i32
        %dma_start3A_695 = arith.constant 0 : i32
        %dma_start3A_696 = tpu.memref_slice %arg7[%dma_start3A_692, %dma_start3A_694, %dma_start3A_695] : memref<5x80x128xbf16, #tpu.memory_space<vmem>> -> memref<1x80x128xbf16, #tpu.memory_space<vmem>>
        %dma_start3A_697 = tpu.memref_squeeze %dma_start3A_696 : memref<1x80x128xbf16, #tpu.memory_space<vmem>> -> memref<80x128xbf16, #tpu.memory_space<vmem>>
        %dma_start3A_698 = tpu.memref_slice %arg5[%mul3A_691] : memref<10000xi32, #tpu.memory_space<vmem>> -> memref<80xi32, #tpu.memory_space<vmem>>
        %dma_start3A_699 = arith.constant 0 : i32
        %dma_start3A_700 = arith.constant 0 : i32
        %dma_start3A_701 = tpu.memref_slice %arg2[%dma_start3A_699, %dma_start3A_700] : memref<10000x128xbf16, #tpu.memory_space<hbm>> -> memref<10000x128xbf16, #tpu.memory_space<hbm>>
        %dma_start3A_702 = tpu.memref_slice %arg9[%dma_start3A_693] : memref<5x!tpu.dma_semaphore, #tpu.memory_space<semaphore_mem>> -> memref<1x!tpu.dma_semaphore, #tpu.memory_space<semaphore_mem>>
        %dma_start3A_703 = tpu.memref_squeeze %dma_start3A_702 : memref<1x!tpu.dma_semaphore, #tpu.memory_space<semaphore_mem>> -> memref<!tpu.dma_semaphore, #tpu.memory_space<semaphore_mem>>
        tpu.enqueue_indirect_dma source(%dma_start3A_701 : memref<10000x128xbf16, #tpu.memory_space<hbm>>) target(%dma_start3A_697 : memref<80x128xbf16, #tpu.memory_space<vmem>>) offsets(%dma_start3A_698 : memref<80xi32, #tpu.memory_space<vmem>>) semaphore(%dma_start3A_703 : memref<!tpu.dma_semaphore, #tpu.memory_space<semaphore_mem>>)
      } else {
      }
      %add3A_659 = arith.constant 5 : i32
      %add3A_660 = arith.addi %mul3A_484, %add3A_659 : i32
      %add3A_661 = arith.constant 3 : i32
      %add3A_662 = arith.addi %add3A_660, %add3A_661 : i32
      %lt3A_663 = arith.constant 125 : i32
      %lt3A_664 = arith.cmpi slt, %add3A_662, %lt3A_663 : i32
      %convert_element_type3A_665 = arith.extui %lt3A_664 : i1 to i32
      %cond3A_666 = arith.constant 0 : i32
      %cond3A_667 = arith.cmpi ne, %convert_element_type3A_665, %cond3A_666 : i32
      scf.if %cond3A_667 {
        %dma_wait3A_677 = arith.constant 3 : i32
        %dma_wait3A_678 = arith.constant 3 : i32
        %dma_wait3A_679 = arith.constant 0 : i32
        %dma_wait3A_680 = arith.constant 0 : i32
        %dma_wait3A_681 = tpu.memref_slice %arg7[%dma_wait3A_677, %dma_wait3A_679, %dma_wait3A_680] : memref<5x80x128xbf16, #tpu.memory_space<vmem>> -> memref<1x80x128xbf16, #tpu.memory_space<vmem>>
        %dma_wait3A_682 = tpu.memref_squeeze %dma_wait3A_681 : memref<1x80x128xbf16, #tpu.memory_space<vmem>> -> memref<80x128xbf16, #tpu.memory_space<vmem>>
        %dma_wait3A_683 = arith.constant 0 : i32
        %dma_wait3A_684 = tpu.memref_slice %arg6[%dma_wait3A_683] : memref<10000xi32, #tpu.memory_space<vmem>> -> memref<80xi32, #tpu.memory_space<vmem>>
        %dma_wait3A_685 = arith.constant 0 : i32
        %dma_wait3A_686 = arith.constant 0 : i32
        %dma_wait3A_687 = tpu.memref_slice %arg8[%dma_wait3A_685, %dma_wait3A_686] : memref<10240x128xbf16, #tpu.memory_space<vmem_shared>> -> memref<10240x128xbf16, #tpu.memory_space<vmem_shared>>
        %dma_wait3A_688 = tpu.memref_slice %arg10[%dma_wait3A_678] : memref<5x!tpu.dma_semaphore, #tpu.memory_space<semaphore_mem>> -> memref<1x!tpu.dma_semaphore, #tpu.memory_space<semaphore_mem>>
        %dma_wait3A_689 = tpu.memref_squeeze %dma_wait3A_688 : memref<1x!tpu.dma_semaphore, #tpu.memory_space<semaphore_mem>> -> memref<!tpu.dma_semaphore, #tpu.memory_space<semaphore_mem>>
        tpu.wait_indirect_dma semaphore(%dma_wait3A_689 : memref<!tpu.dma_semaphore, #tpu.memory_space<semaphore_mem>>) src(%dma_wait3A_682 : memref<80x128xbf16, #tpu.memory_space<vmem>>) dst(%dma_wait3A_687 : memref<10240x128xbf16, #tpu.memory_space<vmem_shared>>)
        %mul3A_690 = arith.constant 80 : i32
        %mul3A_691 = arith.muli %add3A_662, %mul3A_690 : i32
        %dma_start3A_692 = arith.constant 3 : i32
        %dma_start3A_693 = arith.constant 3 : i32
        %dma_start3A_694 = arith.constant 0 : i32
        %dma_start3A_695 = arith.constant 0 : i32
        %dma_start3A_696 = tpu.memref_slice %arg7[%dma_start3A_692, %dma_start3A_694, %dma_start3A_695] : memref<5x80x128xbf16, #tpu.memory_space<vmem>> -> memref<1x80x128xbf16, #tpu.memory_space<vmem>>
        %dma_start3A_697 = tpu.memref_squeeze %dma_start3A_696 : memref<1x80x128xbf16, #tpu.memory_space<vmem>> -> memref<80x128xbf16, #tpu.memory_space<vmem>>
        %dma_start3A_698 = tpu.memref_slice %arg5[%mul3A_691] : memref<10000xi32, #tpu.memory_space<vmem>> -> memref<80xi32, #tpu.memory_space<vmem>>
        %dma_start3A_699 = arith.constant 0 : i32
        %dma_start3A_700 = arith.constant 0 : i32
        %dma_start3A_701 = tpu.memref_slice %arg2[%dma_start3A_699, %dma_start3A_700] : memref<10000x128xbf16, #tpu.memory_space<hbm>> -> memref<10000x128xbf16, #tpu.memory_space<hbm>>
        %dma_start3A_702 = tpu.memref_slice %arg9[%dma_start3A_693] : memref<5x!tpu.dma_semaphore, #tpu.memory_space<semaphore_mem>> -> memref<1x!tpu.dma_semaphore, #tpu.memory_space<semaphore_mem>>
        %dma_start3A_703 = tpu.memref_squeeze %dma_start3A_702 : memref<1x!tpu.dma_semaphore, #tpu.memory_space<semaphore_mem>> -> memref<!tpu.dma_semaphore, #tpu.memory_space<semaphore_mem>>
        tpu.enqueue_indirect_dma source(%dma_start3A_701 : memref<10000x128xbf16, #tpu.memory_space<hbm>>) target(%dma_start3A_697 : memref<80x128xbf16, #tpu.memory_space<vmem>>) offsets(%dma_start3A_698 : memref<80xi32, #tpu.memory_space<vmem>>) semaphore(%dma_start3A_703 : memref<!tpu.dma_semaphore, #tpu.memory_space<semaphore_mem>>)
      } else {
      }
      %add3A_668 = arith.constant 5 : i32
      %add3A_669 = arith.addi %mul3A_484, %add3A_668 : i32
      %add3A_670 = arith.constant 4 : i32
      %add3A_671 = arith.addi %add3A_669, %add3A_670 : i32
      %lt3A_672 = arith.constant 125 : i32
      %lt3A_673 = arith.cmpi slt, %add3A_671, %lt3A_672 : i32
      %convert_element_type3A_674 = arith.extui %lt3A_673 : i1 to i32
      %cond3A_675 = arith.constant 0 : i32
      %cond3A_676 = arith.cmpi ne, %convert_element_type3A_674, %cond3A_675 : i32
      scf.if %cond3A_676 {
        %dma_wait3A_677 = arith.constant 4 : i32
        %dma_wait3A_678 = arith.constant 4 : i32
        %dma_wait3A_679 = arith.constant 0 : i32
        %dma_wait3A_680 = arith.constant 0 : i32
        %dma_wait3A_681 = tpu.memref_slice %arg7[%dma_wait3A_677, %dma_wait3A_679, %dma_wait3A_680] : memref<5x80x128xbf16, #tpu.memory_space<vmem>> -> memref<1x80x128xbf16, #tpu.memory_space<vmem>>
        %dma_wait3A_682 = tpu.memref_squeeze %dma_wait3A_681 : memref<1x80x128xbf16, #tpu.memory_space<vmem>> -> memref<80x128xbf16, #tpu.memory_space<vmem>>
        %dma_wait3A_683 = arith.constant 0 : i32
        %dma_wait3A_684 = tpu.memref_slice %arg6[%dma_wait3A_683] : memref<10000xi32, #tpu.memory_space<vmem>> -> memref<80xi32, #tpu.memory_space<vmem>>
        %dma_wait3A_685 = arith.constant 0 : i32
        %dma_wait3A_686 = arith.constant 0 : i32
        %dma_wait3A_687 = tpu.memref_slice %arg8[%dma_wait3A_685, %dma_wait3A_686] : memref<10240x128xbf16, #tpu.memory_space<vmem_shared>> -> memref<10240x128xbf16, #tpu.memory_space<vmem_shared>>
        %dma_wait3A_688 = tpu.memref_slice %arg10[%dma_wait3A_678] : memref<5x!tpu.dma_semaphore, #tpu.memory_space<semaphore_mem>> -> memref<1x!tpu.dma_semaphore, #tpu.memory_space<semaphore_mem>>
        %dma_wait3A_689 = tpu.memref_squeeze %dma_wait3A_688 : memref<1x!tpu.dma_semaphore, #tpu.memory_space<semaphore_mem>> -> memref<!tpu.dma_semaphore, #tpu.memory_space<semaphore_mem>>
        tpu.wait_indirect_dma semaphore(%dma_wait3A_689 : memref<!tpu.dma_semaphore, #tpu.memory_space<semaphore_mem>>) src(%dma_wait3A_682 : memref<80x128xbf16, #tpu.memory_space<vmem>>) dst(%dma_wait3A_687 : memref<10240x128xbf16, #tpu.memory_space<vmem_shared>>)
        %mul3A_690 = arith.constant 80 : i32
        %mul3A_691 = arith.muli %add3A_671, %mul3A_690 : i32
        %dma_start3A_692 = arith.constant 4 : i32
        %dma_start3A_693 = arith.constant 4 : i32
        %dma_start3A_694 = arith.constant 0 : i32
        %dma_start3A_695 = arith.constant 0 : i32
        %dma_start3A_696 = tpu.memref_slice %arg7[%dma_start3A_692, %dma_start3A_694, %dma_start3A_695] : memref<5x80x128xbf16, #tpu.memory_space<vmem>> -> memref<1x80x128xbf16, #tpu.memory_space<vmem>>
        %dma_start3A_697 = tpu.memref_squeeze %dma_start3A_696 : memref<1x80x128xbf16, #tpu.memory_space<vmem>> -> memref<80x128xbf16, #tpu.memory_space<vmem>>
        %dma_start3A_698 = tpu.memref_slice %arg5[%mul3A_691] : memref<10000xi32, #tpu.memory_space<vmem>> -> memref<80xi32, #tpu.memory_space<vmem>>
        %dma_start3A_699 = arith.constant 0 : i32
        %dma_start3A_700 = arith.constant 0 : i32
        %dma_start3A_701 = tpu.memref_slice %arg2[%dma_start3A_699, %dma_start3A_700] : memref<10000x128xbf16, #tpu.memory_space<hbm>> -> memref<10000x128xbf16, #tpu.memory_space<hbm>>
        %dma_start3A_702 = tpu.memref_slice %arg9[%dma_start3A_693] : memref<5x!tpu.dma_semaphore, #tpu.memory_space<semaphore_mem>> -> memref<1x!tpu.dma_semaphore, #tpu.memory_space<semaphore_mem>>
        %dma_start3A_703 = tpu.memref_squeeze %dma_start3A_702 : memref<1x!tpu.dma_semaphore, #tpu.memory_space<semaphore_mem>> -> memref<!tpu.dma_semaphore, #tpu.memory_space<semaphore_mem>>
        tpu.enqueue_indirect_dma source(%dma_start3A_701 : memref<10000x128xbf16, #tpu.memory_space<hbm>>) target(%dma_start3A_697 : memref<80x128xbf16, #tpu.memory_space<vmem>>) offsets(%dma_start3A_698 : memref<80xi32, #tpu.memory_space<vmem>>) semaphore(%dma_start3A_703 : memref<!tpu.dma_semaphore, #tpu.memory_space<semaphore_mem>>)
      } else {
      }
    }
    %scan3A_411 = arith.constant 25 : i32
    %dma_wait3A_412 = arith.constant 0 : i32
    %dma_wait3A_413 = arith.constant 0 : i32
    %dma_wait3A_414 = arith.constant 0 : i32
    %dma_wait3A_415 = arith.constant 0 : i32
    %dma_wait3A_416 = tpu.memref_slice %arg7[%dma_wait3A_412, %dma_wait3A_414, %dma_wait3A_415] : memref<5x80x128xbf16, #tpu.memory_space<vmem>> -> memref<1x80x128xbf16, #tpu.memory_space<vmem>>
    %dma_wait3A_417 = tpu.memref_squeeze %dma_wait3A_416 : memref<1x80x128xbf16, #tpu.memory_space<vmem>> -> memref<80x128xbf16, #tpu.memory_space<vmem>>
    %dma_wait3A_418 = arith.constant 0 : i32
    %dma_wait3A_419 = tpu.memref_slice %arg6[%dma_wait3A_418] : memref<10000xi32, #tpu.memory_space<vmem>> -> memref<80xi32, #tpu.memory_space<vmem>>
    %dma_wait3A_420 = arith.constant 0 : i32
    %dma_wait3A_421 = arith.constant 0 : i32
    %dma_wait3A_422 = tpu.memref_slice %arg8[%dma_wait3A_420, %dma_wait3A_421] : memref<10240x128xbf16, #tpu.memory_space<vmem_shared>> -> memref<10240x128xbf16, #tpu.memory_space<vmem_shared>>
    %dma_wait3A_423 = tpu.memref_slice %arg10[%dma_wait3A_413] : memref<5x!tpu.dma_semaphore, #tpu.memory_space<semaphore_mem>> -> memref<1x!tpu.dma_semaphore, #tpu.memory_space<semaphore_mem>>
    %dma_wait3A_424 = tpu.memref_squeeze %dma_wait3A_423 : memref<1x!tpu.dma_semaphore, #tpu.memory_space<semaphore_mem>> -> memref<!tpu.dma_semaphore, #tpu.memory_space<semaphore_mem>>
    tpu.wait_indirect_dma semaphore(%dma_wait3A_424 : memref<!tpu.dma_semaphore, #tpu.memory_space<semaphore_mem>>) src(%dma_wait3A_417 : memref<80x128xbf16, #tpu.memory_space<vmem>>) dst(%dma_wait3A_422 : memref<10240x128xbf16, #tpu.memory_space<vmem_shared>>)
    %dma_wait3A_425 = arith.constant 1 : i32
    %dma_wait3A_426 = arith.constant 1 : i32
    %dma_wait3A_427 = arith.constant 0 : i32
    %dma_wait3A_428 = arith.constant 0 : i32
    %dma_wait3A_429 = tpu.memref_slice %arg7[%dma_wait3A_425, %dma_wait3A_427, %dma_wait3A_428] : memref<5x80x128xbf16, #tpu.memory_space<vmem>> -> memref<1x80x128xbf16, #tpu.memory_space<vmem>>
    %dma_wait3A_430 = tpu.memref_squeeze %dma_wait3A_429 : memref<1x80x128xbf16, #tpu.memory_space<vmem>> -> memref<80x128xbf16, #tpu.memory_space<vmem>>
    %dma_wait3A_431 = arith.constant 0 : i32
    %dma_wait3A_432 = tpu.memref_slice %arg6[%dma_wait3A_431] : memref<10000xi32, #tpu.memory_space<vmem>> -> memref<80xi32, #tpu.memory_space<vmem>>
    %dma_wait3A_433 = arith.constant 0 : i32
    %dma_wait3A_434 = arith.constant 0 : i32
    %dma_wait3A_435 = tpu.memref_slice %arg8[%dma_wait3A_433, %dma_wait3A_434] : memref<10240x128xbf16, #tpu.memory_space<vmem_shared>> -> memref<10240x128xbf16, #tpu.memory_space<vmem_shared>>
    %dma_wait3A_436 = tpu.memref_slice %arg10[%dma_wait3A_426] : memref<5x!tpu.dma_semaphore, #tpu.memory_space<semaphore_mem>> -> memref<1x!tpu.dma_semaphore, #tpu.memory_space<semaphore_mem>>
    %dma_wait3A_437 = tpu.memref_squeeze %dma_wait3A_436 : memref<1x!tpu.dma_semaphore, #tpu.memory_space<semaphore_mem>> -> memref<!tpu.dma_semaphore, #tpu.memory_space<semaphore_mem>>
    tpu.wait_indirect_dma semaphore(%dma_wait3A_437 : memref<!tpu.dma_semaphore, #tpu.memory_space<semaphore_mem>>) src(%dma_wait3A_430 : memref<80x128xbf16, #tpu.memory_space<vmem>>) dst(%dma_wait3A_435 : memref<10240x128xbf16, #tpu.memory_space<vmem_shared>>)
    %dma_wait3A_438 = arith.constant 2 : i32
    %dma_wait3A_439 = arith.constant 2 : i32
    %dma_wait3A_440 = arith.constant 0 : i32
    %dma_wait3A_441 = arith.constant 0 : i32
    %dma_wait3A_442 = tpu.memref_slice %arg7[%dma_wait3A_438, %dma_wait3A_440, %dma_wait3A_441] : memref<5x80x128xbf16, #tpu.memory_space<vmem>> -> memref<1x80x128xbf16, #tpu.memory_space<vmem>>
    %dma_wait3A_443 = tpu.memref_squeeze %dma_wait3A_442 : memref<1x80x128xbf16, #tpu.memory_space<vmem>> -> memref<80x128xbf16, #tpu.memory_space<vmem>>
    %dma_wait3A_444 = arith.constant 0 : i32
    %dma_wait3A_445 = tpu.memref_slice %arg6[%dma_wait3A_444] : memref<10000xi32, #tpu.memory_space<vmem>> -> memref<80xi32, #tpu.memory_space<vmem>>
    %dma_wait3A_446 = arith.constant 0 : i32
    %dma_wait3A_447 = arith.constant 0 : i32
    %dma_wait3A_448 = tpu.memref_slice %arg8[%dma_wait3A_446, %dma_wait3A_447] : memref<10240x128xbf16, #tpu.memory_space<vmem_shared>> -> memref<10240x128xbf16, #tpu.memory_space<vmem_shared>>
    %dma_wait3A_449 = tpu.memref_slice %arg10[%dma_wait3A_439] : memref<5x!tpu.dma_semaphore, #tpu.memory_space<semaphore_mem>> -> memref<1x!tpu.dma_semaphore, #tpu.memory_space<semaphore_mem>>
    %dma_wait3A_450 = tpu.memref_squeeze %dma_wait3A_449 : memref<1x!tpu.dma_semaphore, #tpu.memory_space<semaphore_mem>> -> memref<!tpu.dma_semaphore, #tpu.memory_space<semaphore_mem>>
    tpu.wait_indirect_dma semaphore(%dma_wait3A_450 : memref<!tpu.dma_semaphore, #tpu.memory_space<semaphore_mem>>) src(%dma_wait3A_443 : memref<80x128xbf16, #tpu.memory_space<vmem>>) dst(%dma_wait3A_448 : memref<10240x128xbf16, #tpu.memory_space<vmem_shared>>)
    %dma_wait3A_451 = arith.constant 3 : i32
    %dma_wait3A_452 = arith.constant 3 : i32
    %dma_wait3A_453 = arith.constant 0 : i32
    %dma_wait3A_454 = arith.constant 0 : i32
    %dma_wait3A_455 = tpu.memref_slice %arg7[%dma_wait3A_451, %dma_wait3A_453, %dma_wait3A_454] : memref<5x80x128xbf16, #tpu.memory_space<vmem>> -> memref<1x80x128xbf16, #tpu.memory_space<vmem>>
    %dma_wait3A_456 = tpu.memref_squeeze %dma_wait3A_455 : memref<1x80x128xbf16, #tpu.memory_space<vmem>> -> memref<80x128xbf16, #tpu.memory_space<vmem>>
    %dma_wait3A_457 = arith.constant 0 : i32
    %dma_wait3A_458 = tpu.memref_slice %arg6[%dma_wait3A_457] : memref<10000xi32, #tpu.memory_space<vmem>> -> memref<80xi32, #tpu.memory_space<vmem>>
    %dma_wait3A_459 = arith.constant 0 : i32
    %dma_wait3A_460 = arith.constant 0 : i32
    %dma_wait3A_461 = tpu.memref_slice %arg8[%dma_wait3A_459, %dma_wait3A_460] : memref<10240x128xbf16, #tpu.memory_space<vmem_shared>> -> memref<10240x128xbf16, #tpu.memory_space<vmem_shared>>
    %dma_wait3A_462 = tpu.memref_slice %arg10[%dma_wait3A_452] : memref<5x!tpu.dma_semaphore, #tpu.memory_space<semaphore_mem>> -> memref<1x!tpu.dma_semaphore, #tpu.memory_space<semaphore_mem>>
    %dma_wait3A_463 = tpu.memref_squeeze %dma_wait3A_462 : memref<1x!tpu.dma_semaphore, #tpu.memory_space<semaphore_mem>> -> memref<!tpu.dma_semaphore, #tpu.memory_space<semaphore_mem>>
    tpu.wait_indirect_dma semaphore(%dma_wait3A_463 : memref<!tpu.dma_semaphore, #tpu.memory_space<semaphore_mem>>) src(%dma_wait3A_456 : memref<80x128xbf16, #tpu.memory_space<vmem>>) dst(%dma_wait3A_461 : memref<10240x128xbf16, #tpu.memory_space<vmem_shared>>)
    %dma_wait3A_464 = arith.constant 4 : i32
    %dma_wait3A_465 = arith.constant 4 : i32
    %dma_wait3A_466 = arith.constant 0 : i32
    %dma_wait3A_467 = arith.constant 0 : i32
    %dma_wait3A_468 = tpu.memref_slice %arg7[%dma_wait3A_464, %dma_wait3A_466, %dma_wait3A_467] : memref<5x80x128xbf16, #tpu.memory_space<vmem>> -> memref<1x80x128xbf16, #tpu.memory_space<vmem>>
    %dma_wait3A_469 = tpu.memref_squeeze %dma_wait3A_468 : memref<1x80x128xbf16, #tpu.memory_space<vmem>> -> memref<80x128xbf16, #tpu.memory_space<vmem>>
    %dma_wait3A_470 = arith.constant 0 : i32
    %dma_wait3A_471 = tpu.memref_slice %arg6[%dma_wait3A_470] : memref<10000xi32, #tpu.memory_space<vmem>> -> memref<80xi32, #tpu.memory_space<vmem>>
    %dma_wait3A_472 = arith.constant 0 : i32
    %dma_wait3A_473 = arith.constant 0 : i32
    %dma_wait3A_474 = tpu.memref_slice %arg8[%dma_wait3A_472, %dma_wait3A_473] : memref<10240x128xbf16, #tpu.memory_space<vmem_shared>> -> memref<10240x128xbf16, #tpu.memory_space<vmem_shared>>
    %dma_wait3A_475 = tpu.memref_slice %arg10[%dma_wait3A_465] : memref<5x!tpu.dma_semaphore, #tpu.memory_space<semaphore_mem>> -> memref<1x!tpu.dma_semaphore, #tpu.memory_space<semaphore_mem>>
    %dma_wait3A_476 = tpu.memref_squeeze %dma_wait3A_475 : memref<1x!tpu.dma_semaphore, #tpu.memory_space<semaphore_mem>> -> memref<!tpu.dma_semaphore, #tpu.memory_space<semaphore_mem>>
    tpu.wait_indirect_dma semaphore(%dma_wait3A_476 : memref<!tpu.dma_semaphore, #tpu.memory_space<semaphore_mem>>) src(%dma_wait3A_469 : memref<80x128xbf16, #tpu.memory_space<vmem>>) dst(%dma_wait3A_474 : memref<10240x128xbf16, #tpu.memory_space<vmem_shared>>)
    %barrier3A_477 = arith.constant 0 : index
    tpu.barrier barrier_id(%barrier3A_477)
    %mul3A_478 = arith.constant 640 : i32
    %mul3A_479 = arith.muli %arg1, %mul3A_478 : i32
    %mul3A_480 = arith.constant 640 : i32
    %mul3A_481 = arith.muli %arg1, %mul3A_480 : i32
    "tpu.region"() ({
      %run_scoped3A = tpu.sem_alloc : memref<!tpu.dma_semaphore, #tpu.memory_space<semaphore_mem>>
      %dma_start3A_482 = arith.constant 0 : i32
      %dma_start3A_483 = tpu.memref_slice %arg4[%arg0, %mul3A_481, %dma_start3A_482] : memref<2x10240x128xbf16, #tpu.memory_space<hbm>> -> memref<1x640x128xbf16, #tpu.memory_space<hbm>>
      %dma_start3A_484 = tpu.memref_squeeze %dma_start3A_483 : memref<1x640x128xbf16, #tpu.memory_space<hbm>> -> memref<640x128xbf16, #tpu.memory_space<hbm>>
      %dma_start3A_485 = arith.constant 0 : i32
      %dma_start3A_486 = tpu.memref_slice %arg8[%mul3A_479, %dma_start3A_485] : memref<10240x128xbf16, #tpu.memory_space<vmem_shared>> -> memref<640x128xbf16, #tpu.memory_space<vmem_shared>>
      tpu.enqueue_dma source(%dma_start3A_486 : memref<640x128xbf16, #tpu.memory_space<vmem_shared>>) target(%dma_start3A_484 : memref<640x128xbf16, #tpu.memory_space<hbm>>) target_semaphore(%run_scoped3A : memref<!tpu.dma_semaphore, #tpu.memory_space<semaphore_mem>>)
      %dma_wait3A_487 = arith.constant 0 : i32
      %dma_wait3A_488 = tpu.memref_slice %arg4[%arg0, %mul3A_481, %dma_wait3A_487] : memref<2x10240x128xbf16, #tpu.memory_space<hbm>> -> memref<1x640x128xbf16, #tpu.memory_space<hbm>>
      %dma_wait3A_489 = tpu.memref_squeeze %dma_wait3A_488 : memref<1x640x128xbf16, #tpu.memory_space<hbm>> -> memref<640x128xbf16, #tpu.memory_space<hbm>>
      %dma_wait3A_490 = arith.constant 0 : i32
      %dma_wait3A_491 = tpu.memref_slice %arg8[%mul3A_479, %dma_wait3A_490] : memref<10240x128xbf16, #tpu.memory_space<vmem_shared>> -> memref<640x128xbf16, #tpu.memory_space<vmem_shared>>
      tpu.wait_dma2 semaphore(%run_scoped3A : memref<!tpu.dma_semaphore, #tpu.memory_space<semaphore_mem>>) src(%dma_wait3A_491 : memref<640x128xbf16, #tpu.memory_space<vmem_shared>>) dst(%dma_wait3A_489 : memref<640x128xbf16, #tpu.memory_space<hbm>>)
      tpu.yield
    }) : () -> ()
    return
  }
}

#map = affine_map<(d0, d1) -> (0)>
#map1 = affine_map<(d0, d1) -> (0, 0)>
#map2 = affine_map<(d0, d1) -> (0, 0, 0)>
module attributes {stable_mosaic.version = 14 : i64} {
  func.func @_deg_body(%arg0: i32, %arg1: i32, %arg2: memref<640000xi32, #tpu.memory_space<hbm>>, %arg3: memref<80x16xf32, #tpu.memory_space<hbm>>, %arg4: memref<10240x16xf32, #tpu.memory_space<hbm>>, %arg5: memref<2x10240x16xf32, #tpu.memory_space<hbm>>, %arg6: memref<10000xi32, #tpu.memory_space<vmem>>, %arg7: memref<80x16xf32, #tpu.memory_space<vmem>>, %arg8: memref<10240x16xf32, #tpu.memory_space<vmem_shared>>, %arg9: memref<!tpu.dma_semaphore, #tpu.memory_space<semaphore_mem>>) attributes {dimension_semantics = [#tpu.dimension_semantics<core_parallel>, #tpu.dimension_semantics<subcore_parallel>], iteration_bounds = array<i64: 2, 16>, scalar_prefetch = 0 : i64, scratch_operands = 4 : i64, tpu.core_type = #tpu.core_type<sc_vector_subcore>, window_params = [{transform_indices = #map}, {transform_indices = #map1}, {transform_indices = #map1}, {transform_indices = #map2}]} {
    %mul3A = arith.constant 2 : i32
    %mul3A_0 = arith.muli %arg1, %mul3A : i32
    %add3A = arith.addi %mul3A_0, %arg0 : i32
    %mul3A_1 = arith.constant 640 : i32
    %mul3A_2 = arith.muli %arg1, %mul3A_1 : i32
    %mul3A_3 = arith.constant 640 : i32
    %mul3A_4 = arith.muli %arg1, %mul3A_3 : i32
    "tpu.region"() ({
      %run_scoped3A = tpu.sem_alloc : memref<!tpu.dma_semaphore, #tpu.memory_space<semaphore_mem>>
      %dma_start3A = arith.constant 0 : i32
      %dma_start3A_25 = tpu.memref_slice %arg8[%mul3A_4, %dma_start3A] : memref<10240x16xf32, #tpu.memory_space<vmem_shared>> -> memref<640x16xf32, #tpu.memory_space<vmem_shared>>
      %dma_start3A_26 = arith.constant 0 : i32
      %dma_start3A_27 = tpu.memref_slice %arg4[%mul3A_2, %dma_start3A_26] : memref<10240x16xf32, #tpu.memory_space<hbm>> -> memref<640x16xf32, #tpu.memory_space<hbm>>
      tpu.enqueue_dma source(%dma_start3A_27 : memref<640x16xf32, #tpu.memory_space<hbm>>) target(%dma_start3A_25 : memref<640x16xf32, #tpu.memory_space<vmem_shared>>) target_semaphore(%run_scoped3A : memref<!tpu.dma_semaphore, #tpu.memory_space<semaphore_mem>>)
      %dma_wait3A = arith.constant 0 : i32
      %dma_wait3A_28 = tpu.memref_slice %arg8[%mul3A_4, %dma_wait3A] : memref<10240x16xf32, #tpu.memory_space<vmem_shared>> -> memref<640x16xf32, #tpu.memory_space<vmem_shared>>
      %dma_wait3A_29 = arith.constant 0 : i32
      %dma_wait3A_30 = tpu.memref_slice %arg4[%mul3A_2, %dma_wait3A_29] : memref<10240x16xf32, #tpu.memory_space<hbm>> -> memref<640x16xf32, #tpu.memory_space<hbm>>
      tpu.wait_dma2 semaphore(%run_scoped3A : memref<!tpu.dma_semaphore, #tpu.memory_space<semaphore_mem>>) src(%dma_wait3A_30 : memref<640x16xf32, #tpu.memory_space<hbm>>) dst(%dma_wait3A_28 : memref<640x16xf32, #tpu.memory_space<vmem_shared>>)
      tpu.yield
    }) : () -> ()
    %mul3A_5 = arith.constant 10000 : i32
    %mul3A_6 = arith.muli %add3A, %mul3A_5 : i32
    %add3A_7 = arith.constant 320000 : i32
    %add3A_8 = arith.addi %add3A_7, %mul3A_6 : i32
    "tpu.region"() ({
      %run_scoped3A = tpu.sem_alloc : memref<!tpu.dma_semaphore, #tpu.memory_space<semaphore_mem>>
      %dma_start3A = tpu.memref_slice %arg2[%add3A_8] : memref<640000xi32, #tpu.memory_space<hbm>> -> memref<10000xi32, #tpu.memory_space<hbm>>
      %dma_start3A_25 = tpu.memref_slice %arg2[%add3A_8] : memref<640000xi32, #tpu.memory_space<hbm>> -> memref<10000xi32, #tpu.memory_space<hbm>>
      tpu.enqueue_dma source(%dma_start3A_25 : memref<10000xi32, #tpu.memory_space<hbm>>) target(%arg6 : memref<10000xi32, #tpu.memory_space<vmem>>) target_semaphore(%run_scoped3A : memref<!tpu.dma_semaphore, #tpu.memory_space<semaphore_mem>>)
      %dma_wait3A = tpu.memref_slice %arg2[%add3A_8] : memref<640000xi32, #tpu.memory_space<hbm>> -> memref<10000xi32, #tpu.memory_space<hbm>>
      %dma_wait3A_26 = tpu.memref_slice %arg2[%add3A_8] : memref<640000xi32, #tpu.memory_space<hbm>> -> memref<10000xi32, #tpu.memory_space<hbm>>
      tpu.wait_dma2 semaphore(%run_scoped3A : memref<!tpu.dma_semaphore, #tpu.memory_space<semaphore_mem>>) src(%dma_wait3A_26 : memref<10000xi32, #tpu.memory_space<hbm>>) dst(%arg6 : memref<10000xi32, #tpu.memory_space<vmem>>)
      tpu.yield
    }) : () -> ()
    "tpu.region"() ({
      %run_scoped3A = tpu.sem_alloc : memref<!tpu.dma_semaphore, #tpu.memory_space<semaphore_mem>>
      tpu.enqueue_dma source(%arg3 : memref<80x16xf32, #tpu.memory_space<hbm>>) target(%arg7 : memref<80x16xf32, #tpu.memory_space<vmem>>) target_semaphore(%run_scoped3A : memref<!tpu.dma_semaphore, #tpu.memory_space<semaphore_mem>>)
      tpu.wait_dma2 semaphore(%run_scoped3A : memref<!tpu.dma_semaphore, #tpu.memory_space<semaphore_mem>>) src(%arg3 : memref<80x16xf32, #tpu.memory_space<hbm>>) dst(%arg7 : memref<80x16xf32, #tpu.memory_space<vmem>>)
      tpu.yield
    }) : () -> ()
    %barrier3A = arith.constant 0 : index
    tpu.barrier barrier_id(%barrier3A)
    %scan3A = arith.constant 0 : i32
    %scan3A_9 = arith.constant 0 : i32
    %scan3A_10 = arith.constant 125 : i32
    %scan3A_11 = arith.addi %scan3A_9, %scan3A_10 : i32
    %scan3A_12 = arith.constant 1 : i32
    scf.for %scan3A_25 = %scan3A_9 to %scan3A_11 step %scan3A_12  : i32 {
      %mul3A_26 = arith.constant 80 : i32
      %mul3A_27 = arith.muli %scan3A_25, %mul3A_26 : i32
      %dma_start3A = tpu.memref_slice %arg6[%mul3A_27] : memref<10000xi32, #tpu.memory_space<vmem>> -> memref<80xi32, #tpu.memory_space<vmem>>
      %dma_start3A_28 = arith.constant 0 : i32
      %dma_start3A_29 = arith.constant 0 : i32
      %dma_start3A_30 = tpu.memref_slice %arg8[%dma_start3A_28, %dma_start3A_29] : memref<10240x16xf32, #tpu.memory_space<vmem_shared>> -> memref<10240x16xf32, #tpu.memory_space<vmem_shared>>
      tpu.enqueue_indirect_dma source(%arg7 : memref<80x16xf32, #tpu.memory_space<vmem>>) target(%dma_start3A_30 : memref<10240x16xf32, #tpu.memory_space<vmem_shared>>) offsets(%dma_start3A : memref<80xi32, #tpu.memory_space<vmem>>) semaphore(%arg9 : memref<!tpu.dma_semaphore, #tpu.memory_space<semaphore_mem>>) {add = true}
    }
    %scan3A_13 = arith.constant 125 : i32
    %scan3A_14 = arith.constant 0 : i32
    %scan3A_15 = arith.constant 0 : i32
    %scan3A_16 = arith.constant 125 : i32
    %scan3A_17 = arith.addi %scan3A_15, %scan3A_16 : i32
    %scan3A_18 = arith.constant 1 : i32
    scf.for %scan3A_25 = %scan3A_15 to %scan3A_17 step %scan3A_18  : i32 {
      %dma_wait3A = arith.constant 0 : i32
      %dma_wait3A_26 = tpu.memref_slice %arg6[%dma_wait3A] : memref<10000xi32, #tpu.memory_space<vmem>> -> memref<80xi32, #tpu.memory_space<vmem>>
      %dma_wait3A_27 = arith.constant 0 : i32
      %dma_wait3A_28 = arith.constant 0 : i32
      %dma_wait3A_29 = tpu.memref_slice %arg8[%dma_wait3A_27, %dma_wait3A_28] : memref<10240x16xf32, #tpu.memory_space<vmem_shared>> -> memref<10240x16xf32, #tpu.memory_space<vmem_shared>>
      tpu.wait_indirect_dma semaphore(%arg9 : memref<!tpu.dma_semaphore, #tpu.memory_space<semaphore_mem>>) src(%arg7 : memref<80x16xf32, #tpu.memory_space<vmem>>) dst(%dma_wait3A_29 : memref<10240x16xf32, #tpu.memory_space<vmem_shared>>)
    }
    %scan3A_19 = arith.constant 125 : i32
    %barrier3A_20 = arith.constant 0 : index
    tpu.barrier barrier_id(%barrier3A_20)
    %mul3A_21 = arith.constant 640 : i32
    %mul3A_22 = arith.muli %arg1, %mul3A_21 : i32
    %mul3A_23 = arith.constant 640 : i32
    %mul3A_24 = arith.muli %arg1, %mul3A_23 : i32
    "tpu.region"() ({
      %run_scoped3A = tpu.sem_alloc : memref<!tpu.dma_semaphore, #tpu.memory_space<semaphore_mem>>
      %dma_start3A = arith.constant 0 : i32
      %dma_start3A_25 = tpu.memref_slice %arg5[%arg0, %mul3A_24, %dma_start3A] : memref<2x10240x16xf32, #tpu.memory_space<hbm>> -> memref<1x640x16xf32, #tpu.memory_space<hbm>>
      %dma_start3A_26 = tpu.memref_squeeze %dma_start3A_25 : memref<1x640x16xf32, #tpu.memory_space<hbm>> -> memref<640x16xf32, #tpu.memory_space<hbm>>
      %dma_start3A_27 = arith.constant 0 : i32
      %dma_start3A_28 = tpu.memref_slice %arg8[%mul3A_22, %dma_start3A_27] : memref<10240x16xf32, #tpu.memory_space<vmem_shared>> -> memref<640x16xf32, #tpu.memory_space<vmem_shared>>
      tpu.enqueue_dma source(%dma_start3A_28 : memref<640x16xf32, #tpu.memory_space<vmem_shared>>) target(%dma_start3A_26 : memref<640x16xf32, #tpu.memory_space<hbm>>) target_semaphore(%run_scoped3A : memref<!tpu.dma_semaphore, #tpu.memory_space<semaphore_mem>>)
      %dma_wait3A = arith.constant 0 : i32
      %dma_wait3A_29 = tpu.memref_slice %arg5[%arg0, %mul3A_24, %dma_wait3A] : memref<2x10240x16xf32, #tpu.memory_space<hbm>> -> memref<1x640x16xf32, #tpu.memory_space<hbm>>
      %dma_wait3A_30 = tpu.memref_squeeze %dma_wait3A_29 : memref<1x640x16xf32, #tpu.memory_space<hbm>> -> memref<640x16xf32, #tpu.memory_space<hbm>>
      %dma_wait3A_31 = arith.constant 0 : i32
      %dma_wait3A_32 = tpu.memref_slice %arg8[%mul3A_22, %dma_wait3A_31] : memref<10240x16xf32, #tpu.memory_space<vmem_shared>> -> memref<640x16xf32, #tpu.memory_space<vmem_shared>>
      tpu.wait_dma2 semaphore(%run_scoped3A : memref<!tpu.dma_semaphore, #tpu.memory_space<semaphore_mem>>) src(%dma_wait3A_32 : memref<640x16xf32, #tpu.memory_space<vmem_shared>>) dst(%dma_wait3A_30 : memref<640x16xf32, #tpu.memory_space<hbm>>)
      tpu.yield
    }) : () -> ()
    return
  }
}

module attributes {stable_mosaic.version = 14 : i64} {
  func.func @_mm_scale_body(%arg0: i32, %arg1: memref<2x2000x16xf32, #tpu.memory_space<vmem>>, %arg2: memref<2000x128xf32, #tpu.memory_space<vmem>>, %arg3: memref<128x128xf32, #tpu.memory_space<vmem>>, %arg4: memref<2000x128xf32, #tpu.memory_space<vmem>>, %arg5: memref<2000x128xbf16, #tpu.memory_space<vmem>>) attributes {dimension_semantics = [#tpu.dimension_semantics<arbitrary>], iteration_bounds = array<i64: 5>, scalar_prefetch = 0 : i64, scratch_operands = 0 : i64, tpu.core_type = #tpu.core_type<tc>, window_params = [{transform_indices = @transform_0, window_bounds = array<i64: 2, 2000, 16>}, {transform_indices = @transform_1, window_bounds = array<i64: 2000, 128>}, {pipeline_mode = #tpu.pipeline_mode<synchronous>, transform_indices = @transform_2, window_bounds = array<i64: 128, 128>}, {transform_indices = @transform_3, window_bounds = array<i64: 2000, 128>}, {transform_indices = @transform_4, window_bounds = array<i64: 2000, 128>}]} {
    %get3A = arith.constant 0 : index
    %get3A_0 = arith.constant 0 : index
    %get3A_1 = vector.load %arg2[%get3A, %get3A_0] : memref<2000x128xf32, #tpu.memory_space<vmem>>, vector<2000x128xf32>
    %get3A_2 = arith.constant 0 : index
    %get3A_3 = arith.constant 0 : index
    %get3A_4 = vector.load %arg3[%get3A_2, %get3A_3] : memref<128x128xf32, #tpu.memory_space<vmem>>, vector<128x128xf32>
    %dot_general3A = arith.constant dense<0.000000e+00> : vector<2000x128xf32>
    %dot_general3A_5 = tpu.matmul %get3A_1, %get3A_4, %dot_general3A {dimension_numbers = #tpu.dot_dimension_numbers<[1], [0], [0], [1], [0, 0, 1, 1], [], []>, transpose_lhs_hint = false} : vector<2000x128xf32>, vector<128x128xf32>, vector<2000x128xf32> -> vector<2000x128xf32>
    %get3A_6 = arith.constant 0 : index
    %get3A_7 = arith.constant 0 : index
    %get3A_8 = arith.constant 0 : index
    %get3A_9 = vector.load %arg1[%get3A_6, %get3A_7, %get3A_8] : memref<2x2000x16xf32, #tpu.memory_space<vmem>>, vector<1x2000x16xf32>
    %get3A_10 = vector.shape_cast %get3A_9 : vector<1x2000x16xf32> to vector<2000x16xf32>
    %slice3A = vector.extract_strided_slice %get3A_10 {offsets = [0, 0], sizes = [2000, 1], strides = [1, 1]} : vector<2000x16xf32> to vector<2000x1xf32>
    %get3A_11 = arith.constant 1 : index
    %get3A_12 = arith.constant 0 : index
    %get3A_13 = arith.constant 0 : index
    %get3A_14 = vector.load %arg1[%get3A_11, %get3A_12, %get3A_13] : memref<2x2000x16xf32, #tpu.memory_space<vmem>>, vector<1x2000x16xf32>
    %get3A_15 = vector.shape_cast %get3A_14 : vector<1x2000x16xf32> to vector<2000x16xf32>
    %slice3A_16 = vector.extract_strided_slice %get3A_15 {offsets = [0, 0], sizes = [2000, 1], strides = [1, 1]} : vector<2000x16xf32> to vector<2000x1xf32>
    %add3A = arith.addf %slice3A, %slice3A_16 : vector<2000x1xf32>
    %add3A_17 = arith.constant 1.000000e+00 : f32
    %add3A_18 = vector.broadcast %add3A_17 : f32 to vector<2000x1xf32>
    %add3A_19 = arith.addf %add3A, %add3A_18 : vector<2000x1xf32>
    %rsqrt3A = math.rsqrt %add3A_19 : vector<2000x1xf32>
    %mul3A = vector.broadcast %rsqrt3A : vector<2000x1xf32> to vector<2000x128xf32>
    %mul3A_20 = arith.mulf %dot_general3A_5, %mul3A : vector<2000x128xf32>
    %swap3A = arith.constant 0 : index
    %swap3A_21 = arith.constant 0 : index
    %swap3A_22 = vector.load %arg4[%swap3A, %swap3A_21] : memref<2000x128xf32, #tpu.memory_space<vmem>>, vector<2000x128xf32>
    tpu.vector_store %arg4[%swap3A, %swap3A_21], %mul3A_20 {strides = array<i32>} : memref<2000x128xf32, #tpu.memory_space<vmem>>, vector<2000x128xf32>,
    %convert_element_type3A = arith.truncf %mul3A_20 : vector<2000x128xf32> to vector<2000x128xbf16>
    %swap3A_23 = arith.constant 0 : index
    %swap3A_24 = arith.constant 0 : index
    %swap3A_25 = vector.load %arg5[%swap3A_23, %swap3A_24] : memref<2000x128xbf16, #tpu.memory_space<vmem>>, vector<2000x128xbf16>
    tpu.vector_store %arg5[%swap3A_23, %swap3A_24], %convert_element_type3A {strides = array<i32>} : memref<2000x128xbf16, #tpu.memory_space<vmem>>, vector<2000x128xbf16>,
    return
  }
  func.func @transform_0(%arg0: i32) -> (i32, i32, i32) {
    %c0_i32 = arith.constant 0 : i32
    %c0_i32_0 = arith.constant 0 : i32
    %c0_i32_1 = arith.constant 0 : i32
    return %c0_i32, %arg0, %c0_i32_0 : i32, i32, i32
  }
  func.func @transform_1(%arg0: i32) -> (i32, i32) {
    %c0_i32 = arith.constant 0 : i32
    %c0_i32_0 = arith.constant 0 : i32
    return %arg0, %c0_i32 : i32, i32
  }
  func.func @transform_2(%arg0: i32) -> (i32, i32) {
    %c0_i32 = arith.constant 0 : i32
    %c0_i32_0 = arith.constant 0 : i32
    %c0_i32_1 = arith.constant 0 : i32
    return %c0_i32, %c0_i32_0 : i32, i32
  }
  func.func @transform_3(%arg0: i32) -> (i32, i32) {
    %c0_i32 = arith.constant 0 : i32
    %c0_i32_0 = arith.constant 0 : i32
    return %arg0, %c0_i32 : i32, i32
  }
  func.func @transform_4(%arg0: i32) -> (i32, i32) {
    %c0_i32 = arith.constant 0 : i32
    %c0_i32_0 = arith.constant 0 : i32
    return %arg0, %c0_i32 : i32, i32
  }
}

module attributes {stable_mosaic.version = 14 : i64} {
  func.func @_combine_mm_body(%arg0: i32, %arg1: memref<2x2000x128xbf16, #tpu.memory_space<vmem>>, %arg2: memref<2000x128xf32, #tpu.memory_space<vmem>>, %arg3: memref<2x2000x16xf32, #tpu.memory_space<vmem>>, %arg4: memref<1x128xf32, #tpu.memory_space<vmem>>, %arg5: memref<128x128xf32, #tpu.memory_space<vmem>>, %arg6: memref<2000x128xf32, #tpu.memory_space<vmem>>, %arg7: memref<2000x128xbf16, #tpu.memory_space<vmem>>) attributes {dimension_semantics = [#tpu.dimension_semantics<arbitrary>], iteration_bounds = array<i64: 5>, scalar_prefetch = 0 : i64, scratch_operands = 0 : i64, tpu.core_type = #tpu.core_type<tc>, window_params = [{transform_indices = @transform_0, window_bounds = array<i64: 2, 2000, 128>}, {transform_indices = @transform_1, window_bounds = array<i64: 2000, 128>}, {transform_indices = @transform_2, window_bounds = array<i64: 2, 2000, 16>}, {pipeline_mode = #tpu.pipeline_mode<synchronous>, transform_indices = @transform_3, window_bounds = array<i64: 1, 128>}, {pipeline_mode = #tpu.pipeline_mode<synchronous>, transform_indices = @transform_4, window_bounds = array<i64: 128, 128>}, {transform_indices = @transform_5, window_bounds = array<i64: 2000, 128>}, {transform_indices = @transform_6, window_bounds = array<i64: 2000, 128>}]} {
    %get3A = arith.constant 0 : index
    %get3A_0 = arith.constant 0 : index
    %get3A_1 = arith.constant 0 : index
    %get3A_2 = vector.load %arg3[%get3A, %get3A_0, %get3A_1] : memref<2x2000x16xf32, #tpu.memory_space<vmem>>, vector<1x2000x16xf32>
    %get3A_3 = vector.shape_cast %get3A_2 : vector<1x2000x16xf32> to vector<2000x16xf32>
    %slice3A = vector.extract_strided_slice %get3A_3 {offsets = [0, 0], sizes = [2000, 1], strides = [1, 1]} : vector<2000x16xf32> to vector<2000x1xf32>
    %get3A_4 = arith.constant 1 : index
    %get3A_5 = arith.constant 0 : index
    %get3A_6 = arith.constant 0 : index
    %get3A_7 = vector.load %arg3[%get3A_4, %get3A_5, %get3A_6] : memref<2x2000x16xf32, #tpu.memory_space<vmem>>, vector<1x2000x16xf32>
    %get3A_8 = vector.shape_cast %get3A_7 : vector<1x2000x16xf32> to vector<2000x16xf32>
    %slice3A_9 = vector.extract_strided_slice %get3A_8 {offsets = [0, 0], sizes = [2000, 1], strides = [1, 1]} : vector<2000x16xf32> to vector<2000x1xf32>
    %add3A = arith.addf %slice3A, %slice3A_9 : vector<2000x1xf32>
    %add3A_10 = arith.constant 1.000000e+00 : f32
    %add3A_11 = vector.broadcast %add3A_10 : f32 to vector<2000x1xf32>
    %add3A_12 = arith.addf %add3A, %add3A_11 : vector<2000x1xf32>
    %rsqrt3A = math.rsqrt %add3A_12 : vector<2000x1xf32>
    %get3A_13 = arith.constant 0 : index
    %get3A_14 = arith.constant 0 : index
    %get3A_15 = arith.constant 0 : index
    %get3A_16 = vector.load %arg1[%get3A_13, %get3A_14, %get3A_15] : memref<2x2000x128xbf16, #tpu.memory_space<vmem>>, vector<1x2000x128xbf16>
    %get3A_17 = vector.shape_cast %get3A_16 : vector<1x2000x128xbf16> to vector<2000x128xbf16>
    %convert_element_type3A = arith.extf %get3A_17 : vector<2000x128xbf16> to vector<2000x128xf32>
    %get3A_18 = arith.constant 1 : index
    %get3A_19 = arith.constant 0 : index
    %get3A_20 = arith.constant 0 : index
    %get3A_21 = vector.load %arg1[%get3A_18, %get3A_19, %get3A_20] : memref<2x2000x128xbf16, #tpu.memory_space<vmem>>, vector<1x2000x128xbf16>
    %get3A_22 = vector.shape_cast %get3A_21 : vector<1x2000x128xbf16> to vector<2000x128xbf16>
    %convert_element_type3A_23 = arith.extf %get3A_22 : vector<2000x128xbf16> to vector<2000x128xf32>
    %add3A_24 = arith.addf %convert_element_type3A, %convert_element_type3A_23 : vector<2000x128xf32>
    %get3A_25 = arith.constant 0 : index
    %get3A_26 = arith.constant 0 : index
    %get3A_27 = vector.load %arg2[%get3A_25, %get3A_26] : memref<2000x128xf32, #tpu.memory_space<vmem>>, vector<2000x128xf32>
    %add3A_28 = arith.addf %add3A_24, %get3A_27 : vector<2000x128xf32>
    %mul3A = vector.broadcast %rsqrt3A : vector<2000x1xf32> to vector<2000x128xf32>
    %mul3A_29 = arith.mulf %add3A_28, %mul3A : vector<2000x128xf32>
    %get3A_30 = arith.constant 0 : index
    %get3A_31 = arith.constant 0 : index
    %get3A_32 = vector.load %arg4[%get3A_30, %get3A_31] : memref<1x128xf32, #tpu.memory_space<vmem>>, vector<1x128xf32>
    %add3A_33 = vector.broadcast %get3A_32 : vector<1x128xf32> to vector<2000x128xf32>
    %add3A_34 = arith.addf %mul3A_29, %add3A_33 : vector<2000x128xf32>
    %max3A = arith.constant 0.000000e+00 : f32
    %max3A_35 = vector.broadcast %max3A : f32 to vector<2000x128xf32>
    %max3A_36 = arith.maximumf %add3A_34, %max3A_35 : vector<2000x128xf32>
    %get3A_37 = arith.constant 0 : index
    %get3A_38 = arith.constant 0 : index
    %get3A_39 = vector.load %arg5[%get3A_37, %get3A_38] : memref<128x128xf32, #tpu.memory_space<vmem>>, vector<128x128xf32>
    %dot_general3A = arith.constant dense<0.000000e+00> : vector<2000x128xf32>
    %dot_general3A_40 = tpu.matmul %max3A_36, %get3A_39, %dot_general3A {dimension_numbers = #tpu.dot_dimension_numbers<[1], [0], [0], [1], [0, 0, 1, 1], [], []>, transpose_lhs_hint = false} : vector<2000x128xf32>, vector<128x128xf32>, vector<2000x128xf32> -> vector<2000x128xf32>
    %mul3A_41 = vector.broadcast %rsqrt3A : vector<2000x1xf32> to vector<2000x128xf32>
    %mul3A_42 = arith.mulf %dot_general3A_40, %mul3A_41 : vector<2000x128xf32>
    %swap3A = arith.constant 0 : index
    %swap3A_43 = arith.constant 0 : index
    %swap3A_44 = vector.load %arg6[%swap3A, %swap3A_43] : memref<2000x128xf32, #tpu.memory_space<vmem>>, vector<2000x128xf32>
    tpu.vector_store %arg6[%swap3A, %swap3A_43], %mul3A_42 {strides = array<i32>} : memref<2000x128xf32, #tpu.memory_space<vmem>>, vector<2000x128xf32>,
    %convert_element_type3A_45 = arith.truncf %mul3A_42 : vector<2000x128xf32> to vector<2000x128xbf16>
    %swap3A_46 = arith.constant 0 : index
    %swap3A_47 = arith.constant 0 : index
    %swap3A_48 = vector.load %arg7[%swap3A_46, %swap3A_47] : memref<2000x128xbf16, #tpu.memory_space<vmem>>, vector<2000x128xbf16>
    tpu.vector_store %arg7[%swap3A_46, %swap3A_47], %convert_element_type3A_45 {strides = array<i32>} : memref<2000x128xbf16, #tpu.memory_space<vmem>>, vector<2000x128xbf16>,
    return
  }
  func.func @transform_0(%arg0: i32) -> (i32, i32, i32) {
    %c0_i32 = arith.constant 0 : i32
    %c0_i32_0 = arith.constant 0 : i32
    %c0_i32_1 = arith.constant 0 : i32
    return %c0_i32, %arg0, %c0_i32_0 : i32, i32, i32
  }
  func.func @transform_1(%arg0: i32) -> (i32, i32) {
    %c0_i32 = arith.constant 0 : i32
    %c0_i32_0 = arith.constant 0 : i32
    return %arg0, %c0_i32 : i32, i32
  }
  func.func @transform_2(%arg0: i32) -> (i32, i32, i32) {
    %c0_i32 = arith.constant 0 : i32
    %c0_i32_0 = arith.constant 0 : i32
    %c0_i32_1 = arith.constant 0 : i32
    return %c0_i32, %arg0, %c0_i32_0 : i32, i32, i32
  }
  func.func @transform_3(%arg0: i32) -> (i32, i32) {
    %c0_i32 = arith.constant 0 : i32
    %c0_i32_0 = arith.constant 0 : i32
    %c0_i32_1 = arith.constant 0 : i32
    return %c0_i32, %c0_i32_0 : i32, i32
  }
  func.func @transform_4(%arg0: i32) -> (i32, i32) {
    %c0_i32 = arith.constant 0 : i32
    %c0_i32_0 = arith.constant 0 : i32
    %c0_i32_1 = arith.constant 0 : i32
    return %c0_i32, %c0_i32_0 : i32, i32
  }
  func.func @transform_5(%arg0: i32) -> (i32, i32) {
    %c0_i32 = arith.constant 0 : i32
    %c0_i32_0 = arith.constant 0 : i32
    return %arg0, %c0_i32 : i32, i32
  }
  func.func @transform_6(%arg0: i32) -> (i32, i32) {
    %c0_i32 = arith.constant 0 : i32
    %c0_i32_0 = arith.constant 0 : i32
    return %arg0, %c0_i32 : i32, i32
  }
}

module attributes {stable_mosaic.version = 14 : i64} {
  func.func @_combine_body(%arg0: i32, %arg1: memref<2x2000x128xbf16, #tpu.memory_space<vmem>>, %arg2: memref<2000x128xf32, #tpu.memory_space<vmem>>, %arg3: memref<2x2000x16xf32, #tpu.memory_space<vmem>>, %arg4: memref<1x128xf32, #tpu.memory_space<vmem>>, %arg5: memref<2000x128xf32, #tpu.memory_space<vmem>>) attributes {dimension_semantics = [#tpu.dimension_semantics<arbitrary>], iteration_bounds = array<i64: 5>, scalar_prefetch = 0 : i64, scratch_operands = 0 : i64, tpu.core_type = #tpu.core_type<tc>, window_params = [{transform_indices = @transform_0, window_bounds = array<i64: 2, 2000, 128>}, {transform_indices = @transform_1, window_bounds = array<i64: 2000, 128>}, {transform_indices = @transform_2, window_bounds = array<i64: 2, 2000, 16>}, {pipeline_mode = #tpu.pipeline_mode<synchronous>, transform_indices = @transform_3, window_bounds = array<i64: 1, 128>}, {transform_indices = @transform_4, window_bounds = array<i64: 2000, 128>}]} {
    %get3A = arith.constant 0 : index
    %get3A_0 = arith.constant 0 : index
    %get3A_1 = arith.constant 0 : index
    %get3A_2 = vector.load %arg3[%get3A, %get3A_0, %get3A_1] : memref<2x2000x16xf32, #tpu.memory_space<vmem>>, vector<1x2000x16xf32>
    %get3A_3 = vector.shape_cast %get3A_2 : vector<1x2000x16xf32> to vector<2000x16xf32>
    %slice3A = vector.extract_strided_slice %get3A_3 {offsets = [0, 0], sizes = [2000, 1], strides = [1, 1]} : vector<2000x16xf32> to vector<2000x1xf32>
    %get3A_4 = arith.constant 1 : index
    %get3A_5 = arith.constant 0 : index
    %get3A_6 = arith.constant 0 : index
    %get3A_7 = vector.load %arg3[%get3A_4, %get3A_5, %get3A_6] : memref<2x2000x16xf32, #tpu.memory_space<vmem>>, vector<1x2000x16xf32>
    %get3A_8 = vector.shape_cast %get3A_7 : vector<1x2000x16xf32> to vector<2000x16xf32>
    %slice3A_9 = vector.extract_strided_slice %get3A_8 {offsets = [0, 0], sizes = [2000, 1], strides = [1, 1]} : vector<2000x16xf32> to vector<2000x1xf32>
    %add3A = arith.addf %slice3A, %slice3A_9 : vector<2000x1xf32>
    %add3A_10 = arith.constant 1.000000e+00 : f32
    %add3A_11 = vector.broadcast %add3A_10 : f32 to vector<2000x1xf32>
    %add3A_12 = arith.addf %add3A, %add3A_11 : vector<2000x1xf32>
    %rsqrt3A = math.rsqrt %add3A_12 : vector<2000x1xf32>
    %get3A_13 = arith.constant 0 : index
    %get3A_14 = arith.constant 0 : index
    %get3A_15 = arith.constant 0 : index
    %get3A_16 = vector.load %arg1[%get3A_13, %get3A_14, %get3A_15] : memref<2x2000x128xbf16, #tpu.memory_space<vmem>>, vector<1x2000x128xbf16>
    %get3A_17 = vector.shape_cast %get3A_16 : vector<1x2000x128xbf16> to vector<2000x128xbf16>
    %convert_element_type3A = arith.extf %get3A_17 : vector<2000x128xbf16> to vector<2000x128xf32>
    %get3A_18 = arith.constant 1 : index
    %get3A_19 = arith.constant 0 : index
    %get3A_20 = arith.constant 0 : index
    %get3A_21 = vector.load %arg1[%get3A_18, %get3A_19, %get3A_20] : memref<2x2000x128xbf16, #tpu.memory_space<vmem>>, vector<1x2000x128xbf16>
    %get3A_22 = vector.shape_cast %get3A_21 : vector<1x2000x128xbf16> to vector<2000x128xbf16>
    %convert_element_type3A_23 = arith.extf %get3A_22 : vector<2000x128xbf16> to vector<2000x128xf32>
    %add3A_24 = arith.addf %convert_element_type3A, %convert_element_type3A_23 : vector<2000x128xf32>
    %get3A_25 = arith.constant 0 : index
    %get3A_26 = arith.constant 0 : index
    %get3A_27 = vector.load %arg2[%get3A_25, %get3A_26] : memref<2000x128xf32, #tpu.memory_space<vmem>>, vector<2000x128xf32>
    %add3A_28 = arith.addf %add3A_24, %get3A_27 : vector<2000x128xf32>
    %mul3A = vector.broadcast %rsqrt3A : vector<2000x1xf32> to vector<2000x128xf32>
    %mul3A_29 = arith.mulf %add3A_28, %mul3A : vector<2000x128xf32>
    %get3A_30 = arith.constant 0 : index
    %get3A_31 = arith.constant 0 : index
    %get3A_32 = vector.load %arg4[%get3A_30, %get3A_31] : memref<1x128xf32, #tpu.memory_space<vmem>>, vector<1x128xf32>
    %add3A_33 = vector.broadcast %get3A_32 : vector<1x128xf32> to vector<2000x128xf32>
    %add3A_34 = arith.addf %mul3A_29, %add3A_33 : vector<2000x128xf32>
    %max3A = arith.constant 0.000000e+00 : f32
    %max3A_35 = vector.broadcast %max3A : f32 to vector<2000x128xf32>
    %max3A_36 = arith.maximumf %add3A_34, %max3A_35 : vector<2000x128xf32>
    %swap3A = arith.constant 0 : index
    %swap3A_37 = arith.constant 0 : index
    %swap3A_38 = vector.load %arg5[%swap3A, %swap3A_37] : memref<2000x128xf32, #tpu.memory_space<vmem>>, vector<2000x128xf32>
    tpu.vector_store %arg5[%swap3A, %swap3A_37], %max3A_36 {strides = array<i32>} : memref<2000x128xf32, #tpu.memory_space<vmem>>, vector<2000x128xf32>,
    return
  }
  func.func @transform_0(%arg0: i32) -> (i32, i32, i32) {
    %c0_i32 = arith.constant 0 : i32
    %c0_i32_0 = arith.constant 0 : i32
    %c0_i32_1 = arith.constant 0 : i32
    return %c0_i32, %arg0, %c0_i32_0 : i32, i32, i32
  }
  func.func @transform_1(%arg0: i32) -> (i32, i32) {
    %c0_i32 = arith.constant 0 : i32
    %c0_i32_0 = arith.constant 0 : i32
    return %arg0, %c0_i32 : i32, i32
  }
  func.func @transform_2(%arg0: i32) -> (i32, i32, i32) {
    %c0_i32 = arith.constant 0 : i32
    %c0_i32_0 = arith.constant 0 : i32
    %c0_i32_1 = arith.constant 0 : i32
    return %c0_i32, %arg0, %c0_i32_0 : i32, i32, i32
  }
  func.func @transform_3(%arg0: i32) -> (i32, i32) {
    %c0_i32 = arith.constant 0 : i32
    %c0_i32_0 = arith.constant 0 : i32
    %c0_i32_1 = arith.constant 0 : i32
    return %c0_i32, %c0_i32_0 : i32, i32
  }
  func.func @transform_4(%arg0: i32) -> (i32, i32) {
    %c0_i32 = arith.constant 0 : i32
    %c0_i32_0 = arith.constant 0 : i32
    return %arg0, %c0_i32 : i32, i32
  }
}

</mosaic_0001>

<sc_bundles>
// kernel: kernel.11.cloned.1.call-start
scs
__scs_entry_jumppad:
0x0: {  	(pc) =	sbr.rel $0x88, $3  }
0x1: {  	(tag) =	ssettag $0x0;
	lr =	simm.s32 $0x1  }
0x2: {  	[smem:$0x3F9B] =	sst lr;
	_ =	strace $0xD0000000  }
0x3: {  	_ = 	snop  }
0x4: {  	_ = 	snop  }
0x5: {  	_ = 	snop  }
0x6: {  	_ = 	snop  }
0x7: {  	_ = 	snop  }
__scs_overlays_trampoline_lowered:
0x8: {  	[smem:$0x3FAA] =	sst s0  }
0x9: {  	[smem:$0x3FAB] =	sst s1  }
0xa: {  	[smem:$0x3FAC] =	sst s2  }
0xb: {  	[smem:$0x3FAD] =	sst s3  }
0xc: {  	[smem:$0x3FAE] =	sst s4  }
0xd: {  	[smem:$0x3FAF] =	sst s5  }
0xe: {  	[smem:$0x3FB0] =	sst s6  }
0xf: {  	[smem:$0x3FB1] =	sst s7  }
0x10: {  	[smem:$0x3FB2] =	sst s8  }
0x11: {  	[smem:$0x3FB3] =	sst s9;
	s0 =	simm.s32 @!p0 $0x0  }
0x12: {  	s1 =	sld [smem:$0x3F99];
	s0 =	simm.s32 @p0 $0x1  }
0x13: {  	[smem:$0x3FB4] =	sst s0;
	s0 =	simm.s32 @!p1 $0x0  }
0x14: {  	s2 =	sld [smem:$0x3F98];
	s0 =	simm.s32 @p1 $0x1  }
0x15: {  	[smem:$0x3FB5] =	sst s0;
	s0 =	simm.s32 @!p2 $0x0  }
0x16: {  	s3 =	sld [smem:$0x3FDB];
	s0 =	simm.s32 @p2 $0x1  }
0x17: {  	s4 =	simm.s32 $0x1BF5;
	[smem:$0x3FB7] =	sst s0  }
0x18: {  	s0 =	sld [smem:$0x3F9A];
	_ =	swait.ge [sflag:s4], $0x0  }
0x19: {  	s7 =	sld [smem:$0x3F9B]  }
0x1a: {  	s8 =	sadd.s32 $0xFFFFE003, lr  }
0x1b: {  	s9 =	sadd.s32 $0xFFFFFEF7, lr;
	s5 =	simm.s32 $0xFFFFFFFF;
	p2 =	slt.u32 s8, $0xFFFFF086  }
0x1c: {  	p1 =	slt.u32 s9, $0xF7A;
	s5 =	simm.s32 @!p2 $0x0  }
0x1d: {  	s5 =	simm.s32 @p1 $0x1;
	p0 =	seq.s32 s7, s2  }
0x1e: {  	s7 =	smul.u32 @!p0 $0xF7A, s2;
	p2 =	seq.s32 @!p0 s5, $0x0  }
0x1f: {  	s9 =	smul.u32 $0xF7A, s1;
	s8 =	simm.s32 @!p0 $0x1BF5;
	p2 =	por !p2, p0  }
0x20: {  	[sflag:s8] =	ssyncset.s32 @!p0 $0xFFFFF086;
	s6 =	sadd.s32 @!p0 s3, s7;
	s7 =	simm.s32 @!p0 $0x108  }
0x21: {  	s3 =	sadd.s32 s3, s9;
	s6 =	sadd.s32 @!p0 $0x88, s6;
	s7 =	simm.s32 @p2 $0x1082  }
0x22: {  	[simem:s7], [sflag:s8] =	dma.local @!p0 [hbm:s6], $0xF7A  }
0x23: {  	s9 =	sor.u32 $0xD0000000, s2;
	s6 =	simm.s32 $0x108;
	_ =	swait.ge @!p0 [sflag:s8], $0x0  }
0x24: {  	s3 =	sadd.s32 $0x88, s3;
	s6 =	simm.s32 @!p1 $0x1082;
	[sflag:s4] =	ssyncset.s32 $0xFFFFF086  }
0x25: {  	[simem:s6], [sflag:s4] =	dma.local [hbm:s3], $0xF7A  }
0x26: {  	[smem:$0x3F9B] =	sst s1;
	(tag) =	ssettag s2;
	_ =	strace s9  }
0x27: {  	s1 =	sld [smem:$0x3FAB]  }
0x28: {  	s2 =	sld [smem:$0x3FAC]  }
0x29: {  	s4 =	sld [smem:$0x3FAE]  }
0x2a: {  	p0 =	seq.s32 s5, $0x0;
	s5 =	sld [smem:$0x3FAF]  }
0x2b: {  	s6 =	sld [smem:$0x3FB0]  }
0x2c: {  	s7 =	sld [smem:$0x3FB1]  }
0x2d: {  	s3 =	simm.s32 $0x108;
	s8 =	sld [smem:$0x3FB2]  }
0x2e: {  	s3 =	simm.s32 @!p0 $0x1082;
	s9 =	sld [smem:$0x3FB3]  }
0x2f: {  	lr =	sadd.s32 s0, s3;
	s0 =	sld [smem:$0x3FAA]  }
0x30: {  	s3 =	sld [smem:$0x3FAD]  }
0x31: {  	[smem:$0x3FB6] =	sst s10  }
0x32: {  	s10 =	sld [smem:$0x3FB4];
	_ =	sdelay $0x3  }
0x33: {  	p0 =	seq.s32 s10, $0x1;
	s10 =	sld [smem:$0x3FB6];
	_ =	sdelay $0x3  }
0x34: {  	[smem:$0x3FB6] =	sst s10  }
0x35: {  	s10 =	sld [smem:$0x3FB5];
	_ =	sdelay $0x3  }
0x36: {  	p1 =	seq.s32 s10, $0x1;
	s10 =	sld [smem:$0x3FB6];
	_ =	sdelay $0x3  }
0x37: {  	[smem:$0x3FB6] =	sst s10  }
0x38: {  	s10 =	sld [smem:$0x3FB7]  }
0x39: {  	_ = 	snop;
	(pc) =	sbr.ind lr, $3  }
0x3a: {  	_ = 	snop  }
0x3b: {  	_ = 	snop  }
0x3c: {  	p2 =	seq.s32 s10, $0x1;
	s10 =	sld [smem:$0x3FB6]  }
0x3d: {  	_ =	shalt  }
0x3e: {  	_ =	shalt  }
0x3f: {  	_ =	shalt  }
0x40: {  	_ =	shalt  }
0x41: {  	_ =	shalt  }
0x42: {  	_ =	shalt  }
0x43: {  	_ =	shalt  }
0x44: {  	_ =	shalt  }
0x45: {  	_ =	shalt  }
0x46: {  	_ =	shalt  }
0x47: {  	_ =	shalt  }
0x48: {  	_ =	shalt  }
0x49: {  	_ =	shalt  }
0x4a: {  	_ =	shalt  }
0x4b: {  	_ =	shalt  }
0x4c: {  	_ =	shalt  }
0x4d: {  	_ =	shalt  }
0x4e: {  	_ =	shalt  }
0x4f: {  	_ =	shalt  }
0x50: {  	_ =	shalt  }
0x51: {  	_ =	shalt  }
0x52: {  	_ =	shalt  }
0x53: {  	_ =	shalt  }
0x54: {  	_ =	shalt  }
0x55: {  	_ =	shalt  }
0x56: {  	_ =	shalt  }
0x57: {  	_ =	shalt  }
0x58: {  	_ =	shalt  }
0x59: {  	_ =	shalt  }
0x5a: {  	_ =	shalt  }
0x5b: {  	_ =	shalt  }
0x5c: {  	_ =	shalt  }
0x5d: {  	_ =	shalt  }
0x5e: {  	_ =	shalt  }
0x5f: {  	_ =	shalt  }
0x60: {  	_ =	shalt  }
0x61: {  	_ =	shalt  }
0x62: {  	_ =	shalt  }
0x63: {  	_ =	shalt  }
0x64: {  	_ =	shalt  }
0x65: {  	_ =	shalt  }
0x66: {  	_ =	shalt  }
0x67: {  	_ =	shalt  }
0x68: {  	_ =	shalt  }
0x69: {  	_ =	shalt  }
0x6a: {  	_ =	shalt  }
0x6b: {  	_ =	shalt  }
0x6c: {  	_ =	shalt  }
0x6d: {  	_ =	shalt  }
0x6e: {  	_ =	shalt  }
0x6f: {  	_ =	shalt  }
0x70: {  	_ =	shalt  }
0x71: {  	_ =	shalt  }
0x72: {  	_ =	shalt  }
0x73: {  	_ =	shalt  }
0x74: {  	_ =	shalt  }
0x75: {  	_ =	shalt  }
0x76: {  	_ =	shalt  }
0x77: {  	_ =	shalt  }
0x78: {  	_ =	shalt  }
0x79: {  	_ =	shalt  }
0x7a: {  	_ =	shalt  }
0x7b: {  	_ =	shalt  }
0x7c: {  	_ =	shalt  }
0x7d: {  	_ =	shalt  }
0x7e: {  	_ =	shalt  }
0x7f: {  	_ =	shalt  }
0x80: {  	_ =	shalt  }
0x81: {  	_ =	shalt  }
0x82: {  	_ =	shalt  }
0x83: {  	_ =	shalt  }
0x84: {  	_ =	shalt  }
0x85: {  	_ =	shalt  }
0x86: {  	_ =	shalt  }
0x87: {  	_ =	shalt  }
.Lfunc_end0:
.L_simem_size_0:
called_computation.1_lowered:
.L_overlay_start_0:
0x88: {  	s2 =	sld [smem:$0x3FD9]  }
0x89: {  	s3 =	sld [smem:$0x3FFE];
	_ =	sdelay $0x1  }
0x8a: {  	s1 =	srdreg.scid  }
0x8b: {  	s0 =	sand.u32 $0x1, s1  }
0x8c: {  	s17 =	sshll.u32 s0, $0xA;
	s2 =	sadd.s32 s3, s2  }
0x8d: {  	s2 =	sadd.s32 s2, s17  }
0x8e: {  	[smem:$0x3FC2] =	sst s2  }
0x8f: {  	_ = 	snop  }
0x90: {  	s2 =	sld [smem:$0x3FD0];
	(tm) =	ssettm $0x1  }
0x91: {  	s18 =	sld [smem:$0x3FFB];
	_ =	sdelay $0x3  }
0x92: {  	_ =	strace s18  }
0x93: {  	s3 =	sld [smem:$0x3FFC];
	_ =	sdelay $0x3  }
0x94: {  	_ =	strace s3  }
0x95: {  	s3 =	sld [smem:$0x3FFD];
	_ =	sdelay $0x3  }
0x96: {  	_ =	strace s3  }
0x97: {  	_ =	strace $0x8FFFFFFF  }
0x98: {  	s19 =	sld [smem:$0x3FDB];
	_ =	sdelay $0x1  }
0x99: {  	s4 =	simm.s32 $_scs_section_size  }
0x9a: {  	s5 =	simm.s32 $_size__tile_overlayer_lowered;
	s6 =	simm.s32 $_tile_overlayer_lowered  }
0x9b: {  	s22 =	simm.s32 $0x1BFF;
	s21 =	sshll.u32 s6, $0x1;
	s3 =	sadd.s32 s4, s19  }
0x9c: {  	s7 =	simm.s32 $0x0;
	s20 =	sshll.u32 s5, $0x1;
	s5 =	sadd.s32 s21, s3  }
0x9d: {  	[timem:s7], [sflag:s22] =	dma.local [hbm:s5], s20  }
0x9e: {  	_ =	swait.ge [sflag:s22], s20  }
0x9f: {  	s4 =	ssub.s32 $0x0, s20;
	[sflag:s22] =	ssyncset.done $0x0  }
0xa0: {  	[sflag:s22] =	ssyncadd.s32 s4;
	_ =	sdelay $0x1  }
0xa1: {  	s23 =	simm.s32 $0x1B8B  }
0xa2: {  	_ =	swait.ge [sflag:s23], $0x1  }
0xa3: {  	[sflag:s23] =	ssyncset.done $0x0  }
0xa4: {  	s25 =	simm.s32 $0x1B8E;
	s24 =	sld [smem:$0x3FFE];
	[sflag:s23] =	ssyncadd.s32 $0xFFFFFFFF  }
0xa5: {  	s26 =	simm.s32 $execute0_lowered;
	[smem:$0x3FD2] =	sst s25  }
0xa6: {  	s5 =	sshll.u32 s26, $0x1;
	_ =	strace $0x80000049;
	[dreg:$0x1] =	wrdreg $0xFFFFFFFF  }
0xa7: {  	s28 =	simm.s32 $_size_execute0_lowered;
	s3 =	sadd.s32 s3, s5;
	[dreg:$0x0] =	wrdreg $0x0  }
0xa8: {  	s5 =	sshll.u32 s28, $0x1;
	[dreg:$0x2] =	wrdreg s3  }
0xa9: {  	[dreg:$0x3] =	wrdreg s5  }
0xaa: {  	[dreg:$0x4] =	wrdreg $0xC0  }
0xab: {  	_ =	task [dreg:s7], $0x5FFFF  }
0xac: {  	[dreg:$0x1] =	wrdreg $0xFFFFFFFF  }
0xad: {  	[dreg:$0x0] =	wrdreg $0x60  }
0xae: {  	[dreg:$0x2] =	wrdreg s24  }
0xaf: {  	[dreg:$0x3] =	wrdreg s2  }
0xb0: {  	[dreg:$0x4] =	wrdreg $0xB2200  }
0xb1: {  	[dreg:$0x5] =	wrdreg $0x9  }
0xb2: {  	_ =	task.clear_ibuf [dreg:s7], $0x6FFFF;
	_ =	strace $0x90000049  }
0xb3: {  	s29 =	simm.s32 $0x9;
	_ =	strace $0x8000004B  }
0xb4: {  	_ =	swait.ge [sflag:s29], $0x1  }
0xb5: {  	[sflag:s29] =	ssyncadd.s32 $0xFFFFFFFF  }
0xb6: {  	_ =	strace $0x9000004B  }
0xb7: {  	_ =	sfence  }
0xb8: {  	s30 =	sld [smem:$0x0];
	_ =	sdelay $0x2  }
0xb9: {  	s31 =	sshll.u32 s1, $0xD;
	s1 =	sshrl.u32 s1, $0x2  }
0xba: {  	s3 =	sand.u32 $0x4000, s31;
	s1 =	sadd.s32 s1, s30  }
0xbb: {  	s0 =	sor.u32 s3, s0;
	s1 =	sshll.u32 s1, $0x11  }
0xbc: {  	s0 =	sor.u32 s1, s0  }
0xbd: {  	s0 =	sadd.s32 $0x8F2B, s0  }
0xbe: {  	[sflag:s0] =	ssyncadd.remote.s32 $0x1  }
0xbf: {  	_ =	sfence.sel $0xFFFF  }
0xc0: {  	[dreg:$0x0] =	wrdreg $0xFFFFFFFF;
	(pc) =	sbr.abs _section_cstart, $3  }
0xc1: {  	[dreg:$0x1] =	wrdreg $0xFFFFFFFF  }
0xc2: {  	_ =	task.clear_ibuf [dreg:s7], $0x2FFFF;
	_ =	strace $0x9FFFFFFF  }
0xc3: {  	(tm) =	ssettm $0x7FFFFFFF  }
tec
execute0_lowered:
.L_overlay_start_1:
0x0: {  	(tag) =	ssettag $0x1  }
0x1: {  	s0 =	rddreg [dreg:$0x0]  }
0x2: {  	s1 =	rddreg [dreg:$0x1]  }
0x3: {  	s2 =	rddreg [dreg:$0x2]  }
0x4: {  	s3 =	srdreg.scid;
	s9 =	stileid.u32;
	s4 =	simm.s32 $0x0  }
0x5: {  	s18 =	simm.s32 $0x4E20;
	s19 =	simm.s32 $0x1;
	s29 =	simm.s32 $0x9E20  }
0x6: {  	s30 =	simm.s32 $0x3;
	s31 =	simm.s32 $0x4;
	s17 =	simm.s32 $0x6  }
0x7: {  	s28 =	simm.s32 $0xA;
	s3 =	sand.u32 $0x1, s3;
	s6 =	smul.u32 $0x14000, s9  }
0x8: {  	[smem:$0x7FF] =	sst s4;
	s7 =	sshll.u32 s9, $0x1;
	s9 =	smul.u32 $0x28000, s9  }
0x9: {  	s4 =	sadd.s32 $0x61E00, s0;
	s5 =	smul.u32 $0x140000, s3;
	s7 =	sor.u32 s3, s7  }
0xa: {  	_ =	strace $0x8000004A;
	s3 =	ssub.s32 $0x2, s3;
	s7 =	smul.u32 $0x2710, s7  }
0xb: {  	s8 =	sshrl.u32 s3, $0x1;
	s21 =	sshrl.u32 s6, $0x1;
	s22 =	sshrl.u32 s9, $0x2  }
0xc: {  	s5 =	sadd.s32 s6, s5;
	s3 =	ssub.s32 s3, s8;
	s24 =	sadd.s32 s22, s2  }
0xd: {  	s22 =	simm.s32 $0x6220;
	s5 =	sshrl.u32 s5, $0x4;
	s20 =	sshrl.u32 s7, $0x3  }
0xe: {  	s7 =	sadd.s32 s21, s2;
	s6 =	sadd.s32 $0x1400, s24;
	s25 =	sadd.s32 $0x2800, s24  }
0xf: {  	s26 =	sadd.s32 $0x3C00, s24;
	s11 =	sadd.s32 $0x5000, s24;
	s12 =	sadd.s32 $0x6400, s24  }
0x10: {  	s13 =	sadd.s32 $0x7800, s24;
	s14 =	sadd.s32 $0x8C00, s24;
	s16 =	smax.u32 s3, $0x1  }
0x11: {  	s21 =	simm.s32 $0x50;
	s24 =	simm.s32 $0x7620;
	[dreg:$0x5] =	wrdreg s6  }
0x12: {  	s3 =	simm.s32 $0xB;
	s0 =	sadd.s32 s5, s0;
	[dreg:$0x6] =	wrdreg s25  }
0x13: {  	s5 =	sadd.s32 s1, s20;
	[dreg:$0x7] =	wrdreg s26;
	s20 =	simm.s32 $0x2  }
0x14: {  	s26 =	simm.s32 $0x8A20;
	s1 =	simm.s32 $0x7;
	s25 =	simm.s32 $0x9  }
0x15: {  	s6 =	simm.s32 $0x0;
	s23 =	sadd.s32 $0x9C40, s5;
	s15 =	sadd.s32 $0x75800, s0  }
0x16: {  	v0 =	vimm.bf16 $0.0e+00;
	s0 =	simm.s32 $0x5;
	[dreg:$0x4] =	wrdreg s23;
	s23 =	simm.s32 $0x8  }
.LBB2_1:
0x17: {  	s8 =	simm.s32 $0x0  }
0x18: {  	[tilespmem:s8], [sflag:$0x2] =	stream.linear.gather [hbm4b:s5+s8], $0x2710, $0x38;
	[tilespmem:$0x15220] =	vst v63  }
0x19: {  	s9 =	rddreg [dreg:$0x4];
	s10 =	simm.s32 $0x2710  }
0x1a: {  	[tilespmem:s10], [sflag:$0x2] =	stream.linear.gather [hbm4b:s9+s8], $0x2710, $0x38;
	[tilespmem:$0x15220] =	vst v63  }
0x1b: {  	s9 =	simm.s32 $0x100;
	s8 =	simm.s32 $0x0  }
.LBB2_2:
0x1c: {  	p0 =	sne.s32 s9, $0x4F00;
	[tilespmem:s8+$0x4E50] =	vst v0;
	s10 =	smov.u32 s9;
	s9 =	sadd.s32 $0x100, s9  }
.Ltmp0:
0x1d: {  	[tilespmem:s8+$0x4E40] =	vst v0;
	(pc) =	sbr.rel @p0 .LBB2_2-.Ltmp0, $3  }
0x1e: {  	[tilespmem:s8+$0x4E20] =	vst v0  }
0x1f: {  	[tilespmem:s8+$0x4E30] =	vst v0;
	_ =	sdelay $0x1  }
0x20: {  	s8 =	sshra.s32 s10, $0x2  }
0x21: {  	[tilespmem:s8+$0x4E50] =	vst v0  }
0x22: {  	[tilespmem:s8+$0x4E40] =	vst v0  }
0x23: {  	[tilespmem:s8+$0x4E20] =	vst v0  }
0x24: {  	[tilespmem:s8+$0x4E30] =	vst v0  }
0x25: {  	[spmem:s7] =	stream.linear.scatter [tilespmem:s18], [sflag:$0x1], $0x1400, $0x38;
	[tilespmem:$0x15220] =	vst v63  }
0x26: {  	s9 =	rddreg [dreg:$0x5]  }
0x27: {  	[spmem:s9] =	stream.linear.scatter [tilespmem:s18], [sflag:$0x1], $0x1400, $0x38;
	[tilespmem:$0x15220] =	vst v63  }
0x28: {  	s10 =	rddreg [dreg:$0x6]  }
0x29: {  	[spmem:s10] =	stream.linear.scatter [tilespmem:s18], [sflag:$0x1], $0x1400, $0x38;
	[tilespmem:$0x15220] =	vst v63  }
0x2a: {  	s9 =	rddreg [dreg:$0x7]  }
0x2b: {  	[spmem:s9] =	stream.linear.scatter [tilespmem:s18], [sflag:$0x1], $0x1400, $0x38;
	[tilespmem:$0x15220] =	vst v63  }
0x2c: {  	_ = 	snop  }
0x2d: {  	[spmem:s11] =	stream.linear.scatter [tilespmem:s18], [sflag:$0x1], $0x1400, $0x38;
	[tilespmem:$0x15220] =	vst v63  }
0x2e: {  	_ = 	snop  }
0x2f: {  	[spmem:s12] =	stream.linear.scatter [tilespmem:s18], [sflag:$0x1], $0x1400, $0x38;
	[tilespmem:$0x15220] =	vst v63  }
0x30: {  	_ = 	snop  }
0x31: {  	[spmem:s13] =	stream.linear.scatter [tilespmem:s18], [sflag:$0x1], $0x1400, $0x38;
	[tilespmem:$0x15220] =	vst v63  }
0x32: {  	_ = 	snop  }
0x33: {  	[spmem:s14] =	stream.linear.scatter [tilespmem:s18], [sflag:$0x1], $0x1400, $0x38;
	[tilespmem:$0x15220] =	vst v63  }
0x34: {  	_ =	swait.ge [sflag:s19], $0x1400  }
0x35: {  	[sflag:s19] =	ssyncset.done $0x0  }
0x36: {  	[sflag:s19] =	ssyncadd.s32 $0xFFFFEC00  }
0x37: {  	_ =	swait.ge [sflag:s19], $0x1400  }
0x38: {  	[sflag:s19] =	ssyncset.done $0x0  }
0x39: {  	[sflag:s19] =	ssyncadd.s32 $0xFFFFEC00  }
0x3a: {  	_ =	swait.ge [sflag:s19], $0x1400  }
0x3b: {  	[sflag:s19] =	ssyncset.done $0x0  }
0x3c: {  	[sflag:s19] =	ssyncadd.s32 $0xFFFFEC00  }
0x3d: {  	_ =	swait.ge [sflag:s19], $0x1400  }
0x3e: {  	[sflag:s19] =	ssyncset.done $0x0  }
0x3f: {  	[sflag:s19] =	ssyncadd.s32 $0xFFFFEC00  }
0x40: {  	_ =	swait.ge [sflag:s19], $0x1400  }
0x41: {  	[sflag:s19] =	ssyncset.done $0x0  }
0x42: {  	[sflag:s19] =	ssyncadd.s32 $0xFFFFEC00  }
0x43: {  	_ =	swait.ge [sflag:s19], $0x1400  }
0x44: {  	[sflag:s19] =	ssyncset.done $0x0  }
0x45: {  	[sflag:s19] =	ssyncadd.s32 $0xFFFFEC00  }
0x46: {  	_ =	swait.ge [sflag:s19], $0x1400  }
0x47: {  	[sflag:s19] =	ssyncset.done $0x0  }
0x48: {  	[sflag:s19] =	ssyncadd.s32 $0xFFFFEC00  }
0x49: {  	_ =	swait.ge [sflag:s19], $0x1400  }
0x4a: {  	[sflag:s19] =	ssyncset.done $0x0  }
0x4b: {  	[sflag:s19] =	ssyncadd.s32 $0xFFFFEC00  }
0x4c: {  	_ =	swait.ge [sflag:s20], $0x2710  }
0x4d: {  	[sflag:s20] =	ssyncset.done $0x0  }
0x4e: {  	[sflag:s20] =	ssyncadd.s32 $0xFFFFD8F0  }
0x4f: {  	_ =	swait.ge [sflag:s20], $0x2710  }
0x50: {  	[sflag:s20] =	ssyncset.done $0x0  }
0x51: {  	[sflag:s20] =	ssyncadd.s32 $0xFFFFD8F0  }
0x52: {  	s10 =	simm.s32 $0x0;
	[bflag:$0x0] =	sbarrier.arrive $0xFFFF  }
0x53: {  	[tilespmem:s18], [sflag:$0x1] =	stream.indirect.gather [hbm4b:s4+s21], $0x40, s10, s21, $0xb8;
	[tilespmem:$0x15220] =	vst v63  }
0x54: {  	_ = 	snop  }
0x55: {  	[tilespmem:s22], [sflag:$0x2] =	stream.indirect.gather [hbm4b:s4+s21], $0x40, s21, s21, $0xb8;
	[tilespmem:$0x15220] =	vst v63  }
0x56: {  	s9 =	simm.s32 $0xA0  }
0x57: {  	[tilespmem:s24], [sflag:$0x3] =	stream.indirect.gather [hbm4b:s4+s21], $0x40, s9, s21, $0xb8;
	[tilespmem:$0x15220] =	vst v63  }
0x58: {  	s10 =	simm.s32 $0xF0  }
0x59: {  	[tilespmem:s26], [sflag:$0x4] =	stream.indirect.gather [hbm4b:s4+s21], $0x40, s10, s21, $0xb8;
	[tilespmem:$0x15220] =	vst v63  }
0x5a: {  	s9 =	simm.s32 $0x140  }
0x5b: {  	[tilespmem:s29], [sflag:$0x5] =	stream.indirect.gather [hbm4b:s4+s21], $0x40, s9, s21, $0xb8;
	[tilespmem:$0x15220] =	vst v63  }
0x5c: {  	_ =	swait.ge [sflag:s19], $0x1400  }
0x5d: {  	[sflag:s19] =	ssyncset.done $0x0  }
0x5e: {  	s10 =	simm.s32 $0x2710;
	[sflag:s19] =	ssyncadd.s32 $0xFFFFEC00  }
0x5f: {  	[spmem:s2] =	stream.indirect.scatter.add.bf16 [tilespmem:s18], [sflag:$0x6], $0x40, s10, s21, $0xb8;
	[tilespmem:$0x15220] =	vst v63  }
0x60: {  	_ =	swait.ge [sflag:s20], $0x1400  }
0x61: {  	[sflag:s20] =	ssyncset.done $0x0  }
0x62: {  	s9 =	simm.s32 $0x2760;
	[sflag:s20] =	ssyncadd.s32 $0xFFFFEC00  }
0x63: {  	[spmem:s2] =	stream.indirect.scatter.add.bf16 [tilespmem:s22], [sflag:$0x7], $0x40, s9, s21, $0xb8;
	[tilespmem:$0x15220] =	vst v63  }
0x64: {  	_ =	swait.ge [sflag:s30], $0x1400  }
0x65: {  	[sflag:s30] =	ssyncset.done $0x0  }
0x66: {  	s10 =	simm.s32 $0x27B0;
	[sflag:s30] =	ssyncadd.s32 $0xFFFFEC00  }
0x67: {  	[spmem:s2] =	stream.indirect.scatter.add.bf16 [tilespmem:s24], [sflag:$0x8], $0x40, s10, s21, $0xb8;
	[tilespmem:$0x15220] =	vst v63  }
0x68: {  	_ =	swait.ge [sflag:s31], $0x1400  }
0x69: {  	[sflag:s31] =	ssyncset.done $0x0  }
0x6a: {  	s9 =	simm.s32 $0x2800;
	[sflag:s31] =	ssyncadd.s32 $0xFFFFEC00  }
0x6b: {  	[spmem:s2] =	stream.indirect.scatter.add.bf16 [tilespmem:s26], [sflag:$0x9], $0x40, s9, s21, $0xb8;
	[tilespmem:$0x15220] =	vst v63  }
0x6c: {  	_ =	swait.ge [sflag:s0], $0x1400  }
0x6d: {  	[sflag:s0] =	ssyncset.done $0x0  }
0x6e: {  	s10 =	simm.s32 $0x2850;
	[sflag:s0] =	ssyncadd.s32 $0xFFFFEC00  }
0x6f: {  	[spmem:s2] =	stream.indirect.scatter.add.bf16 [tilespmem:s29], [sflag:$0xA], $0x40, s10, s21, $0xb8;
	[tilespmem:$0x15220] =	vst v63  }
0x70: {  	_ =	swait.ge [sflag:s17], $0x1400  }
0x71: {  	[sflag:s17] =	ssyncset.done $0x0  }
0x72: {  	s9 =	simm.s32 $0x190;
	[sflag:s17] =	ssyncadd.s32 $0xFFFFEC00  }
0x73: {  	[tilespmem:s18], [sflag:$0x1] =	stream.indirect.gather [hbm4b:s4+s21], $0x40, s9, s21, $0xb8;
	[tilespmem:$0x15220] =	vst v63  }
0x74: {  	_ =	swait.ge [sflag:s1], $0x1400  }
0x75: {  	[sflag:s1] =	ssyncset.done $0x0  }
0x76: {  	s10 =	simm.s32 $0x1E0;
	[sflag:s1] =	ssyncadd.s32 $0xFFFFEC00  }
0x77: {  	[tilespmem:s22], [sflag:$0x2] =	stream.indirect.gather [hbm4b:s4+s21], $0x40, s10, s21, $0xb8;
	[tilespmem:$0x15220] =	vst v63  }
0x78: {  	_ =	swait.ge [sflag:s23], $0x1400  }
0x79: {  	[sflag:s23] =	ssyncset.done $0x0  }
0x7a: {  	s9 =	simm.s32 $0x230;
	[sflag:s23] =	ssyncadd.s32 $0xFFFFEC00  }
0x7b: {  	[tilespmem:s24], [sflag:$0x3] =	stream.indirect.gather [hbm4b:s4+s21], $0x40, s9, s21, $0xb8;
	[tilespmem:$0x15220] =	vst v63  }
0x7c: {  	_ =	swait.ge [sflag:s25], $0x1400  }
0x7d: {  	[sflag:s25] =	ssyncset.done $0x0  }
0x7e: {  	s10 =	simm.s32 $0x280;
	[sflag:s25] =	ssyncadd.s32 $0xFFFFEC00  }
0x7f: {  	[tilespmem:s26], [sflag:$0x4] =	stream.indirect.gather [hbm4b:s4+s21], $0x40, s10, s21, $0xb8;
	[tilespmem:$0x15220] =	vst v63  }
0x80: {  	_ =	swait.ge [sflag:s28], $0x1400  }
0x81: {  	[sflag:s28] =	ssyncset.done $0x0  }
0x82: {  	s8 =	simm.s32 $0x640;
	s9 =	simm.s32 $0x2D0;
	[sflag:s28] =	ssyncadd.s32 $0xFFFFEC00  }
.LBB2_4:
0x83: {  	[tilespmem:s29], [sflag:$0x5] =	stream.indirect.gather [hbm4b:s4+s21], $0x40, s9, s21, $0xb8;
	[tilespmem:$0x15220] =	vst v63  }
0x84: {  	s9 =	smov.u32 s8  }
0x85: {  	p0 =	sne.s32 s8, $0x8FC0;
	s8 =	sadd.s32 $0x640, s8;
	_ =	swait.ge [sflag:s19], $0x1400  }
0x86: {  	s9 =	sshra.s32 s9, $0x2;
	[sflag:s19] =	ssyncset.done $0x0  }
0x87: {  	s10 =	sadd.s32 $0x2710, s9;
	[sflag:s19] =	ssyncadd.s32 $0xFFFFEC00  }
0x88: {  	[spmem:s2] =	stream.indirect.scatter.add.bf16 [tilespmem:s18], [sflag:$0x6], $0x40, s10, s21, $0xb8;
	[tilespmem:$0x15220] =	vst v63  }
0x89: {  	_ =	swait.ge [sflag:s20], $0x1400  }
0x8a: {  	[sflag:s20] =	ssyncset.done $0x0  }
0x8b: {  	s10 =	sadd.s32 $0x2760, s9;
	[sflag:s20] =	ssyncadd.s32 $0xFFFFEC00  }
0x8c: {  	[spmem:s2] =	stream.indirect.scatter.add.bf16 [tilespmem:s22], [sflag:$0x7], $0x40, s10, s21, $0xb8;
	[tilespmem:$0x15220] =	vst v63  }
0x8d: {  	_ =	swait.ge [sflag:s30], $0x1400  }
0x8e: {  	[sflag:s30] =	ssyncset.done $0x0  }
0x8f: {  	s10 =	sadd.s32 $0x27B0, s9;
	[sflag:s30] =	ssyncadd.s32 $0xFFFFEC00  }
0x90: {  	[spmem:s2] =	stream.indirect.scatter.add.bf16 [tilespmem:s24], [sflag:$0x8], $0x40, s10, s21, $0xb8;
	[tilespmem:$0x15220] =	vst v63  }
0x91: {  	_ =	swait.ge [sflag:s31], $0x1400  }
0x92: {  	[sflag:s31] =	ssyncset.done $0x0  }
0x93: {  	s10 =	sadd.s32 $0x2800, s9;
	[sflag:s31] =	ssyncadd.s32 $0xFFFFEC00  }
0x94: {  	[spmem:s2] =	stream.indirect.scatter.add.bf16 [tilespmem:s26], [sflag:$0x9], $0x40, s10, s21, $0xb8;
	[tilespmem:$0x15220] =	vst v63  }
0x95: {  	_ =	swait.ge [sflag:s0], $0x1400  }
0x96: {  	[sflag:s0] =	ssyncset.done $0x0  }
0x97: {  	s10 =	sadd.s32 $0x2850, s9;
	[sflag:s0] =	ssyncadd.s32 $0xFFFFEC00  }
0x98: {  	[spmem:s2] =	stream.indirect.scatter.add.bf16 [tilespmem:s29], [sflag:$0xA], $0x40, s10, s21, $0xb8;
	[tilespmem:$0x15220] =	vst v63  }
0x99: {  	_ =	swait.ge [sflag:s17], $0x1400  }
0x9a: {  	[sflag:s17] =	ssyncset.done $0x0  }
0x9b: {  	s10 =	sadd.s32 $0x190, s9;
	[sflag:s17] =	ssyncadd.s32 $0xFFFFEC00  }
0x9c: {  	[tilespmem:s18], [sflag:$0x1] =	stream.indirect.gather [hbm4b:s4+s21], $0x40, s10, s21, $0xb8;
	[tilespmem:$0x15220] =	vst v63  }
0x9d: {  	_ =	swait.ge [sflag:s1], $0x1400  }
0x9e: {  	[sflag:s1] =	ssyncset.done $0x0  }
0x9f: {  	s10 =	sadd.s32 $0x1E0, s9;
	[sflag:s1] =	ssyncadd.s32 $0xFFFFEC00  }
0xa0: {  	[tilespmem:s22], [sflag:$0x2] =	stream.indirect.gather [hbm4b:s4+s21], $0x40, s10, s21, $0xb8;
	[tilespmem:$0x15220] =	vst v63  }
0xa1: {  	_ =	swait.ge [sflag:s23], $0x1400  }
0xa2: {  	[sflag:s23] =	ssyncset.done $0x0  }
0xa3: {  	s10 =	sadd.s32 $0x230, s9;
	[sflag:s23] =	ssyncadd.s32 $0xFFFFEC00  }
0xa4: {  	[tilespmem:s24], [sflag:$0x3] =	stream.indirect.gather [hbm4b:s4+s21], $0x40, s10, s21, $0xb8;
	[tilespmem:$0x15220] =	vst v63  }
0xa5: {  	_ =	swait.ge [sflag:s25], $0x1400  }
0xa6: {  	[sflag:s25] =	ssyncset.done $0x0  }
.Ltmp1:
0xa7: {  	s10 =	sadd.s32 $0x280, s9;
	[sflag:s25] =	ssyncadd.s32 $0xFFFFEC00;
	(pc) =	sbr.rel @p0 .LBB2_4-.Ltmp1, $4  }
0xa8: {  	[tilespmem:s26], [sflag:$0x4] =	stream.indirect.gather [hbm4b:s4+s21], $0x40, s10, s21, $0xb8;
	[tilespmem:$0x15220] =	vst v63  }
0xa9: {  	_ =	swait.ge [sflag:s28], $0x1400  }
0xaa: {  	[sflag:s28] =	ssyncset.done $0x0  }
0xab: {  	s9 =	sadd.s32 $0x2D0, s9;
	[sflag:s28] =	ssyncadd.s32 $0xFFFFEC00  }
0xac: {  	[tilespmem:s29], [sflag:$0x5] =	stream.indirect.gather [hbm4b:s4+s21], $0x40, s9, s21, $0xb8;
	[tilespmem:$0x15220] =	vst v63  }
0xad: {  	_ =	swait.ge [sflag:s19], $0x1400  }
0xae: {  	[sflag:s19] =	ssyncset.done $0x0  }
0xaf: {  	s8 =	simm.s32 $0x4C90;
	[sflag:s19] =	ssyncadd.s32 $0xFFFFEC00  }
0xb0: {  	[spmem:s2] =	stream.indirect.scatter.add.bf16 [tilespmem:s18], [sflag:$0x6], $0x40, s8, s21, $0xb8;
	[tilespmem:$0x15220] =	vst v63  }
0xb1: {  	_ =	swait.ge [sflag:s20], $0x1400  }
0xb2: {  	[sflag:s20] =	ssyncset.done $0x0  }
0xb3: {  	s9 =	simm.s32 $0x4CE0;
	[sflag:s20] =	ssyncadd.s32 $0xFFFFEC00  }
0xb4: {  	[spmem:s2] =	stream.indirect.scatter.add.bf16 [tilespmem:s22], [sflag:$0x7], $0x40, s9, s21, $0xb8;
	[tilespmem:$0x15220] =	vst v63  }
0xb5: {  	_ =	swait.ge [sflag:s30], $0x1400  }
0xb6: {  	[sflag:s30] =	ssyncset.done $0x0  }
0xb7: {  	s10 =	simm.s32 $0x4D30;
	[sflag:s30] =	ssyncadd.s32 $0xFFFFEC00  }
0xb8: {  	[spmem:s2] =	stream.indirect.scatter.add.bf16 [tilespmem:s24], [sflag:$0x8], $0x40, s10, s21, $0xb8;
	[tilespmem:$0x15220] =	vst v63  }
0xb9: {  	_ =	swait.ge [sflag:s31], $0x1400  }
0xba: {  	[sflag:s31] =	ssyncset.done $0x0  }
0xbb: {  	s9 =	simm.s32 $0x4D80;
	[sflag:s31] =	ssyncadd.s32 $0xFFFFEC00  }
0xbc: {  	[spmem:s2] =	stream.indirect.scatter.add.bf16 [tilespmem:s26], [sflag:$0x9], $0x40, s9, s21, $0xb8;
	[tilespmem:$0x15220] =	vst v63  }
0xbd: {  	_ =	swait.ge [sflag:s0], $0x1400  }
0xbe: {  	[sflag:s0] =	ssyncset.done $0x0  }
0xbf: {  	s10 =	simm.s32 $0x4DD0;
	[sflag:s0] =	ssyncadd.s32 $0xFFFFEC00  }
0xc0: {  	[spmem:s2] =	stream.indirect.scatter.add.bf16 [tilespmem:s29], [sflag:$0xA], $0x40, s10, s21, $0xb8;
	[tilespmem:$0x15220] =	vst v63  }
0xc1: {  	_ =	swait.ge [sflag:s17], $0x1400  }
0xc2: {  	[sflag:s17] =	ssyncset.done $0x0  }
0xc3: {  	[sflag:s17] =	ssyncadd.s32 $0xFFFFEC00  }
0xc4: {  	_ =	swait.ge [sflag:s1], $0x1400  }
0xc5: {  	[sflag:s1] =	ssyncset.done $0x0  }
0xc6: {  	[sflag:s1] =	ssyncadd.s32 $0xFFFFEC00  }
0xc7: {  	_ =	swait.ge [sflag:s23], $0x1400  }
0xc8: {  	[sflag:s23] =	ssyncset.done $0x0  }
0xc9: {  	[sflag:s23] =	ssyncadd.s32 $0xFFFFEC00  }
0xca: {  	_ =	swait.ge [sflag:s25], $0x1400  }
0xcb: {  	[sflag:s25] =	ssyncset.done $0x0  }
0xcc: {  	[sflag:s25] =	ssyncadd.s32 $0xFFFFEC00  }
0xcd: {  	s9 =	stileid.u32;
	_ =	swait.ge [sflag:s28], $0x1400  }
0xce: {  	s6 =	sadd.s32 $0x1, s6;
	s8 =	sshll.u32 s9, $0x6;
	[sflag:s28] =	ssyncset.done $0x0  }
0xcf: {  	p0 =	sne.s32 s6, s16;
	s8 =	sor.u32 $0x1C0B, s8;
	[sflag:s28] =	ssyncadd.s32 $0xFFFFEC00  }
.Ltmp2:
0xd0: {  	s10 =	sshrl.u32 s7, $0x3;
	[bflag:$0x0] =	sbarrier.arrive $0xFFFF;
	(pc) =	sbr.rel @p0 .LBB2_1-.Ltmp2, $4  }
0xd1: {  	[hbm:s15], [sflag:s8] =	dma.local [spmem:s10], $0x1400  }
0xd2: {  	_ =	swait.ge [sflag:s3], $0x1400  }
0xd3: {  	[sflag:s3] =	ssyncset.done $0x0  }
0xd4: {  	[sflag:s3] =	ssyncadd.s32 $0xFFFFEC00  }
0xd5: {  	_ =	sfence.sel $0x180000  }
0xd6: {  	[bflag:$0x0] =	sbarrier.arrive $0xFFFF  }
0xd7: {  	_ =	strace $0x9000004A  }
0xd8: {  	s0 =	stileid.u32;
	[bflag:$0x2] =	sbarrier.arrive $0xFFFF  }
0xd9: {  	p0 =	sne.s32 s0, $0x0;
	s0 =	rddreg [dreg:$0x3]  }
0xda: {  	s0 =	sadd.s32 @!p0 $0x100000, s0  }
0xdb: {  	[sflag:s0] =	ssyncadd.tile.s32 @!p0 $0x1;
	_ =	shalt  }
.Lfunc_end2:
_tile_overlayer_lowered:
.L_overlay_start_2:
0xdc: {  	(tag) =	ssettag $0x2  }
0xdd: {  	s0 =	rddreg [dreg:$0x0];
	s2 =	stileid.u32  }
0xde: {  	s1 =	rddreg [dreg:$0x1];
	p0 =	sne.s32 s2, $0x0  }
0xdf: {  	s3 =	rddreg [dreg:$0x2];
	[bflag:$0x3] =	sbarrier.arrive $0xFFFF;
	s2 =	simm.s32 @!p0 $0x1C0B  }
0xe0: {  	[timem:s3], [sflag:s2] =	dma.local @!p0 [hbm:s0], s1  }
0xe1: {  	s0 =	simm.s32 @!p0 $0xB  }
0xe2: {  	_ =	swait.ge @!p0 [sflag:s0], s1  }
0xe3: {  	s1 =	ssub.s32 @!p0 $0x0, s1;
	[sflag:s0] =	ssyncset.done @!p0 $0x0  }
0xe4: {  	[sflag:s0] =	ssyncadd.s32 @!p0 s1  }
0xe5: {  	[bflag:$0x3] =	sbarrier.arrive $0xFFFF  }
0xe6: {  	_ =	shalt  }

// kernel: kernel.14.cloned.1.call-start
scs
__scs_entry_jumppad:
0x0: {  	(pc) =	sbr.rel $0x88, $3  }
0x1: {  	(tag) =	ssettag $0x0;
	lr =	simm.s32 $0x1  }
0x2: {  	[smem:$0x3F9B] =	sst lr;
	_ =	strace $0xD0000000  }
0x3: {  	_ = 	snop  }
0x4: {  	_ = 	snop  }
0x5: {  	_ = 	snop  }
0x6: {  	_ = 	snop  }
0x7: {  	_ = 	snop  }
__scs_overlays_trampoline_lowered:
0x8: {  	[smem:$0x3FAA] =	sst s0  }
0x9: {  	[smem:$0x3FAB] =	sst s1  }
0xa: {  	[smem:$0x3FAC] =	sst s2  }
0xb: {  	[smem:$0x3FAD] =	sst s3  }
0xc: {  	[smem:$0x3FAE] =	sst s4  }
0xd: {  	[smem:$0x3FAF] =	sst s5  }
0xe: {  	[smem:$0x3FB0] =	sst s6  }
0xf: {  	[smem:$0x3FB1] =	sst s7  }
0x10: {  	[smem:$0x3FB2] =	sst s8  }
0x11: {  	[smem:$0x3FB3] =	sst s9;
	s0 =	simm.s32 @!p0 $0x0  }
0x12: {  	s1 =	sld [smem:$0x3F99];
	s0 =	simm.s32 @p0 $0x1  }
0x13: {  	[smem:$0x3FB4] =	sst s0;
	s0 =	simm.s32 @!p1 $0x0  }
0x14: {  	s2 =	sld [smem:$0x3F98];
	s0 =	simm.s32 @p1 $0x1  }
0x15: {  	[smem:$0x3FB5] =	sst s0;
	s0 =	simm.s32 @!p2 $0x0  }
0x16: {  	s3 =	sld [smem:$0x3FDB];
	s0 =	simm.s32 @p2 $0x1  }
0x17: {  	s4 =	simm.s32 $0x1BF5;
	[smem:$0x3FB7] =	sst s0  }
0x18: {  	s0 =	sld [smem:$0x3F9A];
	_ =	swait.ge [sflag:s4], $0x0  }
0x19: {  	s7 =	sld [smem:$0x3F9B]  }
0x1a: {  	s8 =	sadd.s32 $0xFFFFE003, lr  }
0x1b: {  	s9 =	sadd.s32 $0xFFFFFEF7, lr;
	s5 =	simm.s32 $0xFFFFFFFF;
	p2 =	slt.u32 s8, $0xFFFFF086  }
0x1c: {  	p1 =	slt.u32 s9, $0xF7A;
	s5 =	simm.s32 @!p2 $0x0  }
0x1d: {  	s5 =	simm.s32 @p1 $0x1;
	p0 =	seq.s32 s7, s2  }
0x1e: {  	s7 =	smul.u32 @!p0 $0xF7A, s2;
	p2 =	seq.s32 @!p0 s5, $0x0  }
0x1f: {  	s9 =	smul.u32 $0xF7A, s1;
	s8 =	simm.s32 @!p0 $0x1BF5;
	p2 =	por !p2, p0  }
0x20: {  	[sflag:s8] =	ssyncset.s32 @!p0 $0xFFFFF086;
	s6 =	sadd.s32 @!p0 s3, s7;
	s7 =	simm.s32 @!p0 $0x108  }
0x21: {  	s3 =	sadd.s32 s3, s9;
	s6 =	sadd.s32 @!p0 $0x88, s6;
	s7 =	simm.s32 @p2 $0x1082  }
0x22: {  	[simem:s7], [sflag:s8] =	dma.local @!p0 [hbm:s6], $0xF7A  }
0x23: {  	s9 =	sor.u32 $0xD0000000, s2;
	s6 =	simm.s32 $0x108;
	_ =	swait.ge @!p0 [sflag:s8], $0x0  }
0x24: {  	s3 =	sadd.s32 $0x88, s3;
	s6 =	simm.s32 @!p1 $0x1082;
	[sflag:s4] =	ssyncset.s32 $0xFFFFF086  }
0x25: {  	[simem:s6], [sflag:s4] =	dma.local [hbm:s3], $0xF7A  }
0x26: {  	[smem:$0x3F9B] =	sst s1;
	(tag) =	ssettag s2;
	_ =	strace s9  }
0x27: {  	s1 =	sld [smem:$0x3FAB]  }
0x28: {  	s2 =	sld [smem:$0x3FAC]  }
0x29: {  	s4 =	sld [smem:$0x3FAE]  }
0x2a: {  	p0 =	seq.s32 s5, $0x0;
	s5 =	sld [smem:$0x3FAF]  }
0x2b: {  	s6 =	sld [smem:$0x3FB0]  }
0x2c: {  	s7 =	sld [smem:$0x3FB1]  }
0x2d: {  	s3 =	simm.s32 $0x108;
	s8 =	sld [smem:$0x3FB2]  }
0x2e: {  	s3 =	simm.s32 @!p0 $0x1082;
	s9 =	sld [smem:$0x3FB3]  }
0x2f: {  	lr =	sadd.s32 s0, s3;
	s0 =	sld [smem:$0x3FAA]  }
0x30: {  	s3 =	sld [smem:$0x3FAD]  }
0x31: {  	[smem:$0x3FB6] =	sst s10  }
0x32: {  	s10 =	sld [smem:$0x3FB4];
	_ =	sdelay $0x3  }
0x33: {  	p0 =	seq.s32 s10, $0x1;
	s10 =	sld [smem:$0x3FB6];
	_ =	sdelay $0x3  }
0x34: {  	[smem:$0x3FB6] =	sst s10  }
0x35: {  	s10 =	sld [smem:$0x3FB5];
	_ =	sdelay $0x3  }
0x36: {  	p1 =	seq.s32 s10, $0x1;
	s10 =	sld [smem:$0x3FB6];
	_ =	sdelay $0x3  }
0x37: {  	[smem:$0x3FB6] =	sst s10  }
0x38: {  	s10 =	sld [smem:$0x3FB7]  }
0x39: {  	_ = 	snop;
	(pc) =	sbr.ind lr, $3  }
0x3a: {  	_ = 	snop  }
0x3b: {  	_ = 	snop  }
0x3c: {  	p2 =	seq.s32 s10, $0x1;
	s10 =	sld [smem:$0x3FB6]  }
0x3d: {  	_ =	shalt  }
0x3e: {  	_ =	shalt  }
0x3f: {  	_ =	shalt  }
0x40: {  	_ =	shalt  }
0x41: {  	_ =	shalt  }
0x42: {  	_ =	shalt  }
0x43: {  	_ =	shalt  }
0x44: {  	_ =	shalt  }
0x45: {  	_ =	shalt  }
0x46: {  	_ =	shalt  }
0x47: {  	_ =	shalt  }
0x48: {  	_ =	shalt  }
0x49: {  	_ =	shalt  }
0x4a: {  	_ =	shalt  }
0x4b: {  	_ =	shalt  }
0x4c: {  	_ =	shalt  }
0x4d: {  	_ =	shalt  }
0x4e: {  	_ =	shalt  }
0x4f: {  	_ =	shalt  }
0x50: {  	_ =	shalt  }
0x51: {  	_ =	shalt  }
0x52: {  	_ =	shalt  }
0x53: {  	_ =	shalt  }
0x54: {  	_ =	shalt  }
0x55: {  	_ =	shalt  }
0x56: {  	_ =	shalt  }
0x57: {  	_ =	shalt  }
0x58: {  	_ =	shalt  }
0x59: {  	_ =	shalt  }
0x5a: {  	_ =	shalt  }
0x5b: {  	_ =	shalt  }
0x5c: {  	_ =	shalt  }
0x5d: {  	_ =	shalt  }
0x5e: {  	_ =	shalt  }
0x5f: {  	_ =	shalt  }
0x60: {  	_ =	shalt  }
0x61: {  	_ =	shalt  }
0x62: {  	_ =	shalt  }
0x63: {  	_ =	shalt  }
0x64: {  	_ =	shalt  }
0x65: {  	_ =	shalt  }
0x66: {  	_ =	shalt  }
0x67: {  	_ =	shalt  }
0x68: {  	_ =	shalt  }
0x69: {  	_ =	shalt  }
0x6a: {  	_ =	shalt  }
0x6b: {  	_ =	shalt  }
0x6c: {  	_ =	shalt  }
0x6d: {  	_ =	shalt  }
0x6e: {  	_ =	shalt  }
0x6f: {  	_ =	shalt  }
0x70: {  	_ =	shalt  }
0x71: {  	_ =	shalt  }
0x72: {  	_ =	shalt  }
0x73: {  	_ =	shalt  }
0x74: {  	_ =	shalt  }
0x75: {  	_ =	shalt  }
0x76: {  	_ =	shalt  }
0x77: {  	_ =	shalt  }
0x78: {  	_ =	shalt  }
0x79: {  	_ =	shalt  }
0x7a: {  	_ =	shalt  }
0x7b: {  	_ =	shalt  }
0x7c: {  	_ =	shalt  }
0x7d: {  	_ =	shalt  }
0x7e: {  	_ =	shalt  }
0x7f: {  	_ =	shalt  }
0x80: {  	_ =	shalt  }
0x81: {  	_ =	shalt  }
0x82: {  	_ =	shalt  }
0x83: {  	_ =	shalt  }
0x84: {  	_ =	shalt  }
0x85: {  	_ =	shalt  }
0x86: {  	_ =	shalt  }
0x87: {  	_ =	shalt  }
.Lfunc_end0:
.L_simem_size_0:
called_computation.2_lowered:
.L_overlay_start_0:
0x88: {  	s2 =	sld [smem:$0x3FD9]  }
0x89: {  	s3 =	sld [smem:$0x3FFE];
	_ =	sdelay $0x1  }
0x8a: {  	s1 =	srdreg.scid  }
0x8b: {  	s0 =	sand.u32 $0x1, s1  }
0x8c: {  	s17 =	sshll.u32 s0, $0xA;
	s2 =	sadd.s32 s3, s2  }
0x8d: {  	s2 =	sadd.s32 s2, s17  }
0x8e: {  	[smem:$0x3FC2] =	sst s2  }
0x8f: {  	_ = 	snop  }
0x90: {  	s2 =	sld [smem:$0x3FD0];
	(tm) =	ssettm $0x1  }
0x91: {  	s18 =	sld [smem:$0x3FFB];
	_ =	sdelay $0x3  }
0x92: {  	_ =	strace s18  }
0x93: {  	s3 =	sld [smem:$0x3FFC];
	_ =	sdelay $0x3  }
0x94: {  	_ =	strace s3  }
0x95: {  	s3 =	sld [smem:$0x3FFD];
	_ =	sdelay $0x3  }
0x96: {  	_ =	strace s3  }
0x97: {  	_ =	strace $0x8FFFFFFF  }
0x98: {  	s19 =	sld [smem:$0x3FDB];
	_ =	sdelay $0x1  }
0x99: {  	s4 =	simm.s32 $_scs_section_size  }
0x9a: {  	s5 =	simm.s32 $_size__tile_overlayer_lowered;
	s6 =	simm.s32 $_tile_overlayer_lowered  }
0x9b: {  	s22 =	simm.s32 $0x1BFF;
	s21 =	sshll.u32 s6, $0x1;
	s3 =	sadd.s32 s4, s19  }
0x9c: {  	s7 =	simm.s32 $0x0;
	s20 =	sshll.u32 s5, $0x1;
	s5 =	sadd.s32 s21, s3  }
0x9d: {  	[timem:s7], [sflag:s22] =	dma.local [hbm:s5], s20  }
0x9e: {  	_ =	swait.ge [sflag:s22], s20  }
0x9f: {  	s4 =	ssub.s32 $0x0, s20;
	[sflag:s22] =	ssyncset.done $0x0  }
0xa0: {  	[sflag:s22] =	ssyncadd.s32 s4;
	_ =	sdelay $0x1  }
0xa1: {  	s23 =	simm.s32 $0x1B8B  }
0xa2: {  	_ =	swait.ge [sflag:s23], $0x1  }
0xa3: {  	[sflag:s23] =	ssyncset.done $0x0  }
0xa4: {  	s25 =	simm.s32 $0x1B8E;
	s24 =	sld [smem:$0x3FFE];
	[sflag:s23] =	ssyncadd.s32 $0xFFFFFFFF  }
0xa5: {  	s26 =	simm.s32 $execute0_lowered;
	[smem:$0x3FD2] =	sst s25  }
0xa6: {  	s5 =	sshll.u32 s26, $0x1;
	_ =	strace $0x8000004C;
	[dreg:$0x1] =	wrdreg $0xFFFFFFFF  }
0xa7: {  	s28 =	simm.s32 $_size_execute0_lowered;
	s3 =	sadd.s32 s3, s5;
	[dreg:$0x0] =	wrdreg $0x0  }
0xa8: {  	s5 =	sshll.u32 s28, $0x1;
	[dreg:$0x2] =	wrdreg s3  }
0xa9: {  	[dreg:$0x3] =	wrdreg s5  }
0xaa: {  	[dreg:$0x4] =	wrdreg $0xC0  }
0xab: {  	_ =	task [dreg:s7], $0x5FFFF  }
0xac: {  	[dreg:$0x1] =	wrdreg $0xFFFFFFFF  }
0xad: {  	[dreg:$0x0] =	wrdreg $0x60  }
0xae: {  	[dreg:$0x2] =	wrdreg s24  }
0xaf: {  	[dreg:$0x3] =	wrdreg s2  }
0xb0: {  	[dreg:$0x4] =	wrdreg $0xB2200  }
0xb1: {  	[dreg:$0x5] =	wrdreg $0x9  }
0xb2: {  	_ =	task.clear_ibuf [dreg:s7], $0x6FFFF;
	_ =	strace $0x9000004C  }
0xb3: {  	s29 =	simm.s32 $0x9;
	_ =	strace $0x8000004E  }
0xb4: {  	_ =	swait.ge [sflag:s29], $0x1  }
0xb5: {  	[sflag:s29] =	ssyncadd.s32 $0xFFFFFFFF  }
0xb6: {  	_ =	strace $0x9000004E  }
0xb7: {  	_ =	sfence  }
0xb8: {  	s30 =	sld [smem:$0x0];
	_ =	sdelay $0x2  }
0xb9: {  	s31 =	sshll.u32 s1, $0xD;
	s1 =	sshrl.u32 s1, $0x2  }
0xba: {  	s3 =	sand.u32 $0x4000, s31;
	s1 =	sadd.s32 s1, s30  }
0xbb: {  	s0 =	sor.u32 s3, s0;
	s1 =	sshll.u32 s1, $0x11  }
0xbc: {  	s0 =	sor.u32 s1, s0  }
0xbd: {  	s0 =	sadd.s32 $0x8F2B, s0  }
0xbe: {  	[sflag:s0] =	ssyncadd.remote.s32 $0x1  }
0xbf: {  	_ =	sfence.sel $0xFFFF  }
0xc0: {  	[dreg:$0x0] =	wrdreg $0xFFFFFFFF;
	(pc) =	sbr.abs _section_cstart, $3  }
0xc1: {  	[dreg:$0x1] =	wrdreg $0xFFFFFFFF  }
0xc2: {  	_ =	task.clear_ibuf [dreg:s7], $0x2FFFF;
	_ =	strace $0x9FFFFFFF  }
0xc3: {  	(tm) =	ssettm $0x7FFFFFFF  }
tec
execute0_lowered:
.L_overlay_start_1:
0x0: {  	(tag) =	ssettag $0x1  }
0x1: {  	s0 =	rddreg [dreg:$0x0]  }
0x2: {  	s1 =	rddreg [dreg:$0x1]  }
0x3: {  	s2 =	rddreg [dreg:$0x2]  }
0x4: {  	s3 =	srdreg.scid;
	s9 =	stileid.u32;
	s4 =	simm.s32 $0x0  }
0x5: {  	s18 =	simm.s32 $0x4E20;
	s19 =	simm.s32 $0x1;
	s29 =	simm.s32 $0x9E20  }
0x6: {  	s30 =	simm.s32 $0x3;
	s31 =	simm.s32 $0x4;
	s17 =	simm.s32 $0x6  }
0x7: {  	s28 =	simm.s32 $0xA;
	s3 =	sand.u32 $0x1, s3;
	s6 =	smul.u32 $0x14000, s9  }
0x8: {  	[smem:$0x7FF] =	sst s4;
	s7 =	sshll.u32 s9, $0x1;
	s9 =	smul.u32 $0x28000, s9  }
0x9: {  	s4 =	sadd.s32 $0x61E00, s0;
	s5 =	smul.u32 $0x140000, s3;
	s7 =	sor.u32 s3, s7  }
0xa: {  	_ =	strace $0x8000004D;
	s3 =	ssub.s32 $0x2, s3;
	s7 =	smul.u32 $0x2710, s7  }
0xb: {  	s8 =	sshrl.u32 s3, $0x1;
	s21 =	sshrl.u32 s6, $0x1;
	s22 =	sshrl.u32 s9, $0x2  }
0xc: {  	s5 =	sadd.s32 s6, s5;
	s3 =	ssub.s32 s3, s8;
	s24 =	sadd.s32 s22, s2  }
0xd: {  	s22 =	simm.s32 $0x6220;
	s5 =	sshrl.u32 s5, $0x4;
	s20 =	sshrl.u32 s7, $0x3  }
0xe: {  	s7 =	sadd.s32 s21, s2;
	s6 =	sadd.s32 $0x1400, s24;
	s25 =	sadd.s32 $0x2800, s24  }
0xf: {  	s26 =	sadd.s32 $0x3C00, s24;
	s11 =	sadd.s32 $0x5000, s24;
	s12 =	sadd.s32 $0x6400, s24  }
0x10: {  	s13 =	sadd.s32 $0x7800, s24;
	s14 =	sadd.s32 $0x8C00, s24;
	s16 =	smax.u32 s3, $0x1  }
0x11: {  	s21 =	simm.s32 $0x50;
	s24 =	simm.s32 $0x7620;
	[dreg:$0x5] =	wrdreg s6  }
0x12: {  	s3 =	simm.s32 $0xB;
	s0 =	sadd.s32 s5, s0;
	[dreg:$0x6] =	wrdreg s25  }
0x13: {  	s5 =	sadd.s32 s1, s20;
	[dreg:$0x7] =	wrdreg s26;
	s20 =	simm.s32 $0x2  }
0x14: {  	s26 =	simm.s32 $0x8A20;
	s1 =	simm.s32 $0x7;
	s25 =	simm.s32 $0x9  }
0x15: {  	s6 =	simm.s32 $0x0;
	s23 =	sadd.s32 $0x9C40, s5;
	s15 =	sadd.s32 $0x75800, s0  }
0x16: {  	v0 =	vimm.bf16 $0.0e+00;
	s0 =	simm.s32 $0x5;
	[dreg:$0x4] =	wrdreg s23;
	s23 =	simm.s32 $0x8  }
.LBB2_1:
0x17: {  	s8 =	simm.s32 $0x0  }
0x18: {  	[tilespmem:s8], [sflag:$0x2] =	stream.linear.gather [hbm4b:s5+s8], $0x2710, $0x38;
	[tilespmem:$0x15220] =	vst v63  }
0x19: {  	s9 =	rddreg [dreg:$0x4];
	s10 =	simm.s32 $0x2710  }
0x1a: {  	[tilespmem:s10], [sflag:$0x2] =	stream.linear.gather [hbm4b:s9+s8], $0x2710, $0x38;
	[tilespmem:$0x15220] =	vst v63  }
0x1b: {  	s9 =	simm.s32 $0x100;
	s8 =	simm.s32 $0x0  }
.LBB2_2:
0x1c: {  	p0 =	sne.s32 s9, $0x4F00;
	[tilespmem:s8+$0x4E50] =	vst v0;
	s10 =	smov.u32 s9;
	s9 =	sadd.s32 $0x100, s9  }
.Ltmp0:
0x1d: {  	[tilespmem:s8+$0x4E40] =	vst v0;
	(pc) =	sbr.rel @p0 .LBB2_2-.Ltmp0, $3  }
0x1e: {  	[tilespmem:s8+$0x4E20] =	vst v0  }
0x1f: {  	[tilespmem:s8+$0x4E30] =	vst v0;
	_ =	sdelay $0x1  }
0x20: {  	s8 =	sshra.s32 s10, $0x2  }
0x21: {  	[tilespmem:s8+$0x4E50] =	vst v0  }
0x22: {  	[tilespmem:s8+$0x4E40] =	vst v0  }
0x23: {  	[tilespmem:s8+$0x4E20] =	vst v0  }
0x24: {  	[tilespmem:s8+$0x4E30] =	vst v0  }
0x25: {  	[spmem:s7] =	stream.linear.scatter [tilespmem:s18], [sflag:$0x1], $0x1400, $0x38;
	[tilespmem:$0x15220] =	vst v63  }
0x26: {  	s9 =	rddreg [dreg:$0x5]  }
0x27: {  	[spmem:s9] =	stream.linear.scatter [tilespmem:s18], [sflag:$0x1], $0x1400, $0x38;
	[tilespmem:$0x15220] =	vst v63  }
0x28: {  	s10 =	rddreg [dreg:$0x6]  }
0x29: {  	[spmem:s10] =	stream.linear.scatter [tilespmem:s18], [sflag:$0x1], $0x1400, $0x38;
	[tilespmem:$0x15220] =	vst v63  }
0x2a: {  	s9 =	rddreg [dreg:$0x7]  }
0x2b: {  	[spmem:s9] =	stream.linear.scatter [tilespmem:s18], [sflag:$0x1], $0x1400, $0x38;
	[tilespmem:$0x15220] =	vst v63  }
0x2c: {  	_ = 	snop  }
0x2d: {  	[spmem:s11] =	stream.linear.scatter [tilespmem:s18], [sflag:$0x1], $0x1400, $0x38;
	[tilespmem:$0x15220] =	vst v63  }
0x2e: {  	_ = 	snop  }
0x2f: {  	[spmem:s12] =	stream.linear.scatter [tilespmem:s18], [sflag:$0x1], $0x1400, $0x38;
	[tilespmem:$0x15220] =	vst v63  }
0x30: {  	_ = 	snop  }
0x31: {  	[spmem:s13] =	stream.linear.scatter [tilespmem:s18], [sflag:$0x1], $0x1400, $0x38;
	[tilespmem:$0x15220] =	vst v63  }
0x32: {  	_ = 	snop  }
0x33: {  	[spmem:s14] =	stream.linear.scatter [tilespmem:s18], [sflag:$0x1], $0x1400, $0x38;
	[tilespmem:$0x15220] =	vst v63  }
0x34: {  	_ =	swait.ge [sflag:s19], $0x1400  }
0x35: {  	[sflag:s19] =	ssyncset.done $0x0  }
0x36: {  	[sflag:s19] =	ssyncadd.s32 $0xFFFFEC00  }
0x37: {  	_ =	swait.ge [sflag:s19], $0x1400  }
0x38: {  	[sflag:s19] =	ssyncset.done $0x0  }
0x39: {  	[sflag:s19] =	ssyncadd.s32 $0xFFFFEC00  }
0x3a: {  	_ =	swait.ge [sflag:s19], $0x1400  }
0x3b: {  	[sflag:s19] =	ssyncset.done $0x0  }
0x3c: {  	[sflag:s19] =	ssyncadd.s32 $0xFFFFEC00  }
0x3d: {  	_ =	swait.ge [sflag:s19], $0x1400  }
0x3e: {  	[sflag:s19] =	ssyncset.done $0x0  }
0x3f: {  	[sflag:s19] =	ssyncadd.s32 $0xFFFFEC00  }
0x40: {  	_ =	swait.ge [sflag:s19], $0x1400  }
0x41: {  	[sflag:s19] =	ssyncset.done $0x0  }
0x42: {  	[sflag:s19] =	ssyncadd.s32 $0xFFFFEC00  }
0x43: {  	_ =	swait.ge [sflag:s19], $0x1400  }
0x44: {  	[sflag:s19] =	ssyncset.done $0x0  }
0x45: {  	[sflag:s19] =	ssyncadd.s32 $0xFFFFEC00  }
0x46: {  	_ =	swait.ge [sflag:s19], $0x1400  }
0x47: {  	[sflag:s19] =	ssyncset.done $0x0  }
0x48: {  	[sflag:s19] =	ssyncadd.s32 $0xFFFFEC00  }
0x49: {  	_ =	swait.ge [sflag:s19], $0x1400  }
0x4a: {  	[sflag:s19] =	ssyncset.done $0x0  }
0x4b: {  	[sflag:s19] =	ssyncadd.s32 $0xFFFFEC00  }
0x4c: {  	_ =	swait.ge [sflag:s20], $0x2710  }
0x4d: {  	[sflag:s20] =	ssyncset.done $0x0  }
0x4e: {  	[sflag:s20] =	ssyncadd.s32 $0xFFFFD8F0  }
0x4f: {  	_ =	swait.ge [sflag:s20], $0x2710  }
0x50: {  	[sflag:s20] =	ssyncset.done $0x0  }
0x51: {  	[sflag:s20] =	ssyncadd.s32 $0xFFFFD8F0  }
0x52: {  	s10 =	simm.s32 $0x0;
	[bflag:$0x0] =	sbarrier.arrive $0xFFFF  }
0x53: {  	[tilespmem:s18], [sflag:$0x1] =	stream.indirect.gather [hbm4b:s4+s21], $0x40, s10, s21, $0xb8;
	[tilespmem:$0x15220] =	vst v63  }
0x54: {  	_ = 	snop  }
0x55: {  	[tilespmem:s22], [sflag:$0x2] =	stream.indirect.gather [hbm4b:s4+s21], $0x40, s21, s21, $0xb8;
	[tilespmem:$0x15220] =	vst v63  }
0x56: {  	s9 =	simm.s32 $0xA0  }
0x57: {  	[tilespmem:s24], [sflag:$0x3] =	stream.indirect.gather [hbm4b:s4+s21], $0x40, s9, s21, $0xb8;
	[tilespmem:$0x15220] =	vst v63  }
0x58: {  	s10 =	simm.s32 $0xF0  }
0x59: {  	[tilespmem:s26], [sflag:$0x4] =	stream.indirect.gather [hbm4b:s4+s21], $0x40, s10, s21, $0xb8;
	[tilespmem:$0x15220] =	vst v63  }
0x5a: {  	s9 =	simm.s32 $0x140  }
0x5b: {  	[tilespmem:s29], [sflag:$0x5] =	stream.indirect.gather [hbm4b:s4+s21], $0x40, s9, s21, $0xb8;
	[tilespmem:$0x15220] =	vst v63  }
0x5c: {  	_ =	swait.ge [sflag:s19], $0x1400  }
0x5d: {  	[sflag:s19] =	ssyncset.done $0x0  }
0x5e: {  	s10 =	simm.s32 $0x2710;
	[sflag:s19] =	ssyncadd.s32 $0xFFFFEC00  }
0x5f: {  	[spmem:s2] =	stream.indirect.scatter.add.bf16 [tilespmem:s18], [sflag:$0x6], $0x40, s10, s21, $0xb8;
	[tilespmem:$0x15220] =	vst v63  }
0x60: {  	_ =	swait.ge [sflag:s20], $0x1400  }
0x61: {  	[sflag:s20] =	ssyncset.done $0x0  }
0x62: {  	s9 =	simm.s32 $0x2760;
	[sflag:s20] =	ssyncadd.s32 $0xFFFFEC00  }
0x63: {  	[spmem:s2] =	stream.indirect.scatter.add.bf16 [tilespmem:s22], [sflag:$0x7], $0x40, s9, s21, $0xb8;
	[tilespmem:$0x15220] =	vst v63  }
0x64: {  	_ =	swait.ge [sflag:s30], $0x1400  }
0x65: {  	[sflag:s30] =	ssyncset.done $0x0  }
0x66: {  	s10 =	simm.s32 $0x27B0;
	[sflag:s30] =	ssyncadd.s32 $0xFFFFEC00  }
0x67: {  	[spmem:s2] =	stream.indirect.scatter.add.bf16 [tilespmem:s24], [sflag:$0x8], $0x40, s10, s21, $0xb8;
	[tilespmem:$0x15220] =	vst v63  }
0x68: {  	_ =	swait.ge [sflag:s31], $0x1400  }
0x69: {  	[sflag:s31] =	ssyncset.done $0x0  }
0x6a: {  	s9 =	simm.s32 $0x2800;
	[sflag:s31] =	ssyncadd.s32 $0xFFFFEC00  }
0x6b: {  	[spmem:s2] =	stream.indirect.scatter.add.bf16 [tilespmem:s26], [sflag:$0x9], $0x40, s9, s21, $0xb8;
	[tilespmem:$0x15220] =	vst v63  }
0x6c: {  	_ =	swait.ge [sflag:s0], $0x1400  }
0x6d: {  	[sflag:s0] =	ssyncset.done $0x0  }
0x6e: {  	s10 =	simm.s32 $0x2850;
	[sflag:s0] =	ssyncadd.s32 $0xFFFFEC00  }
0x6f: {  	[spmem:s2] =	stream.indirect.scatter.add.bf16 [tilespmem:s29], [sflag:$0xA], $0x40, s10, s21, $0xb8;
	[tilespmem:$0x15220] =	vst v63  }
0x70: {  	_ =	swait.ge [sflag:s17], $0x1400  }
0x71: {  	[sflag:s17] =	ssyncset.done $0x0  }
0x72: {  	s9 =	simm.s32 $0x190;
	[sflag:s17] =	ssyncadd.s32 $0xFFFFEC00  }
0x73: {  	[tilespmem:s18], [sflag:$0x1] =	stream.indirect.gather [hbm4b:s4+s21], $0x40, s9, s21, $0xb8;
	[tilespmem:$0x15220] =	vst v63  }
0x74: {  	_ =	swait.ge [sflag:s1], $0x1400  }
0x75: {  	[sflag:s1] =	ssyncset.done $0x0  }
0x76: {  	s10 =	simm.s32 $0x1E0;
	[sflag:s1] =	ssyncadd.s32 $0xFFFFEC00  }
0x77: {  	[tilespmem:s22], [sflag:$0x2] =	stream.indirect.gather [hbm4b:s4+s21], $0x40, s10, s21, $0xb8;
	[tilespmem:$0x15220] =	vst v63  }
0x78: {  	_ =	swait.ge [sflag:s23], $0x1400  }
0x79: {  	[sflag:s23] =	ssyncset.done $0x0  }
0x7a: {  	s9 =	simm.s32 $0x230;
	[sflag:s23] =	ssyncadd.s32 $0xFFFFEC00  }
0x7b: {  	[tilespmem:s24], [sflag:$0x3] =	stream.indirect.gather [hbm4b:s4+s21], $0x40, s9, s21, $0xb8;
	[tilespmem:$0x15220] =	vst v63  }
0x7c: {  	_ =	swait.ge [sflag:s25], $0x1400  }
0x7d: {  	[sflag:s25] =	ssyncset.done $0x0  }
0x7e: {  	s10 =	simm.s32 $0x280;
	[sflag:s25] =	ssyncadd.s32 $0xFFFFEC00  }
0x7f: {  	[tilespmem:s26], [sflag:$0x4] =	stream.indirect.gather [hbm4b:s4+s21], $0x40, s10, s21, $0xb8;
	[tilespmem:$0x15220] =	vst v63  }
0x80: {  	_ =	swait.ge [sflag:s28], $0x1400  }
0x81: {  	[sflag:s28] =	ssyncset.done $0x0  }
0x82: {  	s8 =	simm.s32 $0x640;
	s9 =	simm.s32 $0x2D0;
	[sflag:s28] =	ssyncadd.s32 $0xFFFFEC00  }
.LBB2_4:
0x83: {  	[tilespmem:s29], [sflag:$0x5] =	stream.indirect.gather [hbm4b:s4+s21], $0x40, s9, s21, $0xb8;
	[tilespmem:$0x15220] =	vst v63  }
0x84: {  	s9 =	smov.u32 s8  }
0x85: {  	p0 =	sne.s32 s8, $0x8FC0;
	s8 =	sadd.s32 $0x640, s8;
	_ =	swait.ge [sflag:s19], $0x1400  }
0x86: {  	s9 =	sshra.s32 s9, $0x2;
	[sflag:s19] =	ssyncset.done $0x0  }
0x87: {  	s10 =	sadd.s32 $0x2710, s9;
	[sflag:s19] =	ssyncadd.s32 $0xFFFFEC00  }
0x88: {  	[spmem:s2] =	stream.indirect.scatter.add.bf16 [tilespmem:s18], [sflag:$0x6], $0x40, s10, s21, $0xb8;
	[tilespmem:$0x15220] =	vst v63  }
0x89: {  	_ =	swait.ge [sflag:s20], $0x1400  }
0x8a: {  	[sflag:s20] =	ssyncset.done $0x0  }
0x8b: {  	s10 =	sadd.s32 $0x2760, s9;
	[sflag:s20] =	ssyncadd.s32 $0xFFFFEC00  }
0x8c: {  	[spmem:s2] =	stream.indirect.scatter.add.bf16 [tilespmem:s22], [sflag:$0x7], $0x40, s10, s21, $0xb8;
	[tilespmem:$0x15220] =	vst v63  }
0x8d: {  	_ =	swait.ge [sflag:s30], $0x1400  }
0x8e: {  	[sflag:s30] =	ssyncset.done $0x0  }
0x8f: {  	s10 =	sadd.s32 $0x27B0, s9;
	[sflag:s30] =	ssyncadd.s32 $0xFFFFEC00  }
0x90: {  	[spmem:s2] =	stream.indirect.scatter.add.bf16 [tilespmem:s24], [sflag:$0x8], $0x40, s10, s21, $0xb8;
	[tilespmem:$0x15220] =	vst v63  }
0x91: {  	_ =	swait.ge [sflag:s31], $0x1400  }
0x92: {  	[sflag:s31] =	ssyncset.done $0x0  }
0x93: {  	s10 =	sadd.s32 $0x2800, s9;
	[sflag:s31] =	ssyncadd.s32 $0xFFFFEC00  }
0x94: {  	[spmem:s2] =	stream.indirect.scatter.add.bf16 [tilespmem:s26], [sflag:$0x9], $0x40, s10, s21, $0xb8;
	[tilespmem:$0x15220] =	vst v63  }
0x95: {  	_ =	swait.ge [sflag:s0], $0x1400  }
0x96: {  	[sflag:s0] =	ssyncset.done $0x0  }
0x97: {  	s10 =	sadd.s32 $0x2850, s9;
	[sflag:s0] =	ssyncadd.s32 $0xFFFFEC00  }
0x98: {  	[spmem:s2] =	stream.indirect.scatter.add.bf16 [tilespmem:s29], [sflag:$0xA], $0x40, s10, s21, $0xb8;
	[tilespmem:$0x15220] =	vst v63  }
0x99: {  	_ =	swait.ge [sflag:s17], $0x1400  }
0x9a: {  	[sflag:s17] =	ssyncset.done $0x0  }
0x9b: {  	s10 =	sadd.s32 $0x190, s9;
	[sflag:s17] =	ssyncadd.s32 $0xFFFFEC00  }
0x9c: {  	[tilespmem:s18], [sflag:$0x1] =	stream.indirect.gather [hbm4b:s4+s21], $0x40, s10, s21, $0xb8;
	[tilespmem:$0x15220] =	vst v63  }
0x9d: {  	_ =	swait.ge [sflag:s1], $0x1400  }
0x9e: {  	[sflag:s1] =	ssyncset.done $0x0  }
0x9f: {  	s10 =	sadd.s32 $0x1E0, s9;
	[sflag:s1] =	ssyncadd.s32 $0xFFFFEC00  }
0xa0: {  	[tilespmem:s22], [sflag:$0x2] =	stream.indirect.gather [hbm4b:s4+s21], $0x40, s10, s21, $0xb8;
	[tilespmem:$0x15220] =	vst v63  }
0xa1: {  	_ =	swait.ge [sflag:s23], $0x1400  }
0xa2: {  	[sflag:s23] =	ssyncset.done $0x0  }
0xa3: {  	s10 =	sadd.s32 $0x230, s9;
	[sflag:s23] =	ssyncadd.s32 $0xFFFFEC00  }
0xa4: {  	[tilespmem:s24], [sflag:$0x3] =	stream.indirect.gather [hbm4b:s4+s21], $0x40, s10, s21, $0xb8;
	[tilespmem:$0x15220] =	vst v63  }
0xa5: {  	_ =	swait.ge [sflag:s25], $0x1400  }
0xa6: {  	[sflag:s25] =	ssyncset.done $0x0  }
.Ltmp1:
0xa7: {  	s10 =	sadd.s32 $0x280, s9;
	[sflag:s25] =	ssyncadd.s32 $0xFFFFEC00;
	(pc) =	sbr.rel @p0 .LBB2_4-.Ltmp1, $4  }
0xa8: {  	[tilespmem:s26], [sflag:$0x4] =	stream.indirect.gather [hbm4b:s4+s21], $0x40, s10, s21, $0xb8;
	[tilespmem:$0x15220] =	vst v63  }
0xa9: {  	_ =	swait.ge [sflag:s28], $0x1400  }
0xaa: {  	[sflag:s28] =	ssyncset.done $0x0  }
0xab: {  	s9 =	sadd.s32 $0x2D0, s9;
	[sflag:s28] =	ssyncadd.s32 $0xFFFFEC00  }
0xac: {  	[tilespmem:s29], [sflag:$0x5] =	stream.indirect.gather [hbm4b:s4+s21], $0x40, s9, s21, $0xb8;
	[tilespmem:$0x15220] =	vst v63  }
0xad: {  	_ =	swait.ge [sflag:s19], $0x1400  }
0xae: {  	[sflag:s19] =	ssyncset.done $0x0  }
0xaf: {  	s8 =	simm.s32 $0x4C90;
	[sflag:s19] =	ssyncadd.s32 $0xFFFFEC00  }
0xb0: {  	[spmem:s2] =	stream.indirect.scatter.add.bf16 [tilespmem:s18], [sflag:$0x6], $0x40, s8, s21, $0xb8;
	[tilespmem:$0x15220] =	vst v63  }
0xb1: {  	_ =	swait.ge [sflag:s20], $0x1400  }
0xb2: {  	[sflag:s20] =	ssyncset.done $0x0  }
0xb3: {  	s9 =	simm.s32 $0x4CE0;
	[sflag:s20] =	ssyncadd.s32 $0xFFFFEC00  }
0xb4: {  	[spmem:s2] =	stream.indirect.scatter.add.bf16 [tilespmem:s22], [sflag:$0x7], $0x40, s9, s21, $0xb8;
	[tilespmem:$0x15220] =	vst v63  }
0xb5: {  	_ =	swait.ge [sflag:s30], $0x1400  }
0xb6: {  	[sflag:s30] =	ssyncset.done $0x0  }
0xb7: {  	s10 =	simm.s32 $0x4D30;
	[sflag:s30] =	ssyncadd.s32 $0xFFFFEC00  }
0xb8: {  	[spmem:s2] =	stream.indirect.scatter.add.bf16 [tilespmem:s24], [sflag:$0x8], $0x40, s10, s21, $0xb8;
	[tilespmem:$0x15220] =	vst v63  }
0xb9: {  	_ =	swait.ge [sflag:s31], $0x1400  }
0xba: {  	[sflag:s31] =	ssyncset.done $0x0  }
0xbb: {  	s9 =	simm.s32 $0x4D80;
	[sflag:s31] =	ssyncadd.s32 $0xFFFFEC00  }
0xbc: {  	[spmem:s2] =	stream.indirect.scatter.add.bf16 [tilespmem:s26], [sflag:$0x9], $0x40, s9, s21, $0xb8;
	[tilespmem:$0x15220] =	vst v63  }
0xbd: {  	_ =	swait.ge [sflag:s0], $0x1400  }
0xbe: {  	[sflag:s0] =	ssyncset.done $0x0  }
0xbf: {  	s10 =	simm.s32 $0x4DD0;
	[sflag:s0] =	ssyncadd.s32 $0xFFFFEC00  }
0xc0: {  	[spmem:s2] =	stream.indirect.scatter.add.bf16 [tilespmem:s29], [sflag:$0xA], $0x40, s10, s21, $0xb8;
	[tilespmem:$0x15220] =	vst v63  }
0xc1: {  	_ =	swait.ge [sflag:s17], $0x1400  }
0xc2: {  	[sflag:s17] =	ssyncset.done $0x0  }
0xc3: {  	[sflag:s17] =	ssyncadd.s32 $0xFFFFEC00  }
0xc4: {  	_ =	swait.ge [sflag:s1], $0x1400  }
0xc5: {  	[sflag:s1] =	ssyncset.done $0x0  }
0xc6: {  	[sflag:s1] =	ssyncadd.s32 $0xFFFFEC00  }
0xc7: {  	_ =	swait.ge [sflag:s23], $0x1400  }
0xc8: {  	[sflag:s23] =	ssyncset.done $0x0  }
0xc9: {  	[sflag:s23] =	ssyncadd.s32 $0xFFFFEC00  }
0xca: {  	_ =	swait.ge [sflag:s25], $0x1400  }
0xcb: {  	[sflag:s25] =	ssyncset.done $0x0  }
0xcc: {  	[sflag:s25] =	ssyncadd.s32 $0xFFFFEC00  }
0xcd: {  	s9 =	stileid.u32;
	_ =	swait.ge [sflag:s28], $0x1400  }
0xce: {  	s6 =	sadd.s32 $0x1, s6;
	s8 =	sshll.u32 s9, $0x6;
	[sflag:s28] =	ssyncset.done $0x0  }
0xcf: {  	p0 =	sne.s32 s6, s16;
	s8 =	sor.u32 $0x1C0B, s8;
	[sflag:s28] =	ssyncadd.s32 $0xFFFFEC00  }
.Ltmp2:
0xd0: {  	s10 =	sshrl.u32 s7, $0x3;
	[bflag:$0x0] =	sbarrier.arrive $0xFFFF;
	(pc) =	sbr.rel @p0 .LBB2_1-.Ltmp2, $4  }
0xd1: {  	[hbm:s15], [sflag:s8] =	dma.local [spmem:s10], $0x1400  }
0xd2: {  	_ =	swait.ge [sflag:s3], $0x1400  }
0xd3: {  	[sflag:s3] =	ssyncset.done $0x0  }
0xd4: {  	[sflag:s3] =	ssyncadd.s32 $0xFFFFEC00  }
0xd5: {  	_ =	sfence.sel $0x180000  }
0xd6: {  	[bflag:$0x0] =	sbarrier.arrive $0xFFFF  }
0xd7: {  	_ =	strace $0x9000004D  }
0xd8: {  	s0 =	stileid.u32;
	[bflag:$0x2] =	sbarrier.arrive $0xFFFF  }
0xd9: {  	p0 =	sne.s32 s0, $0x0;
	s0 =	rddreg [dreg:$0x3]  }
0xda: {  	s0 =	sadd.s32 @!p0 $0x100000, s0  }
0xdb: {  	[sflag:s0] =	ssyncadd.tile.s32 @!p0 $0x1;
	_ =	shalt  }
.Lfunc_end2:
_tile_overlayer_lowered:
.L_overlay_start_2:
0xdc: {  	(tag) =	ssettag $0x2  }
0xdd: {  	s0 =	rddreg [dreg:$0x0];
	s2 =	stileid.u32  }
0xde: {  	s1 =	rddreg [dreg:$0x1];
	p0 =	sne.s32 s2, $0x0  }
0xdf: {  	s3 =	rddreg [dreg:$0x2];
	[bflag:$0x3] =	sbarrier.arrive $0xFFFF;
	s2 =	simm.s32 @!p0 $0x1C0B  }
0xe0: {  	[timem:s3], [sflag:s2] =	dma.local @!p0 [hbm:s0], s1  }
0xe1: {  	s0 =	simm.s32 @!p0 $0xB  }
0xe2: {  	_ =	swait.ge @!p0 [sflag:s0], s1  }
0xe3: {  	s1 =	ssub.s32 @!p0 $0x0, s1;
	[sflag:s0] =	ssyncset.done @!p0 $0x0  }
0xe4: {  	[sflag:s0] =	ssyncadd.s32 @!p0 s1  }
0xe5: {  	[bflag:$0x3] =	sbarrier.arrive $0xFFFF  }
0xe6: {  	_ =	shalt  }

// kernel: kernel.8.cloned.1.call-start
scs
__scs_entry_jumppad:
0x0: {  	(pc) =	sbr.rel $0x88, $3  }
0x1: {  	(tag) =	ssettag $0x0;
	lr =	simm.s32 $0x1  }
0x2: {  	[smem:$0x3F9B] =	sst lr;
	_ =	strace $0xD0000000  }
0x3: {  	_ = 	snop  }
0x4: {  	_ = 	snop  }
0x5: {  	_ = 	snop  }
0x6: {  	_ = 	snop  }
0x7: {  	_ = 	snop  }
__scs_overlays_trampoline_lowered:
0x8: {  	[smem:$0x3FAA] =	sst s0  }
0x9: {  	[smem:$0x3FAB] =	sst s1  }
0xa: {  	[smem:$0x3FAC] =	sst s2  }
0xb: {  	[smem:$0x3FAD] =	sst s3  }
0xc: {  	[smem:$0x3FAE] =	sst s4  }
0xd: {  	[smem:$0x3FAF] =	sst s5  }
0xe: {  	[smem:$0x3FB0] =	sst s6  }
0xf: {  	[smem:$0x3FB1] =	sst s7  }
0x10: {  	[smem:$0x3FB2] =	sst s8  }
0x11: {  	[smem:$0x3FB3] =	sst s9;
	s0 =	simm.s32 @!p0 $0x0  }
0x12: {  	s1 =	sld [smem:$0x3F99];
	s0 =	simm.s32 @p0 $0x1  }
0x13: {  	[smem:$0x3FB4] =	sst s0;
	s0 =	simm.s32 @!p1 $0x0  }
0x14: {  	s2 =	sld [smem:$0x3F98];
	s0 =	simm.s32 @p1 $0x1  }
0x15: {  	[smem:$0x3FB5] =	sst s0;
	s0 =	simm.s32 @!p2 $0x0  }
0x16: {  	s3 =	sld [smem:$0x3FDB];
	s0 =	simm.s32 @p2 $0x1  }
0x17: {  	s4 =	simm.s32 $0x1BF5;
	[smem:$0x3FB7] =	sst s0  }
0x18: {  	s0 =	sld [smem:$0x3F9A];
	_ =	swait.ge [sflag:s4], $0x0  }
0x19: {  	s7 =	sld [smem:$0x3F9B]  }
0x1a: {  	s8 =	sadd.s32 $0xFFFFE003, lr  }
0x1b: {  	s9 =	sadd.s32 $0xFFFFFEF7, lr;
	s5 =	simm.s32 $0xFFFFFFFF;
	p2 =	slt.u32 s8, $0xFFFFF086  }
0x1c: {  	p1 =	slt.u32 s9, $0xF7A;
	s5 =	simm.s32 @!p2 $0x0  }
0x1d: {  	s5 =	simm.s32 @p1 $0x1;
	p0 =	seq.s32 s7, s2  }
0x1e: {  	s7 =	smul.u32 @!p0 $0xF7A, s2;
	p2 =	seq.s32 @!p0 s5, $0x0  }
0x1f: {  	s9 =	smul.u32 $0xF7A, s1;
	s8 =	simm.s32 @!p0 $0x1BF5;
	p2 =	por !p2, p0  }
0x20: {  	[sflag:s8] =	ssyncset.s32 @!p0 $0xFFFFF086;
	s6 =	sadd.s32 @!p0 s3, s7;
	s7 =	simm.s32 @!p0 $0x108  }
0x21: {  	s3 =	sadd.s32 s3, s9;
	s6 =	sadd.s32 @!p0 $0x88, s6;
	s7 =	simm.s32 @p2 $0x1082  }
0x22: {  	[simem:s7], [sflag:s8] =	dma.local @!p0 [hbm:s6], $0xF7A  }
0x23: {  	s9 =	sor.u32 $0xD0000000, s2;
	s6 =	simm.s32 $0x108;
	_ =	swait.ge @!p0 [sflag:s8], $0x0  }
0x24: {  	s3 =	sadd.s32 $0x88, s3;
	s6 =	simm.s32 @!p1 $0x1082;
	[sflag:s4] =	ssyncset.s32 $0xFFFFF086  }
0x25: {  	[simem:s6], [sflag:s4] =	dma.local [hbm:s3], $0xF7A  }
0x26: {  	[smem:$0x3F9B] =	sst s1;
	(tag) =	ssettag s2;
	_ =	strace s9  }
0x27: {  	s1 =	sld [smem:$0x3FAB]  }
0x28: {  	s2 =	sld [smem:$0x3FAC]  }
0x29: {  	s4 =	sld [smem:$0x3FAE]  }
0x2a: {  	p0 =	seq.s32 s5, $0x0;
	s5 =	sld [smem:$0x3FAF]  }
0x2b: {  	s6 =	sld [smem:$0x3FB0]  }
0x2c: {  	s7 =	sld [smem:$0x3FB1]  }
0x2d: {  	s3 =	simm.s32 $0x108;
	s8 =	sld [smem:$0x3FB2]  }
0x2e: {  	s3 =	simm.s32 @!p0 $0x1082;
	s9 =	sld [smem:$0x3FB3]  }
0x2f: {  	lr =	sadd.s32 s0, s3;
	s0 =	sld [smem:$0x3FAA]  }
0x30: {  	s3 =	sld [smem:$0x3FAD]  }
0x31: {  	[smem:$0x3FB6] =	sst s10  }
0x32: {  	s10 =	sld [smem:$0x3FB4];
	_ =	sdelay $0x3  }
0x33: {  	p0 =	seq.s32 s10, $0x1;
	s10 =	sld [smem:$0x3FB6];
	_ =	sdelay $0x3  }
0x34: {  	[smem:$0x3FB6] =	sst s10  }
0x35: {  	s10 =	sld [smem:$0x3FB5];
	_ =	sdelay $0x3  }
0x36: {  	p1 =	seq.s32 s10, $0x1;
	s10 =	sld [smem:$0x3FB6];
	_ =	sdelay $0x3  }
0x37: {  	[smem:$0x3FB6] =	sst s10  }
0x38: {  	s10 =	sld [smem:$0x3FB7]  }
0x39: {  	_ = 	snop;
	(pc) =	sbr.ind lr, $3  }
0x3a: {  	_ = 	snop  }
0x3b: {  	_ = 	snop  }
0x3c: {  	p2 =	seq.s32 s10, $0x1;
	s10 =	sld [smem:$0x3FB6]  }
0x3d: {  	_ =	shalt  }
0x3e: {  	_ =	shalt  }
0x3f: {  	_ =	shalt  }
0x40: {  	_ =	shalt  }
0x41: {  	_ =	shalt  }
0x42: {  	_ =	shalt  }
0x43: {  	_ =	shalt  }
0x44: {  	_ =	shalt  }
0x45: {  	_ =	shalt  }
0x46: {  	_ =	shalt  }
0x47: {  	_ =	shalt  }
0x48: {  	_ =	shalt  }
0x49: {  	_ =	shalt  }
0x4a: {  	_ =	shalt  }
0x4b: {  	_ =	shalt  }
0x4c: {  	_ =	shalt  }
0x4d: {  	_ =	shalt  }
0x4e: {  	_ =	shalt  }
0x4f: {  	_ =	shalt  }
0x50: {  	_ =	shalt  }
0x51: {  	_ =	shalt  }
0x52: {  	_ =	shalt  }
0x53: {  	_ =	shalt  }
0x54: {  	_ =	shalt  }
0x55: {  	_ =	shalt  }
0x56: {  	_ =	shalt  }
0x57: {  	_ =	shalt  }
0x58: {  	_ =	shalt  }
0x59: {  	_ =	shalt  }
0x5a: {  	_ =	shalt  }
0x5b: {  	_ =	shalt  }
0x5c: {  	_ =	shalt  }
0x5d: {  	_ =	shalt  }
0x5e: {  	_ =	shalt  }
0x5f: {  	_ =	shalt  }
0x60: {  	_ =	shalt  }
0x61: {  	_ =	shalt  }
0x62: {  	_ =	shalt  }
0x63: {  	_ =	shalt  }
0x64: {  	_ =	shalt  }
0x65: {  	_ =	shalt  }
0x66: {  	_ =	shalt  }
0x67: {  	_ =	shalt  }
0x68: {  	_ =	shalt  }
0x69: {  	_ =	shalt  }
0x6a: {  	_ =	shalt  }
0x6b: {  	_ =	shalt  }
0x6c: {  	_ =	shalt  }
0x6d: {  	_ =	shalt  }
0x6e: {  	_ =	shalt  }
0x6f: {  	_ =	shalt  }
0x70: {  	_ =	shalt  }
0x71: {  	_ =	shalt  }
0x72: {  	_ =	shalt  }
0x73: {  	_ =	shalt  }
0x74: {  	_ =	shalt  }
0x75: {  	_ =	shalt  }
0x76: {  	_ =	shalt  }
0x77: {  	_ =	shalt  }
0x78: {  	_ =	shalt  }
0x79: {  	_ =	shalt  }
0x7a: {  	_ =	shalt  }
0x7b: {  	_ =	shalt  }
0x7c: {  	_ =	shalt  }
0x7d: {  	_ =	shalt  }
0x7e: {  	_ =	shalt  }
0x7f: {  	_ =	shalt  }
0x80: {  	_ =	shalt  }
0x81: {  	_ =	shalt  }
0x82: {  	_ =	shalt  }
0x83: {  	_ =	shalt  }
0x84: {  	_ =	shalt  }
0x85: {  	_ =	shalt  }
0x86: {  	_ =	shalt  }
0x87: {  	_ =	shalt  }
.Lfunc_end0:
.L_simem_size_0:
called_computation_lowered:
.L_overlay_start_0:
0x88: {  	s2 =	sld [smem:$0x3FD9]  }
0x89: {  	s3 =	sld [smem:$0x3FFE];
	_ =	sdelay $0x1  }
0x8a: {  	s1 =	srdreg.scid  }
0x8b: {  	s0 =	sand.u32 $0x1, s1  }
0x8c: {  	s17 =	sshll.u32 s0, $0xA;
	s2 =	sadd.s32 s3, s2  }
0x8d: {  	s2 =	sadd.s32 s2, s17  }
0x8e: {  	[smem:$0x3FC2] =	sst s2  }
0x8f: {  	_ = 	snop  }
0x90: {  	s2 =	sld [smem:$0x3FD0];
	(tm) =	ssettm $0x1  }
0x91: {  	s18 =	sld [smem:$0x3FFB];
	_ =	sdelay $0x3  }
0x92: {  	_ =	strace s18  }
0x93: {  	s3 =	sld [smem:$0x3FFC];
	_ =	sdelay $0x3  }
0x94: {  	_ =	strace s3  }
0x95: {  	s3 =	sld [smem:$0x3FFD];
	_ =	sdelay $0x3  }
0x96: {  	_ =	strace s3  }
0x97: {  	_ =	strace $0x8FFFFFFF  }
0x98: {  	s19 =	sld [smem:$0x3FDB];
	_ =	sdelay $0x1  }
0x99: {  	s4 =	simm.s32 $_scs_section_size  }
0x9a: {  	s5 =	simm.s32 $_size__tile_overlayer_lowered;
	s6 =	simm.s32 $_tile_overlayer_lowered  }
0x9b: {  	s22 =	simm.s32 $0x1BFF;
	s21 =	sshll.u32 s6, $0x1;
	s3 =	sadd.s32 s4, s19  }
0x9c: {  	s7 =	simm.s32 $0x0;
	s20 =	sshll.u32 s5, $0x1;
	s5 =	sadd.s32 s21, s3  }
0x9d: {  	[timem:s7], [sflag:s22] =	dma.local [hbm:s5], s20  }
0x9e: {  	_ =	swait.ge [sflag:s22], s20  }
0x9f: {  	s4 =	ssub.s32 $0x0, s20;
	[sflag:s22] =	ssyncset.done $0x0  }
0xa0: {  	[sflag:s22] =	ssyncadd.s32 s4;
	_ =	sdelay $0x1  }
0xa1: {  	s23 =	simm.s32 $0x1B8B  }
0xa2: {  	_ =	swait.ge [sflag:s23], $0x1  }
0xa3: {  	[sflag:s23] =	ssyncset.done $0x0  }
0xa4: {  	s25 =	simm.s32 $0x1B8E;
	s24 =	sld [smem:$0x3FFE];
	[sflag:s23] =	ssyncadd.s32 $0xFFFFFFFF  }
0xa5: {  	s26 =	simm.s32 $execute0_lowered;
	[smem:$0x3FD2] =	sst s25  }
0xa6: {  	s5 =	sshll.u32 s26, $0x1;
	_ =	strace $0x80000046;
	[dreg:$0x1] =	wrdreg $0xFFFFFFFF  }
0xa7: {  	s28 =	simm.s32 $_size_execute0_lowered;
	s3 =	sadd.s32 s3, s5;
	[dreg:$0x0] =	wrdreg $0x0  }
0xa8: {  	s5 =	sshll.u32 s28, $0x1;
	[dreg:$0x2] =	wrdreg s3  }
0xa9: {  	[dreg:$0x3] =	wrdreg s5  }
0xaa: {  	[dreg:$0x4] =	wrdreg $0xC0  }
0xab: {  	_ =	task [dreg:s7], $0x5FFFF  }
0xac: {  	[dreg:$0x1] =	wrdreg $0xFFFFFFFF  }
0xad: {  	[dreg:$0x0] =	wrdreg $0x60  }
0xae: {  	[dreg:$0x2] =	wrdreg s2  }
0xaf: {  	[dreg:$0x3] =	wrdreg s24  }
0xb0: {  	[dreg:$0x4] =	wrdreg $0x2C100  }
0xb1: {  	[dreg:$0x5] =	wrdreg $0x9  }
0xb2: {  	_ =	task.clear_ibuf [dreg:s7], $0x6FFFF;
	_ =	strace $0x90000046  }
0xb3: {  	s29 =	simm.s32 $0x9;
	_ =	strace $0x80000048  }
0xb4: {  	_ =	swait.ge [sflag:s29], $0x1  }
0xb5: {  	[sflag:s29] =	ssyncadd.s32 $0xFFFFFFFF  }
0xb6: {  	_ =	strace $0x90000048  }
0xb7: {  	_ =	sfence  }
0xb8: {  	s30 =	sld [smem:$0x0];
	_ =	sdelay $0x2  }
0xb9: {  	s31 =	sshll.u32 s1, $0xD;
	s1 =	sshrl.u32 s1, $0x2  }
0xba: {  	s3 =	sand.u32 $0x4000, s31;
	s1 =	sadd.s32 s1, s30  }
0xbb: {  	s0 =	sor.u32 s3, s0;
	s1 =	sshll.u32 s1, $0x11  }
0xbc: {  	s0 =	sor.u32 s1, s0  }
0xbd: {  	s0 =	sadd.s32 $0x8F2B, s0  }
0xbe: {  	[sflag:s0] =	ssyncadd.remote.s32 $0x1  }
0xbf: {  	_ =	sfence.sel $0xFFFF  }
0xc0: {  	[dreg:$0x0] =	wrdreg $0xFFFFFFFF;
	(pc) =	sbr.abs _section_cstart, $3  }
0xc1: {  	[dreg:$0x1] =	wrdreg $0xFFFFFFFF  }
0xc2: {  	_ =	task.clear_ibuf [dreg:s7], $0x2FFFF;
	_ =	strace $0x9FFFFFFF  }
0xc3: {  	(tm) =	ssettm $0x7FFFFFFF  }
tec
execute0_lowered:
.L_overlay_start_1:
0x0: {  	(tag) =	ssettag $0x1  }
0x1: {  	s7 =	rddreg [dreg:$0x0]  }
0x2: {  	s5 =	rddreg [dreg:$0x1]  }
0x3: {  	s2 =	rddreg [dreg:$0x2]  }
0x4: {  	s0 =	rddreg [dreg:$0x3];
	s3 =	simm.s32 $0x0;
	s1 =	stileid.u32  }
0x5: {  	s4 =	srdreg.scid;
	s13 =	simm.s32 $0x50;
	s14 =	simm.s32 $0x1  }
0x6: {  	s15 =	simm.s32 $0x0;
	[smem:$0x7FF] =	sst s3;
	s6 =	smul.u32 $0x2800, s1  }
0x7: {  	s8 =	sand.u32 $0x1, s4;
	s4 =	sadd.s32 $0x2C00, s5;
	s11 =	sshll.u32 s1, $0x1  }
0x8: {  	s31 =	sshll.u32 s1, $0x6;
	_ =	strace $0x80000047;
	s9 =	smul.u32 $0x28000, s8  }
0x9: {  	s12 =	ssub.s32 $0x2, s8;
	s8 =	sor.u32 s8, s11;
	s10 =	sshrl.u32 s6, $0x3  }
0xa: {  	s29 =	sshrl.u32 s12, $0x1;
	s8 =	smul.u32 $0x2710, s8;
	s30 =	sadd.s32 s6, s2  }
0xb: {  	s9 =	sadd.s32 s6, s9;
	s10 =	sadd.s32 s10, s5;
	s11 =	ssub.s32 s12, s29  }
0xc: {  	s6 =	sor.u32 $0x1C02, s31;
	s9 =	sshrl.u32 s9, $0x3;
	s8 =	sshrl.u32 s8, $0x3  }
0xd: {  	s12 =	simm.s32 $0x2710;
	s9 =	sadd.s32 s9, s5;
	s7 =	sadd.s32 s7, s8  }
0xe: {  	s5 =	sadd.s32 $0x2E00, s10;
	s10 =	sshrl.u32 s30, $0x3;
	s7 =	sadd.s32 $0x9C40, s7  }
0xf: {  	s8 =	sadd.s32 $0x7E00, s9;
	s9 =	smax.u32 s11, $0x1;
	s11 =	simm.s32 $0x2  }
.LBB2_1:
0x10: {  	[spmem:s10], [sflag:s6] =	dma.local [hbm:s5], $0x500  }
0x11: {  	_ =	swait.ge [sflag:s11], $0x500  }
0x12: {  	[sflag:s11] =	ssyncset.done $0x0  }
0x13: {  	[sflag:s11] =	ssyncadd.s32 $0xFFFFFB00  }
0x14: {  	[tilespmem:s3], [sflag:$0x2] =	stream.linear.gather [hbm4b:s7+s3], $0x2710, $0x38;
	[tilespmem:$0x5410] =	vst v63  }
0x15: {  	_ =	swait.ge [sflag:s11], $0x2710  }
0x16: {  	[sflag:s11] =	ssyncset.done $0x0  }
0x17: {  	[sflag:s11] =	ssyncadd.s32 $0xFFFFD8F0  }
0x18: {  	[tilespmem:s12], [sflag:$0x2] =	stream.linear.gather [hbm4b:s4+s3], $0x500, $0x38;
	[tilespmem:$0x5410] =	vst v63  }
0x19: {  	_ =	swait.ge [sflag:s11], $0x500  }
0x1a: {  	[sflag:s11] =	ssyncset.done $0x0  }
0x1b: {  	[sflag:s11] =	ssyncadd.s32 $0xFFFFFB00  }
0x1c: {  	s16 =	simm.s32 $0x0;
	[bflag:$0x0] =	sbarrier.arrive $0xFFFF  }
.LBB2_2:
0x1d: {  	p0 =	sne.s32 s16, $0x9B00  }
.Ltmp0:
0x1e: {  	_ = 	snop;
	(pc) =	sbr.rel @p0 .LBB2_2-.Ltmp0, $3  }
0x1f: {  	_ =	sdelay $0x1  }
0x20: {  	s17 =	sshra.s32 s16, $0x2;
	s16 =	sadd.s32 $0x140, s16  }
0x21: {  	[spmem:s2] =	stream.indirect.scatter.add.f32 [tilespmem:s12], [sflag:$0x1], $0x10, s17, s13, $0xb8;
	[tilespmem:$0x5410] =	vst v63  }
0x22: {  	_ =	swait.ge [sflag:s14], $0x500  }
0x23: {  	s16 =	simm.s32 $0x7C;
	[sflag:s14] =	ssyncset.done $0x0  }
.LBB2_4:
0x24: {  	p0 =	sne.s32 s16, $0x1;
	s16 =	sadd.s32 $0xFFFFFFFF, s16;
	[sflag:s14] =	ssyncadd.s32 $0xFFFFFB00  }
.Ltmp1:
0x25: {  	(pc) =	sbr.rel @p0 .LBB2_4-.Ltmp1, $3  }
0x26: {  	_ =	sdelay $0x1  }
0x27: {  	_ =	swait.ge [sflag:s14], $0x500  }
0x28: {  	[sflag:s14] =	ssyncset.done $0x0  }
0x29: {  	s15 =	sadd.s32 $0x1, s15  }
0x2a: {  	[sflag:s14] =	ssyncadd.s32 $0xFFFFFB00;
	p0 =	sne.s32 s15, s9  }
.Ltmp2:
0x2b: {  	[bflag:$0x0] =	sbarrier.arrive $0xFFFF;
	(pc) =	sbr.rel @p0 .LBB2_1-.Ltmp2, $4  }
0x2c: {  	[hbm:s8], [sflag:s6] =	dma.local [spmem:s10], $0x500  }
0x2d: {  	_ =	swait.ge [sflag:s11], $0x500  }
0x2e: {  	[sflag:s11] =	ssyncset.done $0x0  }
0x2f: {  	[sflag:s11] =	ssyncadd.s32 $0xFFFFFB00  }
0x30: {  	_ =	sfence.sel $0x180000  }
0x31: {  	[bflag:$0x0] =	sbarrier.arrive $0xFFFF  }
0x32: {  	p0 =	sne.s32 s1, $0x0;
	_ =	strace $0x90000047  }
0x33: {  	s0 =	sadd.s32 @!p0 $0x100000, s0;
	[bflag:$0x2] =	sbarrier.arrive $0xFFFF  }
0x34: {  	[sflag:s0] =	ssyncadd.tile.s32 @!p0 $0x1;
	_ =	shalt  }
.Lfunc_end2:
_tile_overlayer_lowered:
.L_overlay_start_2:
0x35: {  	(tag) =	ssettag $0x2  }
0x36: {  	s0 =	rddreg [dreg:$0x0];
	s2 =	stileid.u32  }
0x37: {  	s1 =	rddreg [dreg:$0x1];
	p0 =	sne.s32 s2, $0x0  }
0x38: {  	s3 =	rddreg [dreg:$0x2];
	[bflag:$0x3] =	sbarrier.arrive $0xFFFF;
	s2 =	simm.s32 @!p0 $0x1C02  }
0x39: {  	[timem:s3], [sflag:s2] =	dma.local @!p0 [hbm:s0], s1  }
0x3a: {  	s0 =	simm.s32 @!p0 $0x2  }
0x3b: {  	_ =	swait.ge @!p0 [sflag:s0], s1  }
0x3c: {  	s1 =	ssub.s32 @!p0 $0x0, s1;
	[sflag:s0] =	ssyncset.done @!p0 $0x0  }
0x3d: {  	[sflag:s0] =	ssyncadd.s32 @!p0 s1  }
0x3e: {  	[bflag:$0x3] =	sbarrier.arrive $0xFFFF  }
0x3f: {  	_ =	shalt  }

</sc_bundles>
